<compile_context>
chip_gen: v7x
topology: tpu7x:2x2x1
jax: 0.10.2.dev20260603
libtpu: 0.0.44.dev20260713+nightly
codegen_flags: <defaults>
</compile_context>

<pallas_src>
import jax
import jax.numpy as jnp
from jax import lax
from jax.experimental import pallas as pl
from jax.experimental.pallas import tpu as pltpu
from jax.experimental.pallas import tpu_sc as plsc

N = 10000
E = 320000
IN_F = 128
H = 4
F = 64
HF = H * F
NEG = 0.2

NC = 2
NS = 16
NW = NC * NS
EPW = E // NW
CH = 80
NCHUNK = EPW // CH
NPAD = 10240
RPT = NPAD // NS


def _sc_compiler_params():
    return pltpu.CompilerParams(
        needs_layout_passes=False, use_tc_tiling_on_sc=False
    )


def _proj_body(x_ref, w_ref, a_ref, feat_ref, eler_ref):
    feat = jnp.dot(x_ref[...], w_ref[...], preferred_element_type=jnp.float32)
    feat_ref[...] = feat
    eler_ref[...] = jnp.dot(feat, a_ref[...], preferred_element_type=jnp.float32)


def _project(x, W, A_lr):
    blk = 1000
    return pl.pallas_call(
        _proj_body,
        grid=(N // blk,),
        in_specs=[
            pl.BlockSpec((blk, IN_F), lambda i: (i, 0)),
            pl.BlockSpec((IN_F, HF), lambda i: (0, 0)),
            pl.BlockSpec((HF, 16), lambda i: (0, 0)),
        ],
        out_specs=[
            pl.BlockSpec((blk, HF), lambda i: (i, 0)),
            pl.BlockSpec((blk, 16), lambda i: (i, 0)),
        ],
        out_shape=[
            jax.ShapeDtypeStruct((N, HF), jnp.float32),
            jax.ShapeDtypeStruct((N, 16), jnp.float32),
        ],
    )(x, W, A_lr)


def _edge_logits_body(eler_hbm, src_hbm, dst_hbm, eexp_hbm, dpart_hbm,
                      els0_v, els1_v, erd0_v, erd1_v, src0_v, src1_v,
                      dst0_v, dst1_v, eexp4_v, eexp16_v, denom_sh,
                      semi0, semi1, semg0, semg1):
    c = lax.axis_index("c")
    s = lax.axis_index("s")
    wid = c * NS + s
    ebase = wid * EPW

    srcv = (src0_v, src1_v)
    dstv = (dst0_v, dst1_v)
    elsv = (els0_v, els1_v)
    erdv = (erd0_v, erd1_v)
    semi = (semi0, semi1)
    semg = (semg0, semg1)

    def idx_copies(k, b):
        base = ebase + k * CH
        return (
            pltpu.make_async_copy(src_hbm.at[pl.ds(base, CH)], srcv[b], semi[b]),
            pltpu.make_async_copy(dst_hbm.at[pl.ds(base, CH)], dstv[b], semi[b]),
        )

    def gather_copies(b):
        return (
            pltpu.make_async_copy(eler_hbm.at[srcv[b]], elsv[b], semg[b]),
            pltpu.make_async_copy(eler_hbm.at[dstv[b]], erdv[b], semg[b]),
        )

    def issue(copies):
        for cp in copies:
            cp.start()

    def wait(copies):
        for cp in copies:
            cp.wait()

    def compute_and_store(k, b):
        base = ebase + k * CH

        @pl.loop(0, CH, step=16)
        def _(g):
            rows = lax.iota(jnp.int32, 16) + g
            for h in range(H):
                hv = jnp.full((16,), h, jnp.int32)
                hv4 = jnp.full((16,), h + 4, jnp.int32)
                el = plsc.load_gather(elsv[b], [rows, hv])
                er = plsc.load_gather(erdv[b], [rows, hv4])
                e = el + er
                e = jnp.maximum(e, NEG * e)
                ex = jnp.exp(e)
                plsc.store_scatter(eexp4_v, [rows, hv], ex)
                plsc.store_scatter(eexp16_v, [rows, hv], ex)

        pltpu.sync_copy(eexp16_v, denom_sh.at[dstv[b]], add=True)
        pltpu.sync_copy(eexp4_v, eexp_hbm.at[pl.ds(base, CH)])

    z16 = jnp.zeros((16,), jnp.float32)

    @pl.loop(0, CH)
    def _(i):
        eexp16_v[i, :] = z16

    @pl.loop(0, RPT // CH)
    def _(j):
        pltpu.sync_copy(eexp16_v, denom_sh.at[pl.ds(s * RPT + j * CH, CH)])

    plsc.subcore_barrier()

    issue(idx_copies(0, 0))
    wait(idx_copies(0, 0))
    issue(gather_copies(0))
    issue(idx_copies(1, 1))

    @pl.loop(0, NCHUNK - 1, step=2)
    def _(k):
        for b in (0, 1):
            kk = k + b
            wait(gather_copies(b))
            wait(idx_copies(kk + 1, 1 - b))
            issue(gather_copies(1 - b))
            compute_and_store(kk, b)

            @pl.when(kk + 2 < NCHUNK)
            def _():
                issue(idx_copies(kk + 2, b))

    wait(gather_copies(0))
    compute_and_store(NCHUNK - 1, 0)

    plsc.subcore_barrier()
    pltpu.sync_copy(denom_sh.at[pl.ds(s * RPT, RPT)],
                    dpart_hbm.at[c, pl.ds(s * RPT, RPT)])


def _edge_logits(eler, src, dst):
    mesh = plsc.VectorSubcoreMesh(core_axis_name="c", subcore_axis_name="s")
    return pl.kernel(
        _edge_logits_body,
        out_type=[
            jax.ShapeDtypeStruct((E, H), jnp.float32),
            jax.ShapeDtypeStruct((NC, NPAD, 16), jnp.float32),
        ],
        mesh=mesh,
        scratch_types=[
            pltpu.VMEM((CH, 16), jnp.float32),
            pltpu.VMEM((CH, 16), jnp.float32),
            pltpu.VMEM((CH, 16), jnp.float32),
            pltpu.VMEM((CH, 16), jnp.float32),
            pltpu.VMEM((CH,), jnp.int32),
            pltpu.VMEM((CH,), jnp.int32),
            pltpu.VMEM((CH,), jnp.int32),
            pltpu.VMEM((CH,), jnp.int32),
            pltpu.VMEM((CH, H), jnp.float32),
            pltpu.VMEM((CH, 16), jnp.float32),
            pltpu.VMEM_SHARED((NPAD, 16), jnp.float32),
            pltpu.SemaphoreType.DMA,
            pltpu.SemaphoreType.DMA,
            pltpu.SemaphoreType.DMA,
            pltpu.SemaphoreType.DMA,
        ],
        compiler_params=_sc_compiler_params(),
    )(eler, src, dst)


def _invd_body(d_ref, o_ref):
    o_ref[...] = 1.0 / (d_ref[0] + d_ref[1] + 1e-9)


def _inv_denom(dpart):
    blk = 1000
    return pl.pallas_call(
        _invd_body,
        grid=(N // blk,),
        in_specs=[pl.BlockSpec((NC, blk, 16), lambda i: (0, i, 0))],
        out_specs=pl.BlockSpec((blk, 16), lambda i: (i, 0)),
        out_shape=jax.ShapeDtypeStruct((N, 16), jnp.float32),
    )(dpart)


def _aggregate_body(feat_hbm, src_hbm, dst_hbm, eexp_hbm, invd_hbm, opart_hbm,
                    iv0_v, iv1_v, src0_v, src1_v, dst0_v, dst1_v,
                    eexp0_v, eexp1_v, alpha_v, fbuf0_v, fbuf1_v, msg_v,
                    out_sh, semi0, semi1, semg0, semg1):
    c = lax.axis_index("c")
    s = lax.axis_index("s")
    wid = c * NS + s
    ebase = wid * EPW

    srcv = (src0_v, src1_v)
    dstv = (dst0_v, dst1_v)
    eexpv = (eexp0_v, eexp1_v)
    fbufv = (fbuf0_v, fbuf1_v)
    ivv = (iv0_v, iv1_v)
    semi = (semi0, semi1)
    semg = (semg0, semg1)

    def idx_copies(k, b):
        base = ebase + k * CH
        return (
            pltpu.make_async_copy(src_hbm.at[pl.ds(base, CH)], srcv[b], semi[b]),
            pltpu.make_async_copy(dst_hbm.at[pl.ds(base, CH)], dstv[b], semi[b]),
            pltpu.make_async_copy(eexp_hbm.at[pl.ds(base, CH)], eexpv[b], semi[b]),
        )

    def gather_copies(b):
        return (
            pltpu.make_async_copy(feat_hbm.at[srcv[b]], fbufv[b], semg[b]),
            pltpu.make_async_copy(invd_hbm.at[dstv[b]], ivv[b], semg[b]),
        )

    def issue(copies):
        for cp in copies:
            cp.start()

    def wait(copies):
        for cp in copies:
            cp.wait()

    def compute_and_scatter(b):
        @pl.loop(0, CH, step=16)
        def _(g):
            rows = lax.iota(jnp.int32, 16) + g
            for h in range(H):
                hv = jnp.full((16,), h, jnp.int32)
                ex = plsc.load_gather(eexpv[b], [rows, hv])
                iv = plsc.load_gather(ivv[b], [rows, hv])
                plsc.store_scatter(alpha_v, [rows, hv], ex * iv)

        @pl.loop(0, CH)
        def _(e):
            arow = alpha_v[e, :]
            a0 = arow[0]
            a1 = arow[1]
            a2 = arow[2]
            a3 = arow[3]
            for ci in range(4):
                acc = a0 * fbufv[b][e, pl.ds(0 * F + ci * 16, 16)]
                acc = acc + a1 * fbufv[b][e, pl.ds(1 * F + ci * 16, 16)]
                acc = acc + a2 * fbufv[b][e, pl.ds(2 * F + ci * 16, 16)]
                acc = acc + a3 * fbufv[b][e, pl.ds(3 * F + ci * 16, 16)]
                msg_v[e, pl.ds(ci * 16, 16)] = acc

        pltpu.sync_copy(msg_v, out_sh.at[dstv[b]], add=True)

    z16 = jnp.zeros((16,), jnp.float32)

    @pl.loop(0, CH)
    def _(i):
        for ci in range(4):
            msg_v[i, pl.ds(ci * 16, 16)] = z16

    @pl.loop(0, RPT // CH)
    def _(j):
        pltpu.sync_copy(msg_v, out_sh.at[pl.ds(s * RPT + j * CH, CH)])

    plsc.subcore_barrier()

    issue(idx_copies(0, 0))
    wait(idx_copies(0, 0))
    issue(gather_copies(0))
    issue(idx_copies(1, 1))

    @pl.loop(0, NCHUNK - 1, step=2)
    def _(k):
        for b in (0, 1):
            kk = k + b
            wait(gather_copies(b))
            wait(idx_copies(kk + 1, 1 - b))
            issue(gather_copies(1 - b))
            compute_and_scatter(b)

            @pl.when(kk + 2 < NCHUNK)
            def _():
                issue(idx_copies(kk + 2, b))

    wait(gather_copies(0))
    compute_and_scatter(0)

    plsc.subcore_barrier()
    pltpu.sync_copy(out_sh.at[pl.ds(s * RPT, RPT)],
                    opart_hbm.at[c, pl.ds(s * RPT, RPT)])


def _aggregate(feat, src, dst, eexp, invd):
    mesh = plsc.VectorSubcoreMesh(core_axis_name="c", subcore_axis_name="s")
    return pl.kernel(
        _aggregate_body,
        out_type=jax.ShapeDtypeStruct((NC, NPAD, F), jnp.float32),
        mesh=mesh,
        scratch_types=[
            pltpu.VMEM((CH, 16), jnp.float32),
            pltpu.VMEM((CH, 16), jnp.float32),
            pltpu.VMEM((CH,), jnp.int32),
            pltpu.VMEM((CH,), jnp.int32),
            pltpu.VMEM((CH,), jnp.int32),
            pltpu.VMEM((CH,), jnp.int32),
            pltpu.VMEM((CH, H), jnp.float32),
            pltpu.VMEM((CH, H), jnp.float32),
            pltpu.VMEM((CH, 16), jnp.float32),
            pltpu.VMEM((CH, HF), jnp.float32),
            pltpu.VMEM((CH, HF), jnp.float32),
            pltpu.VMEM((CH, F), jnp.float32),
            pltpu.VMEM_SHARED((NPAD, F), jnp.float32),
            pltpu.SemaphoreType.DMA,
            pltpu.SemaphoreType.DMA,
            pltpu.SemaphoreType.DMA,
            pltpu.SemaphoreType.DMA,
        ],
        compiler_params=_sc_compiler_params(),
    )(feat, src, dst, eexp, invd)


def _final_body(p_ref, b_ref, o_ref):
    sm = (p_ref[0] + p_ref[1]) * (1.0 / H)
    b = b_ref[...]
    mb = (b[:, 0:64] + b[:, 64:128] + b[:, 128:192] + b[:, 192:256]) * (1.0 / H)
    o_ref[...] = jnp.maximum(sm + mb, 0.0)


def _finalize(opart, bias2d):
    blk = 1000
    return pl.pallas_call(
        _final_body,
        grid=(N // blk,),
        in_specs=[
            pl.BlockSpec((NC, blk, F), lambda i: (0, i, 0)),
            pl.BlockSpec((1, HF), lambda i: (0, 0)),
        ],
        out_specs=pl.BlockSpec((blk, F), lambda i: (i, 0)),
        out_shape=jax.ShapeDtypeStruct((N, F), jnp.float32),
    )(opart, bias2d)


def kernel(x, edge_index, W, attn_l, attn_r, bias):
    src = edge_index[0].astype(jnp.int32)
    dst = edge_index[1].astype(jnp.int32)

    eye = jnp.eye(H, dtype=jnp.float32)
    Al = jnp.einsum("hf,hk->hfk", attn_l, eye).reshape(HF, H)
    Ar = jnp.einsum("hf,hk->hfk", attn_r, eye).reshape(HF, H)
    A_lr = jnp.concatenate(
        [Al, Ar, jnp.zeros((HF, 8), jnp.float32)], axis=1)

    feat, eler = _project(x, W, A_lr)
    eexp, dpart = _edge_logits(eler, src, dst)
    invd = _inv_denom(dpart[:, :N, :])
    opart = _aggregate(feat, src, dst, eexp, invd)
    return _finalize(opart[:, :N, :], bias.reshape(1, HF))

# --- scband reference (transcript-rebuilt; emitter-appended) ---
"""Pipeline reference for scband-gat-model-57578331570299 (READ-ONLY COPY).

The authoritative reference and input builder live on the scoring server;
editing this copy changes nothing except your own understanding.
"""

import jax, jax.numpy as jnp
import numpy as np

N_NODES = 10000
N_EDGES = 320000
IN_FEATS = 128
OUT_FEATS = 64
HEADS = 4
NEG_SLOPE = 0.2


def setup_inputs(seed: int = 0) -> dict:
    key = jax.random.key(seed)
    k1, k2, k3, k4, k5, k6, k7 = jax.random.split(key, 7)
    x = jax.random.normal(k1, (N_NODES, IN_FEATS), dtype=jnp.float32)
    src = jax.random.randint(k2, (N_EDGES,), 0, N_NODES, dtype=jnp.int64)
    dst = jax.random.randint(k3, (N_EDGES,), 0, N_NODES, dtype=jnp.int64)
    edge_index = jnp.stack([src, dst], axis=0)
    W = jax.random.normal(k4, (IN_FEATS, HEADS * OUT_FEATS), dtype=jnp.float32) * (1.0 / np.sqrt(IN_FEATS))
    attn_l = jax.random.normal(k5, (HEADS, OUT_FEATS), dtype=jnp.float32) * 0.1
    attn_r = jax.random.normal(k6, (HEADS, OUT_FEATS), dtype=jnp.float32) * 0.1
    bias = jnp.zeros((HEADS * OUT_FEATS,), dtype=jnp.float32)
    return {"x": x, "edge_index": edge_index, "W": W, "attn_l": attn_l, "attn_r": attn_r, "bias": bias}


def reference(x, edge_index, W, attn_l, attn_r, bias):
    # Single GATConv layer (DGL semantics), mean over heads, ReLU activation.
    N = x.shape[0]
    src = edge_index[0]
    dst = edge_index[1]
    # Linear projection -> per-head features
    feat = (x @ W).reshape(N, HEADS, OUT_FEATS)  # [N, H, F]
    # Attention logits
    el = jnp.sum(feat * attn_l[None, :, :], axis=-1)  # [N, H]
    er = jnp.sum(feat * attn_r[None, :, :], axis=-1)  # [N, H]
    e = el[src] + er[dst]                              # [E, H] (gather)
    e = jax.nn.leaky_relu(e, NEG_SLOPE)
    # Edge softmax per destination node
    e_max = jax.ops.segment_max(e, dst, num_segments=N)  # [N, H]
    e_max = jax.lax.stop_gradient(e_max)
    e_exp = jnp.exp(e - e_max[dst])
    denom = jax.ops.segment_sum(e_exp, dst, num_segments=N)  # [N, H]
    alpha = e_exp / (denom[dst] + 1e-9)                      # [E, H]
    # Weighted message aggregation (scatter-add)
    msg = feat[src] * alpha[:, :, None]                      # [E, H, F]
    rst = jax.ops.segment_sum(msg, dst, num_segments=N)      # [N, H, F]
    rst = rst + bias.reshape(1, HEADS, OUT_FEATS)
    # h.mean(1) then activation
    h = rst.mean(axis=1)
    return jax.nn.relu(h)

if __name__ == "__main__":
    import jax
    _d = setup_inputs()
    print(jax.jit(kernel)(*tuple(_d.values())))

</pallas_src>

<mosaic_0001>
#map = affine_map<(d0, d1) -> (0, 0)>
#map1 = affine_map<(d0, d1) -> (0)>
#map2 = affine_map<(d0, d1) -> (0, 0, 0)>
module attributes {stable_mosaic.version = 14 : i64} {
  func.func @_edge_logits_body(%arg0: i32, %arg1: i32, %arg2: memref<10000x16xf32, #tpu.memory_space<hbm>>, %arg3: memref<320000xi32, #tpu.memory_space<hbm>>, %arg4: memref<320000xi32, #tpu.memory_space<hbm>>, %arg5: memref<320000x4xf32, #tpu.memory_space<hbm>>, %arg6: memref<2x10240x16xf32, #tpu.memory_space<hbm>>, %arg7: memref<80x16xf32, #tpu.memory_space<vmem>>, %arg8: memref<80x16xf32, #tpu.memory_space<vmem>>, %arg9: memref<80x16xf32, #tpu.memory_space<vmem>>, %arg10: memref<80x16xf32, #tpu.memory_space<vmem>>, %arg11: memref<80xi32, #tpu.memory_space<vmem>>, %arg12: memref<80xi32, #tpu.memory_space<vmem>>, %arg13: memref<80xi32, #tpu.memory_space<vmem>>, %arg14: memref<80xi32, #tpu.memory_space<vmem>>, %arg15: memref<80x4xf32, #tpu.memory_space<vmem>>, %arg16: memref<80x16xf32, #tpu.memory_space<vmem>>, %arg17: memref<10240x16xf32, #tpu.memory_space<vmem_shared>>, %arg18: memref<!tpu.dma_semaphore, #tpu.memory_space<semaphore_mem>>, %arg19: memref<!tpu.dma_semaphore, #tpu.memory_space<semaphore_mem>>, %arg20: memref<!tpu.dma_semaphore, #tpu.memory_space<semaphore_mem>>, %arg21: memref<!tpu.dma_semaphore, #tpu.memory_space<semaphore_mem>>) attributes {dimension_semantics = [#tpu.dimension_semantics<core_parallel>, #tpu.dimension_semantics<subcore_parallel>], iteration_bounds = array<i64: 2, 16>, scalar_prefetch = 0 : i64, scratch_operands = 15 : i64, tpu.core_type = #tpu.core_type<sc_vector_subcore>, window_params = [{transform_indices = #map}, {transform_indices = #map1}, {transform_indices = #map1}, {transform_indices = #map}, {transform_indices = #map2}]} {
    %mul3A = arith.constant 16 : i32
    %mul3A_0 = arith.muli %arg0, %mul3A : i32
    %add3A = arith.addi %mul3A_0, %arg1 : i32
    %mul3A_1 = arith.constant 10000 : i32
    %mul3A_2 = arith.muli %add3A, %mul3A_1 : i32
    %broadcast_in_dim3A = arith.constant 0.000000e+00 : f32
    %broadcast_in_dim3A_3 = vector.broadcast %broadcast_in_dim3A : f32 to vector<16xf32>
    %scan3A = arith.constant 0 : i32
    %scan3A_4 = arith.constant 80 : i32
    %scan3A_5 = arith.addi %scan3A, %scan3A_4 : i32
    %scan3A_6 = arith.constant 1 : i32
    scf.for %scan3A_58 = %scan3A to %scan3A_5 step %scan3A_6  : i32 {
      %mul3A_59 = arith.constant 1 : i32
      %mul3A_60 = arith.muli %scan3A_58, %mul3A_59 : i32
      %add3A_61 = arith.constant 0 : i32
      %add3A_62 = arith.addi %add3A_61, %mul3A_60 : i32
      %swap3A = arith.index_cast %add3A_62 : i32 to index
      %swap3A_63 = arith.constant 0 : index
      %swap3A_64 = tpu.vector_load %arg16[%swap3A, %swap3A_63] {strides = array<i32>} : memref<80x16xf32, #tpu.memory_space<vmem>>, vector<16xf32>,
      tpu.vector_store %arg16[%swap3A, %swap3A_63], %broadcast_in_dim3A_3 {strides = array<i32>} : memref<80x16xf32, #tpu.memory_space<vmem>>, vector<16xf32>,
    }
    %scan3A_7 = arith.constant 80 : i32
    %scan3A_8 = arith.constant 0 : i32
    %scan3A_9 = arith.constant 8 : i32
    %scan3A_10 = arith.addi %scan3A_8, %scan3A_9 : i32
    %scan3A_11 = arith.constant 1 : i32
    scf.for %scan3A_58 = %scan3A_8 to %scan3A_10 step %scan3A_11  : i32 {
      %mul3A_59 = arith.constant 1 : i32
      %mul3A_60 = arith.muli %scan3A_58, %mul3A_59 : i32
      %add3A_61 = arith.constant 0 : i32
      %add3A_62 = arith.addi %add3A_61, %mul3A_60 : i32
      %mul3A_63 = arith.constant 640 : i32
      %mul3A_64 = arith.muli %arg1, %mul3A_63 : i32
      %mul3A_65 = arith.constant 80 : i32
      %mul3A_66 = arith.muli %add3A_62, %mul3A_65 : i32
      %add3A_67 = arith.addi %mul3A_64, %mul3A_66 : i32
      "tpu.region"() ({
        %run_scoped3A = tpu.sem_alloc : memref<!tpu.dma_semaphore, #tpu.memory_space<semaphore_mem>>
        %dma_start3A_68 = arith.constant 0 : i32
        %dma_start3A_69 = tpu.memref_slice %arg17[%add3A_67, %dma_start3A_68] : memref<10240x16xf32, #tpu.memory_space<vmem_shared>> -> memref<80x16xf32, #tpu.memory_space<vmem_shared>>
        %dma_start3A_70 = arith.constant 0 : i32
        %dma_start3A_71 = tpu.memref_slice %arg17[%add3A_67, %dma_start3A_70] : memref<10240x16xf32, #tpu.memory_space<vmem_shared>> -> memref<80x16xf32, #tpu.memory_space<vmem_shared>>
        tpu.enqueue_dma source(%arg16 : memref<80x16xf32, #tpu.memory_space<vmem>>) target(%dma_start3A_71 : memref<80x16xf32, #tpu.memory_space<vmem_shared>>) target_semaphore(%run_scoped3A : memref<!tpu.dma_semaphore, #tpu.memory_space<semaphore_mem>>)
        %dma_wait3A_72 = arith.constant 0 : i32
        %dma_wait3A_73 = tpu.memref_slice %arg17[%add3A_67, %dma_wait3A_72] : memref<10240x16xf32, #tpu.memory_space<vmem_shared>> -> memref<80x16xf32, #tpu.memory_space<vmem_shared>>
        %dma_wait3A_74 = arith.constant 0 : i32
        %dma_wait3A_75 = tpu.memref_slice %arg17[%add3A_67, %dma_wait3A_74] : memref<10240x16xf32, #tpu.memory_space<vmem_shared>> -> memref<80x16xf32, #tpu.memory_space<vmem_shared>>
        tpu.wait_dma2 semaphore(%run_scoped3A : memref<!tpu.dma_semaphore, #tpu.memory_space<semaphore_mem>>) src(%arg16 : memref<80x16xf32, #tpu.memory_space<vmem>>) dst(%dma_wait3A_75 : memref<80x16xf32, #tpu.memory_space<vmem_shared>>)
        tpu.yield
      }) : () -> ()
    }
    %scan3A_12 = arith.constant 8 : i32
    %barrier3A = arith.constant 0 : index
    tpu.barrier barrier_id(%barrier3A)
    %add3A_13 = arith.constant 0 : i32
    %add3A_14 = arith.addi %mul3A_2, %add3A_13 : i32
    %dma_start3A = tpu.memref_slice %arg3[%add3A_14] : memref<320000xi32, #tpu.memory_space<hbm>> -> memref<80xi32, #tpu.memory_space<hbm>>
    %dma_start3A_15 = tpu.memref_slice %arg3[%add3A_14] : memref<320000xi32, #tpu.memory_space<hbm>> -> memref<80xi32, #tpu.memory_space<hbm>>
    tpu.enqueue_dma source(%dma_start3A_15 : memref<80xi32, #tpu.memory_space<hbm>>) target(%arg11 : memref<80xi32, #tpu.memory_space<vmem>>) target_semaphore(%arg18 : memref<!tpu.dma_semaphore, #tpu.memory_space<semaphore_mem>>)
    %dma_start3A_16 = tpu.memref_slice %arg4[%add3A_14] : memref<320000xi32, #tpu.memory_space<hbm>> -> memref<80xi32, #tpu.memory_space<hbm>>
    %dma_start3A_17 = tpu.memref_slice %arg4[%add3A_14] : memref<320000xi32, #tpu.memory_space<hbm>> -> memref<80xi32, #tpu.memory_space<hbm>>
    tpu.enqueue_dma source(%dma_start3A_17 : memref<80xi32, #tpu.memory_space<hbm>>) target(%arg13 : memref<80xi32, #tpu.memory_space<vmem>>) target_semaphore(%arg18 : memref<!tpu.dma_semaphore, #tpu.memory_space<semaphore_mem>>)
    %add3A_18 = arith.constant 0 : i32
    %add3A_19 = arith.addi %mul3A_2, %add3A_18 : i32
    %dma_wait3A = tpu.memref_slice %arg3[%add3A_19] : memref<320000xi32, #tpu.memory_space<hbm>> -> memref<80xi32, #tpu.memory_space<hbm>>
    %dma_wait3A_20 = tpu.memref_slice %arg3[%add3A_19] : memref<320000xi32, #tpu.memory_space<hbm>> -> memref<80xi32, #tpu.memory_space<hbm>>
    tpu.wait_dma2 semaphore(%arg18 : memref<!tpu.dma_semaphore, #tpu.memory_space<semaphore_mem>>) src(%dma_wait3A_20 : memref<80xi32, #tpu.memory_space<hbm>>) dst(%arg11 : memref<80xi32, #tpu.memory_space<vmem>>)
    %dma_wait3A_21 = tpu.memref_slice %arg4[%add3A_19] : memref<320000xi32, #tpu.memory_space<hbm>> -> memref<80xi32, #tpu.memory_space<hbm>>
    %dma_wait3A_22 = tpu.memref_slice %arg4[%add3A_19] : memref<320000xi32, #tpu.memory_space<hbm>> -> memref<80xi32, #tpu.memory_space<hbm>>
    tpu.wait_dma2 semaphore(%arg18 : memref<!tpu.dma_semaphore, #tpu.memory_space<semaphore_mem>>) src(%dma_wait3A_22 : memref<80xi32, #tpu.memory_space<hbm>>) dst(%arg13 : memref<80xi32, #tpu.memory_space<vmem>>)
    %dma_start3A_23 = arith.constant 0 : i32
    %dma_start3A_24 = arith.constant 0 : i32
    %dma_start3A_25 = tpu.memref_slice %arg2[%dma_start3A_23, %dma_start3A_24] : memref<10000x16xf32, #tpu.memory_space<hbm>> -> memref<10000x16xf32, #tpu.memory_space<hbm>>
    tpu.enqueue_indirect_dma source(%dma_start3A_25 : memref<10000x16xf32, #tpu.memory_space<hbm>>) target(%arg7 : memref<80x16xf32, #tpu.memory_space<vmem>>) offsets(%arg11 : memref<80xi32, #tpu.memory_space<vmem>>) semaphore(%arg20 : memref<!tpu.dma_semaphore, #tpu.memory_space<semaphore_mem>>)
    %dma_start3A_26 = arith.constant 0 : i32
    %dma_start3A_27 = arith.constant 0 : i32
    %dma_start3A_28 = tpu.memref_slice %arg2[%dma_start3A_26, %dma_start3A_27] : memref<10000x16xf32, #tpu.memory_space<hbm>> -> memref<10000x16xf32, #tpu.memory_space<hbm>>
    tpu.enqueue_indirect_dma source(%dma_start3A_28 : memref<10000x16xf32, #tpu.memory_space<hbm>>) target(%arg9 : memref<80x16xf32, #tpu.memory_space<vmem>>) offsets(%arg13 : memref<80xi32, #tpu.memory_space<vmem>>) semaphore(%arg20 : memref<!tpu.dma_semaphore, #tpu.memory_space<semaphore_mem>>)
    %add3A_29 = arith.constant 80 : i32
    %add3A_30 = arith.addi %mul3A_2, %add3A_29 : i32
    %dma_start3A_31 = tpu.memref_slice %arg3[%add3A_30] : memref<320000xi32, #tpu.memory_space<hbm>> -> memref<80xi32, #tpu.memory_space<hbm>>
    %dma_start3A_32 = tpu.memref_slice %arg3[%add3A_30] : memref<320000xi32, #tpu.memory_space<hbm>> -> memref<80xi32, #tpu.memory_space<hbm>>
    tpu.enqueue_dma source(%dma_start3A_32 : memref<80xi32, #tpu.memory_space<hbm>>) target(%arg12 : memref<80xi32, #tpu.memory_space<vmem>>) target_semaphore(%arg19 : memref<!tpu.dma_semaphore, #tpu.memory_space<semaphore_mem>>)
    %dma_start3A_33 = tpu.memref_slice %arg4[%add3A_30] : memref<320000xi32, #tpu.memory_space<hbm>> -> memref<80xi32, #tpu.memory_space<hbm>>
    %dma_start3A_34 = tpu.memref_slice %arg4[%add3A_30] : memref<320000xi32, #tpu.memory_space<hbm>> -> memref<80xi32, #tpu.memory_space<hbm>>
    tpu.enqueue_dma source(%dma_start3A_34 : memref<80xi32, #tpu.memory_space<hbm>>) target(%arg14 : memref<80xi32, #tpu.memory_space<vmem>>) target_semaphore(%arg19 : memref<!tpu.dma_semaphore, #tpu.memory_space<semaphore_mem>>)
    %scan3A_35 = arith.constant 0 : i32
    %scan3A_36 = arith.constant 62 : i32
    %scan3A_37 = arith.addi %scan3A_35, %scan3A_36 : i32
    %scan3A_38 = arith.constant 1 : i32
    scf.for %scan3A_58 = %scan3A_35 to %scan3A_37 step %scan3A_38  : i32 {
      %mul3A_59 = arith.constant 2 : i32
      %mul3A_60 = arith.muli %scan3A_58, %mul3A_59 : i32
      %add3A_61 = arith.constant 0 : i32
      %add3A_62 = arith.addi %add3A_61, %mul3A_60 : i32
      %add3A_63 = arith.constant 0 : i32
      %add3A_64 = arith.addi %add3A_62, %add3A_63 : i32
      %dma_wait3A_65 = arith.constant 0 : i32
      %dma_wait3A_66 = arith.constant 0 : i32
      %dma_wait3A_67 = tpu.memref_slice %arg2[%dma_wait3A_65, %dma_wait3A_66] : memref<10000x16xf32, #tpu.memory_space<hbm>> -> memref<10000x16xf32, #tpu.memory_space<hbm>>
      tpu.wait_indirect_dma semaphore(%arg20 : memref<!tpu.dma_semaphore, #tpu.memory_space<semaphore_mem>>) src(%dma_wait3A_67 : memref<10000x16xf32, #tpu.memory_space<hbm>>) dst(%arg7 : memref<80x16xf32, #tpu.memory_space<vmem>>)
      %dma_wait3A_68 = arith.constant 0 : i32
      %dma_wait3A_69 = arith.constant 0 : i32
      %dma_wait3A_70 = tpu.memref_slice %arg2[%dma_wait3A_68, %dma_wait3A_69] : memref<10000x16xf32, #tpu.memory_space<hbm>> -> memref<10000x16xf32, #tpu.memory_space<hbm>>
      tpu.wait_indirect_dma semaphore(%arg20 : memref<!tpu.dma_semaphore, #tpu.memory_space<semaphore_mem>>) src(%dma_wait3A_70 : memref<10000x16xf32, #tpu.memory_space<hbm>>) dst(%arg9 : memref<80x16xf32, #tpu.memory_space<vmem>>)
      %add3A_71 = arith.constant 1 : i32
      %add3A_72 = arith.addi %add3A_64, %add3A_71 : i32
      %mul3A_73 = arith.constant 80 : i32
      %mul3A_74 = arith.muli %add3A_72, %mul3A_73 : i32
      %add3A_75 = arith.addi %mul3A_2, %mul3A_74 : i32
      %dma_wait3A_76 = tpu.memref_slice %arg3[%add3A_75] : memref<320000xi32, #tpu.memory_space<hbm>> -> memref<80xi32, #tpu.memory_space<hbm>>
      %dma_wait3A_77 = tpu.memref_slice %arg3[%add3A_75] : memref<320000xi32, #tpu.memory_space<hbm>> -> memref<80xi32, #tpu.memory_space<hbm>>
      tpu.wait_dma2 semaphore(%arg19 : memref<!tpu.dma_semaphore, #tpu.memory_space<semaphore_mem>>) src(%dma_wait3A_77 : memref<80xi32, #tpu.memory_space<hbm>>) dst(%arg12 : memref<80xi32, #tpu.memory_space<vmem>>)
      %dma_wait3A_78 = tpu.memref_slice %arg4[%add3A_75] : memref<320000xi32, #tpu.memory_space<hbm>> -> memref<80xi32, #tpu.memory_space<hbm>>
      %dma_wait3A_79 = tpu.memref_slice %arg4[%add3A_75] : memref<320000xi32, #tpu.memory_space<hbm>> -> memref<80xi32, #tpu.memory_space<hbm>>
      tpu.wait_dma2 semaphore(%arg19 : memref<!tpu.dma_semaphore, #tpu.memory_space<semaphore_mem>>) src(%dma_wait3A_79 : memref<80xi32, #tpu.memory_space<hbm>>) dst(%arg14 : memref<80xi32, #tpu.memory_space<vmem>>)
      %dma_start3A_80 = arith.constant 0 : i32
      %dma_start3A_81 = arith.constant 0 : i32
      %dma_start3A_82 = tpu.memref_slice %arg2[%dma_start3A_80, %dma_start3A_81] : memref<10000x16xf32, #tpu.memory_space<hbm>> -> memref<10000x16xf32, #tpu.memory_space<hbm>>
      tpu.enqueue_indirect_dma source(%dma_start3A_82 : memref<10000x16xf32, #tpu.memory_space<hbm>>) target(%arg8 : memref<80x16xf32, #tpu.memory_space<vmem>>) offsets(%arg12 : memref<80xi32, #tpu.memory_space<vmem>>) semaphore(%arg21 : memref<!tpu.dma_semaphore, #tpu.memory_space<semaphore_mem>>)
      %dma_start3A_83 = arith.constant 0 : i32
      %dma_start3A_84 = arith.constant 0 : i32
      %dma_start3A_85 = tpu.memref_slice %arg2[%dma_start3A_83, %dma_start3A_84] : memref<10000x16xf32, #tpu.memory_space<hbm>> -> memref<10000x16xf32, #tpu.memory_space<hbm>>
      tpu.enqueue_indirect_dma source(%dma_start3A_85 : memref<10000x16xf32, #tpu.memory_space<hbm>>) target(%arg10 : memref<80x16xf32, #tpu.memory_space<vmem>>) offsets(%arg14 : memref<80xi32, #tpu.memory_space<vmem>>) semaphore(%arg21 : memref<!tpu.dma_semaphore, #tpu.memory_space<semaphore_mem>>)
      %mul3A_86 = arith.constant 80 : i32
      %mul3A_87 = arith.muli %add3A_64, %mul3A_86 : i32
      %add3A_88 = arith.addi %mul3A_2, %mul3A_87 : i32
      %scan3A_89 = arith.constant 0 : i32
      %scan3A_90 = arith.constant 5 : i32
      %scan3A_91 = arith.addi %scan3A_89, %scan3A_90 : i32
      %scan3A_92 = arith.constant 1 : i32
      scf.for %scan3A_136 = %scan3A_89 to %scan3A_91 step %scan3A_92  : i32 {
        %mul3A_137 = arith.constant 16 : i32
        %mul3A_138 = arith.muli %scan3A_136, %mul3A_137 : i32
        %add3A_139 = arith.constant 0 : i32
        %add3A_140 = arith.addi %add3A_139, %mul3A_138 : i32
        %iota3A = tpu.iota {dimensions = array<i32: 0>} : vector<16xi32>
        %add3A_141 = vector.broadcast %add3A_140 : i32 to vector<16xi32>
        %add3A_142 = arith.addi %iota3A, %add3A_141 : vector<16xi32>
        %broadcast_in_dim3A_143 = arith.constant 0 : i32
        %broadcast_in_dim3A_144 = vector.broadcast %broadcast_in_dim3A_143 : i32 to vector<16xi32>
        %broadcast_in_dim3A_145 = arith.constant 4 : i32
        %broadcast_in_dim3A_146 = vector.broadcast %broadcast_in_dim3A_145 : i32 to vector<16xi32>
        %gather3A = tpu.vector_load_idx %arg7[%add3A_142, %broadcast_in_dim3A_144] : memref<80x16xf32, #tpu.memory_space<vmem>>[vector<16xi32>, vector<16xi32>], vector<16xf32>,
        %gather3A_147 = tpu.vector_load_idx %arg9[%add3A_142, %broadcast_in_dim3A_146] : memref<80x16xf32, #tpu.memory_space<vmem>>[vector<16xi32>, vector<16xi32>], vector<16xf32>,
        %add3A_148 = arith.addf %gather3A, %gather3A_147 : vector<16xf32>
        %mul3A_149 = arith.constant 2.000000e-01 : f32
        %mul3A_150 = vector.broadcast %mul3A_149 : f32 to vector<16xf32>
        %mul3A_151 = arith.mulf %mul3A_150, %add3A_148 : vector<16xf32>
        %max3A = arith.maximumf %add3A_148, %mul3A_151 : vector<16xf32>
        %exp3A = math.exp %max3A : vector<16xf32>
        tpu.vector_store_idx %arg15[%add3A_142, %broadcast_in_dim3A_144], %exp3A : memref<80x4xf32, #tpu.memory_space<vmem>>[vector<16xi32>, vector<16xi32>], vector<16xf32>,
        tpu.vector_store_idx %arg16[%add3A_142, %broadcast_in_dim3A_144], %exp3A : memref<80x16xf32, #tpu.memory_space<vmem>>[vector<16xi32>, vector<16xi32>], vector<16xf32>,
        %broadcast_in_dim3A_152 = arith.constant 1 : i32
        %broadcast_in_dim3A_153 = vector.broadcast %broadcast_in_dim3A_152 : i32 to vector<16xi32>
        %broadcast_in_dim3A_154 = arith.constant 5 : i32
        %broadcast_in_dim3A_155 = vector.broadcast %broadcast_in_dim3A_154 : i32 to vector<16xi32>
        %gather3A_156 = tpu.vector_load_idx %arg7[%add3A_142, %broadcast_in_dim3A_153] : memref<80x16xf32, #tpu.memory_space<vmem>>[vector<16xi32>, vector<16xi32>], vector<16xf32>,
        %gather3A_157 = tpu.vector_load_idx %arg9[%add3A_142, %broadcast_in_dim3A_155] : memref<80x16xf32, #tpu.memory_space<vmem>>[vector<16xi32>, vector<16xi32>], vector<16xf32>,
        %add3A_158 = arith.addf %gather3A_156, %gather3A_157 : vector<16xf32>
        %mul3A_159 = arith.constant 2.000000e-01 : f32
        %mul3A_160 = vector.broadcast %mul3A_159 : f32 to vector<16xf32>
        %mul3A_161 = arith.mulf %mul3A_160, %add3A_158 : vector<16xf32>
        %max3A_162 = arith.maximumf %add3A_158, %mul3A_161 : vector<16xf32>
        %exp3A_163 = math.exp %max3A_162 : vector<16xf32>
        tpu.vector_store_idx %arg15[%add3A_142, %broadcast_in_dim3A_153], %exp3A_163 : memref<80x4xf32, #tpu.memory_space<vmem>>[vector<16xi32>, vector<16xi32>], vector<16xf32>,
        tpu.vector_store_idx %arg16[%add3A_142, %broadcast_in_dim3A_153], %exp3A_163 : memref<80x16xf32, #tpu.memory_space<vmem>>[vector<16xi32>, vector<16xi32>], vector<16xf32>,
        %broadcast_in_dim3A_164 = arith.constant 2 : i32
        %broadcast_in_dim3A_165 = vector.broadcast %broadcast_in_dim3A_164 : i32 to vector<16xi32>
        %broadcast_in_dim3A_166 = arith.constant 6 : i32
        %broadcast_in_dim3A_167 = vector.broadcast %broadcast_in_dim3A_166 : i32 to vector<16xi32>
        %gather3A_168 = tpu.vector_load_idx %arg7[%add3A_142, %broadcast_in_dim3A_165] : memref<80x16xf32, #tpu.memory_space<vmem>>[vector<16xi32>, vector<16xi32>], vector<16xf32>,
        %gather3A_169 = tpu.vector_load_idx %arg9[%add3A_142, %broadcast_in_dim3A_167] : memref<80x16xf32, #tpu.memory_space<vmem>>[vector<16xi32>, vector<16xi32>], vector<16xf32>,
        %add3A_170 = arith.addf %gather3A_168, %gather3A_169 : vector<16xf32>
        %mul3A_171 = arith.constant 2.000000e-01 : f32
        %mul3A_172 = vector.broadcast %mul3A_171 : f32 to vector<16xf32>
        %mul3A_173 = arith.mulf %mul3A_172, %add3A_170 : vector<16xf32>
        %max3A_174 = arith.maximumf %add3A_170, %mul3A_173 : vector<16xf32>
        %exp3A_175 = math.exp %max3A_174 : vector<16xf32>
        tpu.vector_store_idx %arg15[%add3A_142, %broadcast_in_dim3A_165], %exp3A_175 : memref<80x4xf32, #tpu.memory_space<vmem>>[vector<16xi32>, vector<16xi32>], vector<16xf32>,
        tpu.vector_store_idx %arg16[%add3A_142, %broadcast_in_dim3A_165], %exp3A_175 : memref<80x16xf32, #tpu.memory_space<vmem>>[vector<16xi32>, vector<16xi32>], vector<16xf32>,
        %broadcast_in_dim3A_176 = arith.constant 3 : i32
        %broadcast_in_dim3A_177 = vector.broadcast %broadcast_in_dim3A_176 : i32 to vector<16xi32>
        %broadcast_in_dim3A_178 = arith.constant 7 : i32
        %broadcast_in_dim3A_179 = vector.broadcast %broadcast_in_dim3A_178 : i32 to vector<16xi32>
        %gather3A_180 = tpu.vector_load_idx %arg7[%add3A_142, %broadcast_in_dim3A_177] : memref<80x16xf32, #tpu.memory_space<vmem>>[vector<16xi32>, vector<16xi32>], vector<16xf32>,
        %gather3A_181 = tpu.vector_load_idx %arg9[%add3A_142, %broadcast_in_dim3A_179] : memref<80x16xf32, #tpu.memory_space<vmem>>[vector<16xi32>, vector<16xi32>], vector<16xf32>,
        %add3A_182 = arith.addf %gather3A_180, %gather3A_181 : vector<16xf32>
        %mul3A_183 = arith.constant 2.000000e-01 : f32
        %mul3A_184 = vector.broadcast %mul3A_183 : f32 to vector<16xf32>
        %mul3A_185 = arith.mulf %mul3A_184, %add3A_182 : vector<16xf32>
        %max3A_186 = arith.maximumf %add3A_182, %mul3A_185 : vector<16xf32>
        %exp3A_187 = math.exp %max3A_186 : vector<16xf32>
        tpu.vector_store_idx %arg15[%add3A_142, %broadcast_in_dim3A_177], %exp3A_187 : memref<80x4xf32, #tpu.memory_space<vmem>>[vector<16xi32>, vector<16xi32>], vector<16xf32>,
        tpu.vector_store_idx %arg16[%add3A_142, %broadcast_in_dim3A_177], %exp3A_187 : memref<80x16xf32, #tpu.memory_space<vmem>>[vector<16xi32>, vector<16xi32>], vector<16xf32>,
      }
      %scan3A_93 = arith.constant 5 : i32
      "tpu.region"() ({
        %run_scoped3A = tpu.sem_alloc : memref<!tpu.dma_semaphore, #tpu.memory_space<semaphore_mem>>
        %dma_start3A_136 = arith.constant 0 : i32
        %dma_start3A_137 = arith.constant 0 : i32
        %dma_start3A_138 = tpu.memref_slice %arg17[%dma_start3A_136, %dma_start3A_137] : memref<10240x16xf32, #tpu.memory_space<vmem_shared>> -> memref<10240x16xf32, #tpu.memory_space<vmem_shared>>
        tpu.enqueue_indirect_dma source(%arg16 : memref<80x16xf32, #tpu.memory_space<vmem>>) target(%dma_start3A_138 : memref<10240x16xf32, #tpu.memory_space<vmem_shared>>) offsets(%arg13 : memref<80xi32, #tpu.memory_space<vmem>>) semaphore(%run_scoped3A : memref<!tpu.dma_semaphore, #tpu.memory_space<semaphore_mem>>) {add = true}
        %dma_wait3A_139 = arith.constant 0 : i32
        %dma_wait3A_140 = arith.constant 0 : i32
        %dma_wait3A_141 = tpu.memref_slice %arg17[%dma_wait3A_139, %dma_wait3A_140] : memref<10240x16xf32, #tpu.memory_space<vmem_shared>> -> memref<10240x16xf32, #tpu.memory_space<vmem_shared>>
        tpu.wait_indirect_dma semaphore(%run_scoped3A : memref<!tpu.dma_semaphore, #tpu.memory_space<semaphore_mem>>) src(%arg16 : memref<80x16xf32, #tpu.memory_space<vmem>>) dst(%dma_wait3A_141 : memref<10240x16xf32, #tpu.memory_space<vmem_shared>>)
        tpu.yield
      }) : () -> ()
      "tpu.region"() ({
        %run_scoped3A = tpu.sem_alloc : memref<!tpu.dma_semaphore, #tpu.memory_space<semaphore_mem>>
        %dma_start3A_136 = arith.constant 0 : i32
        %dma_start3A_137 = tpu.memref_slice %arg5[%add3A_88, %dma_start3A_136] : memref<320000x4xf32, #tpu.memory_space<hbm>> -> memref<80x4xf32, #tpu.memory_space<hbm>>
        %dma_start3A_138 = arith.constant 0 : i32
        %dma_start3A_139 = tpu.memref_slice %arg5[%add3A_88, %dma_start3A_138] : memref<320000x4xf32, #tpu.memory_space<hbm>> -> memref<80x4xf32, #tpu.memory_space<hbm>>
        tpu.enqueue_dma source(%arg15 : memref<80x4xf32, #tpu.memory_space<vmem>>) target(%dma_start3A_139 : memref<80x4xf32, #tpu.memory_space<hbm>>) target_semaphore(%run_scoped3A : memref<!tpu.dma_semaphore, #tpu.memory_space<semaphore_mem>>)
        %dma_wait3A_140 = arith.constant 0 : i32
        %dma_wait3A_141 = tpu.memref_slice %arg5[%add3A_88, %dma_wait3A_140] : memref<320000x4xf32, #tpu.memory_space<hbm>> -> memref<80x4xf32, #tpu.memory_space<hbm>>
        %dma_wait3A_142 = arith.constant 0 : i32
        %dma_wait3A_143 = tpu.memref_slice %arg5[%add3A_88, %dma_wait3A_142] : memref<320000x4xf32, #tpu.memory_space<hbm>> -> memref<80x4xf32, #tpu.memory_space<hbm>>
        tpu.wait_dma2 semaphore(%run_scoped3A : memref<!tpu.dma_semaphore, #tpu.memory_space<semaphore_mem>>) src(%arg15 : memref<80x4xf32, #tpu.memory_space<vmem>>) dst(%dma_wait3A_143 : memref<80x4xf32, #tpu.memory_space<hbm>>)
        tpu.yield
      }) : () -> ()
      %add3A_94 = arith.constant 2 : i32
      %add3A_95 = arith.addi %add3A_64, %add3A_94 : i32
      %lt3A = arith.constant 125 : i32
      %lt3A_96 = arith.cmpi slt, %add3A_95, %lt3A : i32
      %convert_element_type3A = arith.extui %lt3A_96 : i1 to i32
      %cond3A = arith.constant 0 : i32
      %cond3A_97 = arith.cmpi ne, %convert_element_type3A, %cond3A : i32
      scf.if %cond3A_97 {
        %add3A_136 = arith.constant 2 : i32
        %add3A_137 = arith.addi %add3A_64, %add3A_136 : i32
        %mul3A_138 = arith.constant 80 : i32
        %mul3A_139 = arith.muli %add3A_137, %mul3A_138 : i32
        %add3A_140 = arith.addi %mul3A_2, %mul3A_139 : i32
        %dma_start3A_141 = tpu.memref_slice %arg3[%add3A_140] : memref<320000xi32, #tpu.memory_space<hbm>> -> memref<80xi32, #tpu.memory_space<hbm>>
        %dma_start3A_142 = tpu.memref_slice %arg3[%add3A_140] : memref<320000xi32, #tpu.memory_space<hbm>> -> memref<80xi32, #tpu.memory_space<hbm>>
        tpu.enqueue_dma source(%dma_start3A_142 : memref<80xi32, #tpu.memory_space<hbm>>) target(%arg11 : memref<80xi32, #tpu.memory_space<vmem>>) target_semaphore(%arg18 : memref<!tpu.dma_semaphore, #tpu.memory_space<semaphore_mem>>)
        %dma_start3A_143 = tpu.memref_slice %arg4[%add3A_140] : memref<320000xi32, #tpu.memory_space<hbm>> -> memref<80xi32, #tpu.memory_space<hbm>>
        %dma_start3A_144 = tpu.memref_slice %arg4[%add3A_140] : memref<320000xi32, #tpu.memory_space<hbm>> -> memref<80xi32, #tpu.memory_space<hbm>>
        tpu.enqueue_dma source(%dma_start3A_144 : memref<80xi32, #tpu.memory_space<hbm>>) target(%arg13 : memref<80xi32, #tpu.memory_space<vmem>>) target_semaphore(%arg18 : memref<!tpu.dma_semaphore, #tpu.memory_space<semaphore_mem>>)
      } else {
      }
      %add3A_98 = arith.constant 1 : i32
      %add3A_99 = arith.addi %add3A_62, %add3A_98 : i32
      %dma_wait3A_100 = arith.constant 0 : i32
      %dma_wait3A_101 = arith.constant 0 : i32
      %dma_wait3A_102 = tpu.memref_slice %arg2[%dma_wait3A_100, %dma_wait3A_101] : memref<10000x16xf32, #tpu.memory_space<hbm>> -> memref<10000x16xf32, #tpu.memory_space<hbm>>
      tpu.wait_indirect_dma semaphore(%arg21 : memref<!tpu.dma_semaphore, #tpu.memory_space<semaphore_mem>>) src(%dma_wait3A_102 : memref<10000x16xf32, #tpu.memory_space<hbm>>) dst(%arg8 : memref<80x16xf32, #tpu.memory_space<vmem>>)
      %dma_wait3A_103 = arith.constant 0 : i32
      %dma_wait3A_104 = arith.constant 0 : i32
      %dma_wait3A_105 = tpu.memref_slice %arg2[%dma_wait3A_103, %dma_wait3A_104] : memref<10000x16xf32, #tpu.memory_space<hbm>> -> memref<10000x16xf32, #tpu.memory_space<hbm>>
      tpu.wait_indirect_dma semaphore(%arg21 : memref<!tpu.dma_semaphore, #tpu.memory_space<semaphore_mem>>) src(%dma_wait3A_105 : memref<10000x16xf32, #tpu.memory_space<hbm>>) dst(%arg10 : memref<80x16xf32, #tpu.memory_space<vmem>>)
      %add3A_106 = arith.constant 1 : i32
      %add3A_107 = arith.addi %add3A_99, %add3A_106 : i32
      %mul3A_108 = arith.constant 80 : i32
      %mul3A_109 = arith.muli %add3A_107, %mul3A_108 : i32
      %add3A_110 = arith.addi %mul3A_2, %mul3A_109 : i32
      %dma_wait3A_111 = tpu.memref_slice %arg3[%add3A_110] : memref<320000xi32, #tpu.memory_space<hbm>> -> memref<80xi32, #tpu.memory_space<hbm>>
      %dma_wait3A_112 = tpu.memref_slice %arg3[%add3A_110] : memref<320000xi32, #tpu.memory_space<hbm>> -> memref<80xi32, #tpu.memory_space<hbm>>
      tpu.wait_dma2 semaphore(%arg18 : memref<!tpu.dma_semaphore, #tpu.memory_space<semaphore_mem>>) src(%dma_wait3A_112 : memref<80xi32, #tpu.memory_space<hbm>>) dst(%arg11 : memref<80xi32, #tpu.memory_space<vmem>>)
      %dma_wait3A_113 = tpu.memref_slice %arg4[%add3A_110] : memref<320000xi32, #tpu.memory_space<hbm>> -> memref<80xi32, #tpu.memory_space<hbm>>
      %dma_wait3A_114 = tpu.memref_slice %arg4[%add3A_110] : memref<320000xi32, #tpu.memory_space<hbm>> -> memref<80xi32, #tpu.memory_space<hbm>>
      tpu.wait_dma2 semaphore(%arg18 : memref<!tpu.dma_semaphore, #tpu.memory_space<semaphore_mem>>) src(%dma_wait3A_114 : memref<80xi32, #tpu.memory_space<hbm>>) dst(%arg13 : memref<80xi32, #tpu.memory_space<vmem>>)
      %dma_start3A_115 = arith.constant 0 : i32
      %dma_start3A_116 = arith.constant 0 : i32
      %dma_start3A_117 = tpu.memref_slice %arg2[%dma_start3A_115, %dma_start3A_116] : memref<10000x16xf32, #tpu.memory_space<hbm>> -> memref<10000x16xf32, #tpu.memory_space<hbm>>
      tpu.enqueue_indirect_dma source(%dma_start3A_117 : memref<10000x16xf32, #tpu.memory_space<hbm>>) target(%arg7 : memref<80x16xf32, #tpu.memory_space<vmem>>) offsets(%arg11 : memref<80xi32, #tpu.memory_space<vmem>>) semaphore(%arg20 : memref<!tpu.dma_semaphore, #tpu.memory_space<semaphore_mem>>)
      %dma_start3A_118 = arith.constant 0 : i32
      %dma_start3A_119 = arith.constant 0 : i32
      %dma_start3A_120 = tpu.memref_slice %arg2[%dma_start3A_118, %dma_start3A_119] : memref<10000x16xf32, #tpu.memory_space<hbm>> -> memref<10000x16xf32, #tpu.memory_space<hbm>>
      tpu.enqueue_indirect_dma source(%dma_start3A_120 : memref<10000x16xf32, #tpu.memory_space<hbm>>) target(%arg9 : memref<80x16xf32, #tpu.memory_space<vmem>>) offsets(%arg13 : memref<80xi32, #tpu.memory_space<vmem>>) semaphore(%arg20 : memref<!tpu.dma_semaphore, #tpu.memory_space<semaphore_mem>>)
      %mul3A_121 = arith.constant 80 : i32
      %mul3A_122 = arith.muli %add3A_99, %mul3A_121 : i32
      %add3A_123 = arith.addi %mul3A_2, %mul3A_122 : i32
      %scan3A_124 = arith.constant 0 : i32
      %scan3A_125 = arith.constant 5 : i32
      %scan3A_126 = arith.addi %scan3A_124, %scan3A_125 : i32
      %scan3A_127 = arith.constant 1 : i32
      scf.for %scan3A_136 = %scan3A_124 to %scan3A_126 step %scan3A_127  : i32 {
        %mul3A_137 = arith.constant 16 : i32
        %mul3A_138 = arith.muli %scan3A_136, %mul3A_137 : i32
        %add3A_139 = arith.constant 0 : i32
        %add3A_140 = arith.addi %add3A_139, %mul3A_138 : i32
        %iota3A = tpu.iota {dimensions = array<i32: 0>} : vector<16xi32>
        %add3A_141 = vector.broadcast %add3A_140 : i32 to vector<16xi32>
        %add3A_142 = arith.addi %iota3A, %add3A_141 : vector<16xi32>
        %broadcast_in_dim3A_143 = arith.constant 0 : i32
        %broadcast_in_dim3A_144 = vector.broadcast %broadcast_in_dim3A_143 : i32 to vector<16xi32>
        %broadcast_in_dim3A_145 = arith.constant 4 : i32
        %broadcast_in_dim3A_146 = vector.broadcast %broadcast_in_dim3A_145 : i32 to vector<16xi32>
        %gather3A = tpu.vector_load_idx %arg8[%add3A_142, %broadcast_in_dim3A_144] : memref<80x16xf32, #tpu.memory_space<vmem>>[vector<16xi32>, vector<16xi32>], vector<16xf32>,
        %gather3A_147 = tpu.vector_load_idx %arg10[%add3A_142, %broadcast_in_dim3A_146] : memref<80x16xf32, #tpu.memory_space<vmem>>[vector<16xi32>, vector<16xi32>], vector<16xf32>,
        %add3A_148 = arith.addf %gather3A, %gather3A_147 : vector<16xf32>
        %mul3A_149 = arith.constant 2.000000e-01 : f32
        %mul3A_150 = vector.broadcast %mul3A_149 : f32 to vector<16xf32>
        %mul3A_151 = arith.mulf %mul3A_150, %add3A_148 : vector<16xf32>
        %max3A = arith.maximumf %add3A_148, %mul3A_151 : vector<16xf32>
        %exp3A = math.exp %max3A : vector<16xf32>
        tpu.vector_store_idx %arg15[%add3A_142, %broadcast_in_dim3A_144], %exp3A : memref<80x4xf32, #tpu.memory_space<vmem>>[vector<16xi32>, vector<16xi32>], vector<16xf32>,
        tpu.vector_store_idx %arg16[%add3A_142, %broadcast_in_dim3A_144], %exp3A : memref<80x16xf32, #tpu.memory_space<vmem>>[vector<16xi32>, vector<16xi32>], vector<16xf32>,
        %broadcast_in_dim3A_152 = arith.constant 1 : i32
        %broadcast_in_dim3A_153 = vector.broadcast %broadcast_in_dim3A_152 : i32 to vector<16xi32>
        %broadcast_in_dim3A_154 = arith.constant 5 : i32
        %broadcast_in_dim3A_155 = vector.broadcast %broadcast_in_dim3A_154 : i32 to vector<16xi32>
        %gather3A_156 = tpu.vector_load_idx %arg8[%add3A_142, %broadcast_in_dim3A_153] : memref<80x16xf32, #tpu.memory_space<vmem>>[vector<16xi32>, vector<16xi32>], vector<16xf32>,
        %gather3A_157 = tpu.vector_load_idx %arg10[%add3A_142, %broadcast_in_dim3A_155] : memref<80x16xf32, #tpu.memory_space<vmem>>[vector<16xi32>, vector<16xi32>], vector<16xf32>,
        %add3A_158 = arith.addf %gather3A_156, %gather3A_157 : vector<16xf32>
        %mul3A_159 = arith.constant 2.000000e-01 : f32
        %mul3A_160 = vector.broadcast %mul3A_159 : f32 to vector<16xf32>
        %mul3A_161 = arith.mulf %mul3A_160, %add3A_158 : vector<16xf32>
        %max3A_162 = arith.maximumf %add3A_158, %mul3A_161 : vector<16xf32>
        %exp3A_163 = math.exp %max3A_162 : vector<16xf32>
        tpu.vector_store_idx %arg15[%add3A_142, %broadcast_in_dim3A_153], %exp3A_163 : memref<80x4xf32, #tpu.memory_space<vmem>>[vector<16xi32>, vector<16xi32>], vector<16xf32>,
        tpu.vector_store_idx %arg16[%add3A_142, %broadcast_in_dim3A_153], %exp3A_163 : memref<80x16xf32, #tpu.memory_space<vmem>>[vector<16xi32>, vector<16xi32>], vector<16xf32>,
        %broadcast_in_dim3A_164 = arith.constant 2 : i32
        %broadcast_in_dim3A_165 = vector.broadcast %broadcast_in_dim3A_164 : i32 to vector<16xi32>
        %broadcast_in_dim3A_166 = arith.constant 6 : i32
        %broadcast_in_dim3A_167 = vector.broadcast %broadcast_in_dim3A_166 : i32 to vector<16xi32>
        %gather3A_168 = tpu.vector_load_idx %arg8[%add3A_142, %broadcast_in_dim3A_165] : memref<80x16xf32, #tpu.memory_space<vmem>>[vector<16xi32>, vector<16xi32>], vector<16xf32>,
        %gather3A_169 = tpu.vector_load_idx %arg10[%add3A_142, %broadcast_in_dim3A_167] : memref<80x16xf32, #tpu.memory_space<vmem>>[vector<16xi32>, vector<16xi32>], vector<16xf32>,
        %add3A_170 = arith.addf %gather3A_168, %gather3A_169 : vector<16xf32>
        %mul3A_171 = arith.constant 2.000000e-01 : f32
        %mul3A_172 = vector.broadcast %mul3A_171 : f32 to vector<16xf32>
        %mul3A_173 = arith.mulf %mul3A_172, %add3A_170 : vector<16xf32>
        %max3A_174 = arith.maximumf %add3A_170, %mul3A_173 : vector<16xf32>
        %exp3A_175 = math.exp %max3A_174 : vector<16xf32>
        tpu.vector_store_idx %arg15[%add3A_142, %broadcast_in_dim3A_165], %exp3A_175 : memref<80x4xf32, #tpu.memory_space<vmem>>[vector<16xi32>, vector<16xi32>], vector<16xf32>,
        tpu.vector_store_idx %arg16[%add3A_142, %broadcast_in_dim3A_165], %exp3A_175 : memref<80x16xf32, #tpu.memory_space<vmem>>[vector<16xi32>, vector<16xi32>], vector<16xf32>,
        %broadcast_in_dim3A_176 = arith.constant 3 : i32
        %broadcast_in_dim3A_177 = vector.broadcast %broadcast_in_dim3A_176 : i32 to vector<16xi32>
        %broadcast_in_dim3A_178 = arith.constant 7 : i32
        %broadcast_in_dim3A_179 = vector.broadcast %broadcast_in_dim3A_178 : i32 to vector<16xi32>
        %gather3A_180 = tpu.vector_load_idx %arg8[%add3A_142, %broadcast_in_dim3A_177] : memref<80x16xf32, #tpu.memory_space<vmem>>[vector<16xi32>, vector<16xi32>], vector<16xf32>,
        %gather3A_181 = tpu.vector_load_idx %arg10[%add3A_142, %broadcast_in_dim3A_179] : memref<80x16xf32, #tpu.memory_space<vmem>>[vector<16xi32>, vector<16xi32>], vector<16xf32>,
        %add3A_182 = arith.addf %gather3A_180, %gather3A_181 : vector<16xf32>
        %mul3A_183 = arith.constant 2.000000e-01 : f32
        %mul3A_184 = vector.broadcast %mul3A_183 : f32 to vector<16xf32>
        %mul3A_185 = arith.mulf %mul3A_184, %add3A_182 : vector<16xf32>
        %max3A_186 = arith.maximumf %add3A_182, %mul3A_185 : vector<16xf32>
        %exp3A_187 = math.exp %max3A_186 : vector<16xf32>
        tpu.vector_store_idx %arg15[%add3A_142, %broadcast_in_dim3A_177], %exp3A_187 : memref<80x4xf32, #tpu.memory_space<vmem>>[vector<16xi32>, vector<16xi32>], vector<16xf32>,
        tpu.vector_store_idx %arg16[%add3A_142, %broadcast_in_dim3A_177], %exp3A_187 : memref<80x16xf32, #tpu.memory_space<vmem>>[vector<16xi32>, vector<16xi32>], vector<16xf32>,
      }
      %scan3A_128 = arith.constant 5 : i32
      "tpu.region"() ({
        %run_scoped3A = tpu.sem_alloc : memref<!tpu.dma_semaphore, #tpu.memory_space<semaphore_mem>>
        %dma_start3A_136 = arith.constant 0 : i32
        %dma_start3A_137 = arith.constant 0 : i32
        %dma_start3A_138 = tpu.memref_slice %arg17[%dma_start3A_136, %dma_start3A_137] : memref<10240x16xf32, #tpu.memory_space<vmem_shared>> -> memref<10240x16xf32, #tpu.memory_space<vmem_shared>>
        tpu.enqueue_indirect_dma source(%arg16 : memref<80x16xf32, #tpu.memory_space<vmem>>) target(%dma_start3A_138 : memref<10240x16xf32, #tpu.memory_space<vmem_shared>>) offsets(%arg14 : memref<80xi32, #tpu.memory_space<vmem>>) semaphore(%run_scoped3A : memref<!tpu.dma_semaphore, #tpu.memory_space<semaphore_mem>>) {add = true}
        %dma_wait3A_139 = arith.constant 0 : i32
        %dma_wait3A_140 = arith.constant 0 : i32
        %dma_wait3A_141 = tpu.memref_slice %arg17[%dma_wait3A_139, %dma_wait3A_140] : memref<10240x16xf32, #tpu.memory_space<vmem_shared>> -> memref<10240x16xf32, #tpu.memory_space<vmem_shared>>
        tpu.wait_indirect_dma semaphore(%run_scoped3A : memref<!tpu.dma_semaphore, #tpu.memory_space<semaphore_mem>>) src(%arg16 : memref<80x16xf32, #tpu.memory_space<vmem>>) dst(%dma_wait3A_141 : memref<10240x16xf32, #tpu.memory_space<vmem_shared>>)
        tpu.yield
      }) : () -> ()
      "tpu.region"() ({
        %run_scoped3A = tpu.sem_alloc : memref<!tpu.dma_semaphore, #tpu.memory_space<semaphore_mem>>
        %dma_start3A_136 = arith.constant 0 : i32
        %dma_start3A_137 = tpu.memref_slice %arg5[%add3A_123, %dma_start3A_136] : memref<320000x4xf32, #tpu.memory_space<hbm>> -> memref<80x4xf32, #tpu.memory_space<hbm>>
        %dma_start3A_138 = arith.constant 0 : i32
        %dma_start3A_139 = tpu.memref_slice %arg5[%add3A_123, %dma_start3A_138] : memref<320000x4xf32, #tpu.memory_space<hbm>> -> memref<80x4xf32, #tpu.memory_space<hbm>>
        tpu.enqueue_dma source(%arg15 : memref<80x4xf32, #tpu.memory_space<vmem>>) target(%dma_start3A_139 : memref<80x4xf32, #tpu.memory_space<hbm>>) target_semaphore(%run_scoped3A : memref<!tpu.dma_semaphore, #tpu.memory_space<semaphore_mem>>)
        %dma_wait3A_140 = arith.constant 0 : i32
        %dma_wait3A_141 = tpu.memref_slice %arg5[%add3A_123, %dma_wait3A_140] : memref<320000x4xf32, #tpu.memory_space<hbm>> -> memref<80x4xf32, #tpu.memory_space<hbm>>
        %dma_wait3A_142 = arith.constant 0 : i32
        %dma_wait3A_143 = tpu.memref_slice %arg5[%add3A_123, %dma_wait3A_142] : memref<320000x4xf32, #tpu.memory_space<hbm>> -> memref<80x4xf32, #tpu.memory_space<hbm>>
        tpu.wait_dma2 semaphore(%run_scoped3A : memref<!tpu.dma_semaphore, #tpu.memory_space<semaphore_mem>>) src(%arg15 : memref<80x4xf32, #tpu.memory_space<vmem>>) dst(%dma_wait3A_143 : memref<80x4xf32, #tpu.memory_space<hbm>>)
        tpu.yield
      }) : () -> ()
      %add3A_129 = arith.constant 2 : i32
      %add3A_130 = arith.addi %add3A_99, %add3A_129 : i32
      %lt3A_131 = arith.constant 125 : i32
      %lt3A_132 = arith.cmpi slt, %add3A_130, %lt3A_131 : i32
      %convert_element_type3A_133 = arith.extui %lt3A_132 : i1 to i32
      %cond3A_134 = arith.constant 0 : i32
      %cond3A_135 = arith.cmpi ne, %convert_element_type3A_133, %cond3A_134 : i32
      scf.if %cond3A_135 {
        %add3A_136 = arith.constant 2 : i32
        %add3A_137 = arith.addi %add3A_99, %add3A_136 : i32
        %mul3A_138 = arith.constant 80 : i32
        %mul3A_139 = arith.muli %add3A_137, %mul3A_138 : i32
        %add3A_140 = arith.addi %mul3A_2, %mul3A_139 : i32
        %dma_start3A_141 = tpu.memref_slice %arg3[%add3A_140] : memref<320000xi32, #tpu.memory_space<hbm>> -> memref<80xi32, #tpu.memory_space<hbm>>
        %dma_start3A_142 = tpu.memref_slice %arg3[%add3A_140] : memref<320000xi32, #tpu.memory_space<hbm>> -> memref<80xi32, #tpu.memory_space<hbm>>
        tpu.enqueue_dma source(%dma_start3A_142 : memref<80xi32, #tpu.memory_space<hbm>>) target(%arg12 : memref<80xi32, #tpu.memory_space<vmem>>) target_semaphore(%arg19 : memref<!tpu.dma_semaphore, #tpu.memory_space<semaphore_mem>>)
        %dma_start3A_143 = tpu.memref_slice %arg4[%add3A_140] : memref<320000xi32, #tpu.memory_space<hbm>> -> memref<80xi32, #tpu.memory_space<hbm>>
        %dma_start3A_144 = tpu.memref_slice %arg4[%add3A_140] : memref<320000xi32, #tpu.memory_space<hbm>> -> memref<80xi32, #tpu.memory_space<hbm>>
        tpu.enqueue_dma source(%dma_start3A_144 : memref<80xi32, #tpu.memory_space<hbm>>) target(%arg14 : memref<80xi32, #tpu.memory_space<vmem>>) target_semaphore(%arg19 : memref<!tpu.dma_semaphore, #tpu.memory_space<semaphore_mem>>)
      } else {
      }
    }
    %scan3A_39 = arith.constant 62 : i32
    %dma_wait3A_40 = arith.constant 0 : i32
    %dma_wait3A_41 = arith.constant 0 : i32
    %dma_wait3A_42 = tpu.memref_slice %arg2[%dma_wait3A_40, %dma_wait3A_41] : memref<10000x16xf32, #tpu.memory_space<hbm>> -> memref<10000x16xf32, #tpu.memory_space<hbm>>
    tpu.wait_indirect_dma semaphore(%arg20 : memref<!tpu.dma_semaphore, #tpu.memory_space<semaphore_mem>>) src(%dma_wait3A_42 : memref<10000x16xf32, #tpu.memory_space<hbm>>) dst(%arg7 : memref<80x16xf32, #tpu.memory_space<vmem>>)
    %dma_wait3A_43 = arith.constant 0 : i32
    %dma_wait3A_44 = arith.constant 0 : i32
    %dma_wait3A_45 = tpu.memref_slice %arg2[%dma_wait3A_43, %dma_wait3A_44] : memref<10000x16xf32, #tpu.memory_space<hbm>> -> memref<10000x16xf32, #tpu.memory_space<hbm>>
    tpu.wait_indirect_dma semaphore(%arg20 : memref<!tpu.dma_semaphore, #tpu.memory_space<semaphore_mem>>) src(%dma_wait3A_45 : memref<10000x16xf32, #tpu.memory_space<hbm>>) dst(%arg9 : memref<80x16xf32, #tpu.memory_space<vmem>>)
    %add3A_46 = arith.constant 9920 : i32
    %add3A_47 = arith.addi %mul3A_2, %add3A_46 : i32
    %scan3A_48 = arith.constant 0 : i32
    %scan3A_49 = arith.constant 5 : i32
    %scan3A_50 = arith.addi %scan3A_48, %scan3A_49 : i32
    %scan3A_51 = arith.constant 1 : i32
    scf.for %scan3A_58 = %scan3A_48 to %scan3A_50 step %scan3A_51  : i32 {
      %mul3A_59 = arith.constant 16 : i32
      %mul3A_60 = arith.muli %scan3A_58, %mul3A_59 : i32
      %add3A_61 = arith.constant 0 : i32
      %add3A_62 = arith.addi %add3A_61, %mul3A_60 : i32
      %iota3A = tpu.iota {dimensions = array<i32: 0>} : vector<16xi32>
      %add3A_63 = vector.broadcast %add3A_62 : i32 to vector<16xi32>
      %add3A_64 = arith.addi %iota3A, %add3A_63 : vector<16xi32>
      %broadcast_in_dim3A_65 = arith.constant 0 : i32
      %broadcast_in_dim3A_66 = vector.broadcast %broadcast_in_dim3A_65 : i32 to vector<16xi32>
      %broadcast_in_dim3A_67 = arith.constant 4 : i32
      %broadcast_in_dim3A_68 = vector.broadcast %broadcast_in_dim3A_67 : i32 to vector<16xi32>
      %gather3A = tpu.vector_load_idx %arg7[%add3A_64, %broadcast_in_dim3A_66] : memref<80x16xf32, #tpu.memory_space<vmem>>[vector<16xi32>, vector<16xi32>], vector<16xf32>,
      %gather3A_69 = tpu.vector_load_idx %arg9[%add3A_64, %broadcast_in_dim3A_68] : memref<80x16xf32, #tpu.memory_space<vmem>>[vector<16xi32>, vector<16xi32>], vector<16xf32>,
      %add3A_70 = arith.addf %gather3A, %gather3A_69 : vector<16xf32>
      %mul3A_71 = arith.constant 2.000000e-01 : f32
      %mul3A_72 = vector.broadcast %mul3A_71 : f32 to vector<16xf32>
      %mul3A_73 = arith.mulf %mul3A_72, %add3A_70 : vector<16xf32>
      %max3A = arith.maximumf %add3A_70, %mul3A_73 : vector<16xf32>
      %exp3A = math.exp %max3A : vector<16xf32>
      tpu.vector_store_idx %arg15[%add3A_64, %broadcast_in_dim3A_66], %exp3A : memref<80x4xf32, #tpu.memory_space<vmem>>[vector<16xi32>, vector<16xi32>], vector<16xf32>,
      tpu.vector_store_idx %arg16[%add3A_64, %broadcast_in_dim3A_66], %exp3A : memref<80x16xf32, #tpu.memory_space<vmem>>[vector<16xi32>, vector<16xi32>], vector<16xf32>,
      %broadcast_in_dim3A_74 = arith.constant 1 : i32
      %broadcast_in_dim3A_75 = vector.broadcast %broadcast_in_dim3A_74 : i32 to vector<16xi32>
      %broadcast_in_dim3A_76 = arith.constant 5 : i32
      %broadcast_in_dim3A_77 = vector.broadcast %broadcast_in_dim3A_76 : i32 to vector<16xi32>
      %gather3A_78 = tpu.vector_load_idx %arg7[%add3A_64, %broadcast_in_dim3A_75] : memref<80x16xf32, #tpu.memory_space<vmem>>[vector<16xi32>, vector<16xi32>], vector<16xf32>,
      %gather3A_79 = tpu.vector_load_idx %arg9[%add3A_64, %broadcast_in_dim3A_77] : memref<80x16xf32, #tpu.memory_space<vmem>>[vector<16xi32>, vector<16xi32>], vector<16xf32>,
      %add3A_80 = arith.addf %gather3A_78, %gather3A_79 : vector<16xf32>
      %mul3A_81 = arith.constant 2.000000e-01 : f32
      %mul3A_82 = vector.broadcast %mul3A_81 : f32 to vector<16xf32>
      %mul3A_83 = arith.mulf %mul3A_82, %add3A_80 : vector<16xf32>
      %max3A_84 = arith.maximumf %add3A_80, %mul3A_83 : vector<16xf32>
      %exp3A_85 = math.exp %max3A_84 : vector<16xf32>
      tpu.vector_store_idx %arg15[%add3A_64, %broadcast_in_dim3A_75], %exp3A_85 : memref<80x4xf32, #tpu.memory_space<vmem>>[vector<16xi32>, vector<16xi32>], vector<16xf32>,
      tpu.vector_store_idx %arg16[%add3A_64, %broadcast_in_dim3A_75], %exp3A_85 : memref<80x16xf32, #tpu.memory_space<vmem>>[vector<16xi32>, vector<16xi32>], vector<16xf32>,
      %broadcast_in_dim3A_86 = arith.constant 2 : i32
      %broadcast_in_dim3A_87 = vector.broadcast %broadcast_in_dim3A_86 : i32 to vector<16xi32>
      %broadcast_in_dim3A_88 = arith.constant 6 : i32
      %broadcast_in_dim3A_89 = vector.broadcast %broadcast_in_dim3A_88 : i32 to vector<16xi32>
      %gather3A_90 = tpu.vector_load_idx %arg7[%add3A_64, %broadcast_in_dim3A_87] : memref<80x16xf32, #tpu.memory_space<vmem>>[vector<16xi32>, vector<16xi32>], vector<16xf32>,
      %gather3A_91 = tpu.vector_load_idx %arg9[%add3A_64, %broadcast_in_dim3A_89] : memref<80x16xf32, #tpu.memory_space<vmem>>[vector<16xi32>, vector<16xi32>], vector<16xf32>,
      %add3A_92 = arith.addf %gather3A_90, %gather3A_91 : vector<16xf32>
      %mul3A_93 = arith.constant 2.000000e-01 : f32
      %mul3A_94 = vector.broadcast %mul3A_93 : f32 to vector<16xf32>
      %mul3A_95 = arith.mulf %mul3A_94, %add3A_92 : vector<16xf32>
      %max3A_96 = arith.maximumf %add3A_92, %mul3A_95 : vector<16xf32>
      %exp3A_97 = math.exp %max3A_96 : vector<16xf32>
      tpu.vector_store_idx %arg15[%add3A_64, %broadcast_in_dim3A_87], %exp3A_97 : memref<80x4xf32, #tpu.memory_space<vmem>>[vector<16xi32>, vector<16xi32>], vector<16xf32>,
      tpu.vector_store_idx %arg16[%add3A_64, %broadcast_in_dim3A_87], %exp3A_97 : memref<80x16xf32, #tpu.memory_space<vmem>>[vector<16xi32>, vector<16xi32>], vector<16xf32>,
      %broadcast_in_dim3A_98 = arith.constant 3 : i32
      %broadcast_in_dim3A_99 = vector.broadcast %broadcast_in_dim3A_98 : i32 to vector<16xi32>
      %broadcast_in_dim3A_100 = arith.constant 7 : i32
      %broadcast_in_dim3A_101 = vector.broadcast %broadcast_in_dim3A_100 : i32 to vector<16xi32>
      %gather3A_102 = tpu.vector_load_idx %arg7[%add3A_64, %broadcast_in_dim3A_99] : memref<80x16xf32, #tpu.memory_space<vmem>>[vector<16xi32>, vector<16xi32>], vector<16xf32>,
      %gather3A_103 = tpu.vector_load_idx %arg9[%add3A_64, %broadcast_in_dim3A_101] : memref<80x16xf32, #tpu.memory_space<vmem>>[vector<16xi32>, vector<16xi32>], vector<16xf32>,
      %add3A_104 = arith.addf %gather3A_102, %gather3A_103 : vector<16xf32>
      %mul3A_105 = arith.constant 2.000000e-01 : f32
      %mul3A_106 = vector.broadcast %mul3A_105 : f32 to vector<16xf32>
      %mul3A_107 = arith.mulf %mul3A_106, %add3A_104 : vector<16xf32>
      %max3A_108 = arith.maximumf %add3A_104, %mul3A_107 : vector<16xf32>
      %exp3A_109 = math.exp %max3A_108 : vector<16xf32>
      tpu.vector_store_idx %arg15[%add3A_64, %broadcast_in_dim3A_99], %exp3A_109 : memref<80x4xf32, #tpu.memory_space<vmem>>[vector<16xi32>, vector<16xi32>], vector<16xf32>,
      tpu.vector_store_idx %arg16[%add3A_64, %broadcast_in_dim3A_99], %exp3A_109 : memref<80x16xf32, #tpu.memory_space<vmem>>[vector<16xi32>, vector<16xi32>], vector<16xf32>,
    }
    %scan3A_52 = arith.constant 5 : i32
    "tpu.region"() ({
      %run_scoped3A = tpu.sem_alloc : memref<!tpu.dma_semaphore, #tpu.memory_space<semaphore_mem>>
      %dma_start3A_58 = arith.constant 0 : i32
      %dma_start3A_59 = arith.constant 0 : i32
      %dma_start3A_60 = tpu.memref_slice %arg17[%dma_start3A_58, %dma_start3A_59] : memref<10240x16xf32, #tpu.memory_space<vmem_shared>> -> memref<10240x16xf32, #tpu.memory_space<vmem_shared>>
      tpu.enqueue_indirect_dma source(%arg16 : memref<80x16xf32, #tpu.memory_space<vmem>>) target(%dma_start3A_60 : memref<10240x16xf32, #tpu.memory_space<vmem_shared>>) offsets(%arg13 : memref<80xi32, #tpu.memory_space<vmem>>) semaphore(%run_scoped3A : memref<!tpu.dma_semaphore, #tpu.memory_space<semaphore_mem>>) {add = true}
      %dma_wait3A_61 = arith.constant 0 : i32
      %dma_wait3A_62 = arith.constant 0 : i32
      %dma_wait3A_63 = tpu.memref_slice %arg17[%dma_wait3A_61, %dma_wait3A_62] : memref<10240x16xf32, #tpu.memory_space<vmem_shared>> -> memref<10240x16xf32, #tpu.memory_space<vmem_shared>>
      tpu.wait_indirect_dma semaphore(%run_scoped3A : memref<!tpu.dma_semaphore, #tpu.memory_space<semaphore_mem>>) src(%arg16 : memref<80x16xf32, #tpu.memory_space<vmem>>) dst(%dma_wait3A_63 : memref<10240x16xf32, #tpu.memory_space<vmem_shared>>)
      tpu.yield
    }) : () -> ()
    "tpu.region"() ({
      %run_scoped3A = tpu.sem_alloc : memref<!tpu.dma_semaphore, #tpu.memory_space<semaphore_mem>>
      %dma_start3A_58 = arith.constant 0 : i32
      %dma_start3A_59 = tpu.memref_slice %arg5[%add3A_47, %dma_start3A_58] : memref<320000x4xf32, #tpu.memory_space<hbm>> -> memref<80x4xf32, #tpu.memory_space<hbm>>
      %dma_start3A_60 = arith.constant 0 : i32
      %dma_start3A_61 = tpu.memref_slice %arg5[%add3A_47, %dma_start3A_60] : memref<320000x4xf32, #tpu.memory_space<hbm>> -> memref<80x4xf32, #tpu.memory_space<hbm>>
      tpu.enqueue_dma source(%arg15 : memref<80x4xf32, #tpu.memory_space<vmem>>) target(%dma_start3A_61 : memref<80x4xf32, #tpu.memory_space<hbm>>) target_semaphore(%run_scoped3A : memref<!tpu.dma_semaphore, #tpu.memory_space<semaphore_mem>>)
      %dma_wait3A_62 = arith.constant 0 : i32
      %dma_wait3A_63 = tpu.memref_slice %arg5[%add3A_47, %dma_wait3A_62] : memref<320000x4xf32, #tpu.memory_space<hbm>> -> memref<80x4xf32, #tpu.memory_space<hbm>>
      %dma_wait3A_64 = arith.constant 0 : i32
      %dma_wait3A_65 = tpu.memref_slice %arg5[%add3A_47, %dma_wait3A_64] : memref<320000x4xf32, #tpu.memory_space<hbm>> -> memref<80x4xf32, #tpu.memory_space<hbm>>
      tpu.wait_dma2 semaphore(%run_scoped3A : memref<!tpu.dma_semaphore, #tpu.memory_space<semaphore_mem>>) src(%arg15 : memref<80x4xf32, #tpu.memory_space<vmem>>) dst(%dma_wait3A_65 : memref<80x4xf32, #tpu.memory_space<hbm>>)
      tpu.yield
    }) : () -> ()
    %barrier3A_53 = arith.constant 0 : index
    tpu.barrier barrier_id(%barrier3A_53)
    %mul3A_54 = arith.constant 640 : i32
    %mul3A_55 = arith.muli %arg1, %mul3A_54 : i32
    %mul3A_56 = arith.constant 640 : i32
    %mul3A_57 = arith.muli %arg1, %mul3A_56 : i32
    "tpu.region"() ({
      %run_scoped3A = tpu.sem_alloc : memref<!tpu.dma_semaphore, #tpu.memory_space<semaphore_mem>>
      %dma_start3A_58 = arith.constant 0 : i32
      %dma_start3A_59 = tpu.memref_slice %arg6[%arg0, %mul3A_57, %dma_start3A_58] : memref<2x10240x16xf32, #tpu.memory_space<hbm>> -> memref<1x640x16xf32, #tpu.memory_space<hbm>>
      %dma_start3A_60 = tpu.memref_squeeze %dma_start3A_59 : memref<1x640x16xf32, #tpu.memory_space<hbm>> -> memref<640x16xf32, #tpu.memory_space<hbm>>
      %dma_start3A_61 = arith.constant 0 : i32
      %dma_start3A_62 = tpu.memref_slice %arg17[%mul3A_55, %dma_start3A_61] : memref<10240x16xf32, #tpu.memory_space<vmem_shared>> -> memref<640x16xf32, #tpu.memory_space<vmem_shared>>
      tpu.enqueue_dma source(%dma_start3A_62 : memref<640x16xf32, #tpu.memory_space<vmem_shared>>) target(%dma_start3A_60 : memref<640x16xf32, #tpu.memory_space<hbm>>) target_semaphore(%run_scoped3A : memref<!tpu.dma_semaphore, #tpu.memory_space<semaphore_mem>>)
      %dma_wait3A_63 = arith.constant 0 : i32
      %dma_wait3A_64 = tpu.memref_slice %arg6[%arg0, %mul3A_57, %dma_wait3A_63] : memref<2x10240x16xf32, #tpu.memory_space<hbm>> -> memref<1x640x16xf32, #tpu.memory_space<hbm>>
      %dma_wait3A_65 = tpu.memref_squeeze %dma_wait3A_64 : memref<1x640x16xf32, #tpu.memory_space<hbm>> -> memref<640x16xf32, #tpu.memory_space<hbm>>
      %dma_wait3A_66 = arith.constant 0 : i32
      %dma_wait3A_67 = tpu.memref_slice %arg17[%mul3A_55, %dma_wait3A_66] : memref<10240x16xf32, #tpu.memory_space<vmem_shared>> -> memref<640x16xf32, #tpu.memory_space<vmem_shared>>
      tpu.wait_dma2 semaphore(%run_scoped3A : memref<!tpu.dma_semaphore, #tpu.memory_space<semaphore_mem>>) src(%dma_wait3A_67 : memref<640x16xf32, #tpu.memory_space<vmem_shared>>) dst(%dma_wait3A_65 : memref<640x16xf32, #tpu.memory_space<hbm>>)
      tpu.yield
    }) : () -> ()
    return
  }
}

#map = affine_map<(d0, d1) -> (0, 0)>
#map1 = affine_map<(d0, d1) -> (0)>
#map2 = affine_map<(d0, d1) -> (0, 0, 0)>
module attributes {stable_mosaic.version = 14 : i64} {
  func.func @_aggregate_body(%arg0: i32, %arg1: i32, %arg2: memref<10000x256xf32, #tpu.memory_space<hbm>>, %arg3: memref<320000xi32, #tpu.memory_space<hbm>>, %arg4: memref<320000xi32, #tpu.memory_space<hbm>>, %arg5: memref<320000x4xf32, #tpu.memory_space<hbm>>, %arg6: memref<10000x16xf32, #tpu.memory_space<hbm>>, %arg7: memref<2x10240x64xf32, #tpu.memory_space<hbm>>, %arg8: memref<80x16xf32, #tpu.memory_space<vmem>>, %arg9: memref<80x16xf32, #tpu.memory_space<vmem>>, %arg10: memref<80xi32, #tpu.memory_space<vmem>>, %arg11: memref<80xi32, #tpu.memory_space<vmem>>, %arg12: memref<80xi32, #tpu.memory_space<vmem>>, %arg13: memref<80xi32, #tpu.memory_space<vmem>>, %arg14: memref<80x4xf32, #tpu.memory_space<vmem>>, %arg15: memref<80x4xf32, #tpu.memory_space<vmem>>, %arg16: memref<80x16xf32, #tpu.memory_space<vmem>>, %arg17: memref<80x256xf32, #tpu.memory_space<vmem>>, %arg18: memref<80x256xf32, #tpu.memory_space<vmem>>, %arg19: memref<80x64xf32, #tpu.memory_space<vmem>>, %arg20: memref<10240x64xf32, #tpu.memory_space<vmem_shared>>, %arg21: memref<!tpu.dma_semaphore, #tpu.memory_space<semaphore_mem>>, %arg22: memref<!tpu.dma_semaphore, #tpu.memory_space<semaphore_mem>>, %arg23: memref<!tpu.dma_semaphore, #tpu.memory_space<semaphore_mem>>, %arg24: memref<!tpu.dma_semaphore, #tpu.memory_space<semaphore_mem>>) attributes {dimension_semantics = [#tpu.dimension_semantics<core_parallel>, #tpu.dimension_semantics<subcore_parallel>], iteration_bounds = array<i64: 2, 16>, scalar_prefetch = 0 : i64, scratch_operands = 17 : i64, tpu.core_type = #tpu.core_type<sc_vector_subcore>, window_params = [{transform_indices = #map}, {transform_indices = #map1}, {transform_indices = #map1}, {transform_indices = #map}, {transform_indices = #map}, {transform_indices = #map2}]} {
    %mul3A = arith.constant 16 : i32
    %mul3A_0 = arith.muli %arg0, %mul3A : i32
    %add3A = arith.addi %mul3A_0, %arg1 : i32
    %mul3A_1 = arith.constant 10000 : i32
    %mul3A_2 = arith.muli %add3A, %mul3A_1 : i32
    %broadcast_in_dim3A = arith.constant 0.000000e+00 : f32
    %broadcast_in_dim3A_3 = vector.broadcast %broadcast_in_dim3A : f32 to vector<16xf32>
    %scan3A = arith.constant 0 : i32
    %scan3A_4 = arith.constant 80 : i32
    %scan3A_5 = arith.addi %scan3A, %scan3A_4 : i32
    %scan3A_6 = arith.constant 1 : i32
    scf.for %scan3A_73 = %scan3A to %scan3A_5 step %scan3A_6  : i32 {
      %mul3A_74 = arith.constant 1 : i32
      %mul3A_75 = arith.muli %scan3A_73, %mul3A_74 : i32
      %add3A_76 = arith.constant 0 : i32
      %add3A_77 = arith.addi %add3A_76, %mul3A_75 : i32
      %swap3A = arith.index_cast %add3A_77 : i32 to index
      %swap3A_78 = arith.constant 0 : index
      %swap3A_79 = tpu.vector_load %arg19[%swap3A, %swap3A_78] {strides = array<i32>} : memref<80x64xf32, #tpu.memory_space<vmem>>, vector<16xf32>,
      tpu.vector_store %arg19[%swap3A, %swap3A_78], %broadcast_in_dim3A_3 {strides = array<i32>} : memref<80x64xf32, #tpu.memory_space<vmem>>, vector<16xf32>,
      %swap3A_80 = arith.index_cast %add3A_77 : i32 to index
      %swap3A_81 = arith.constant 16 : index
      %swap3A_82 = tpu.vector_load %arg19[%swap3A_80, %swap3A_81] {strides = array<i32>} : memref<80x64xf32, #tpu.memory_space<vmem>>, vector<16xf32>,
      tpu.vector_store %arg19[%swap3A_80, %swap3A_81], %broadcast_in_dim3A_3 {strides = array<i32>} : memref<80x64xf32, #tpu.memory_space<vmem>>, vector<16xf32>,
      %swap3A_83 = arith.index_cast %add3A_77 : i32 to index
      %swap3A_84 = arith.constant 32 : index
      %swap3A_85 = tpu.vector_load %arg19[%swap3A_83, %swap3A_84] {strides = array<i32>} : memref<80x64xf32, #tpu.memory_space<vmem>>, vector<16xf32>,
      tpu.vector_store %arg19[%swap3A_83, %swap3A_84], %broadcast_in_dim3A_3 {strides = array<i32>} : memref<80x64xf32, #tpu.memory_space<vmem>>, vector<16xf32>,
      %swap3A_86 = arith.index_cast %add3A_77 : i32 to index
      %swap3A_87 = arith.constant 48 : index
      %swap3A_88 = tpu.vector_load %arg19[%swap3A_86, %swap3A_87] {strides = array<i32>} : memref<80x64xf32, #tpu.memory_space<vmem>>, vector<16xf32>,
      tpu.vector_store %arg19[%swap3A_86, %swap3A_87], %broadcast_in_dim3A_3 {strides = array<i32>} : memref<80x64xf32, #tpu.memory_space<vmem>>, vector<16xf32>,
    }
    %scan3A_7 = arith.constant 80 : i32
    %scan3A_8 = arith.constant 0 : i32
    %scan3A_9 = arith.constant 8 : i32
    %scan3A_10 = arith.addi %scan3A_8, %scan3A_9 : i32
    %scan3A_11 = arith.constant 1 : i32
    scf.for %scan3A_73 = %scan3A_8 to %scan3A_10 step %scan3A_11  : i32 {
      %mul3A_74 = arith.constant 1 : i32
      %mul3A_75 = arith.muli %scan3A_73, %mul3A_74 : i32
      %add3A_76 = arith.constant 0 : i32
      %add3A_77 = arith.addi %add3A_76, %mul3A_75 : i32
      %mul3A_78 = arith.constant 640 : i32
      %mul3A_79 = arith.muli %arg1, %mul3A_78 : i32
      %mul3A_80 = arith.constant 80 : i32
      %mul3A_81 = arith.muli %add3A_77, %mul3A_80 : i32
      %add3A_82 = arith.addi %mul3A_79, %mul3A_81 : i32
      "tpu.region"() ({
        %run_scoped3A = tpu.sem_alloc : memref<!tpu.dma_semaphore, #tpu.memory_space<semaphore_mem>>
        %dma_start3A_83 = arith.constant 0 : i32
        %dma_start3A_84 = tpu.memref_slice %arg20[%add3A_82, %dma_start3A_83] : memref<10240x64xf32, #tpu.memory_space<vmem_shared>> -> memref<80x64xf32, #tpu.memory_space<vmem_shared>>
        %dma_start3A_85 = arith.constant 0 : i32
        %dma_start3A_86 = tpu.memref_slice %arg20[%add3A_82, %dma_start3A_85] : memref<10240x64xf32, #tpu.memory_space<vmem_shared>> -> memref<80x64xf32, #tpu.memory_space<vmem_shared>>
        tpu.enqueue_dma source(%arg19 : memref<80x64xf32, #tpu.memory_space<vmem>>) target(%dma_start3A_86 : memref<80x64xf32, #tpu.memory_space<vmem_shared>>) target_semaphore(%run_scoped3A : memref<!tpu.dma_semaphore, #tpu.memory_space<semaphore_mem>>)
        %dma_wait3A_87 = arith.constant 0 : i32
        %dma_wait3A_88 = tpu.memref_slice %arg20[%add3A_82, %dma_wait3A_87] : memref<10240x64xf32, #tpu.memory_space<vmem_shared>> -> memref<80x64xf32, #tpu.memory_space<vmem_shared>>
        %dma_wait3A_89 = arith.constant 0 : i32
        %dma_wait3A_90 = tpu.memref_slice %arg20[%add3A_82, %dma_wait3A_89] : memref<10240x64xf32, #tpu.memory_space<vmem_shared>> -> memref<80x64xf32, #tpu.memory_space<vmem_shared>>
        tpu.wait_dma2 semaphore(%run_scoped3A : memref<!tpu.dma_semaphore, #tpu.memory_space<semaphore_mem>>) src(%arg19 : memref<80x64xf32, #tpu.memory_space<vmem>>) dst(%dma_wait3A_90 : memref<80x64xf32, #tpu.memory_space<vmem_shared>>)
        tpu.yield
      }) : () -> ()
    }
    %scan3A_12 = arith.constant 8 : i32
    %barrier3A = arith.constant 0 : index
    tpu.barrier barrier_id(%barrier3A)
    %add3A_13 = arith.constant 0 : i32
    %add3A_14 = arith.addi %mul3A_2, %add3A_13 : i32
    %dma_start3A = tpu.memref_slice %arg3[%add3A_14] : memref<320000xi32, #tpu.memory_space<hbm>> -> memref<80xi32, #tpu.memory_space<hbm>>
    %dma_start3A_15 = tpu.memref_slice %arg3[%add3A_14] : memref<320000xi32, #tpu.memory_space<hbm>> -> memref<80xi32, #tpu.memory_space<hbm>>
    tpu.enqueue_dma source(%dma_start3A_15 : memref<80xi32, #tpu.memory_space<hbm>>) target(%arg10 : memref<80xi32, #tpu.memory_space<vmem>>) target_semaphore(%arg21 : memref<!tpu.dma_semaphore, #tpu.memory_space<semaphore_mem>>)
    %dma_start3A_16 = tpu.memref_slice %arg4[%add3A_14] : memref<320000xi32, #tpu.memory_space<hbm>> -> memref<80xi32, #tpu.memory_space<hbm>>
    %dma_start3A_17 = tpu.memref_slice %arg4[%add3A_14] : memref<320000xi32, #tpu.memory_space<hbm>> -> memref<80xi32, #tpu.memory_space<hbm>>
    tpu.enqueue_dma source(%dma_start3A_17 : memref<80xi32, #tpu.memory_space<hbm>>) target(%arg12 : memref<80xi32, #tpu.memory_space<vmem>>) target_semaphore(%arg21 : memref<!tpu.dma_semaphore, #tpu.memory_space<semaphore_mem>>)
    %dma_start3A_18 = arith.constant 0 : i32
    %dma_start3A_19 = tpu.memref_slice %arg5[%add3A_14, %dma_start3A_18] : memref<320000x4xf32, #tpu.memory_space<hbm>> -> memref<80x4xf32, #tpu.memory_space<hbm>>
    %dma_start3A_20 = arith.constant 0 : i32
    %dma_start3A_21 = tpu.memref_slice %arg5[%add3A_14, %dma_start3A_20] : memref<320000x4xf32, #tpu.memory_space<hbm>> -> memref<80x4xf32, #tpu.memory_space<hbm>>
    tpu.enqueue_dma source(%dma_start3A_21 : memref<80x4xf32, #tpu.memory_space<hbm>>) target(%arg14 : memref<80x4xf32, #tpu.memory_space<vmem>>) target_semaphore(%arg21 : memref<!tpu.dma_semaphore, #tpu.memory_space<semaphore_mem>>)
    %add3A_22 = arith.constant 0 : i32
    %add3A_23 = arith.addi %mul3A_2, %add3A_22 : i32
    %dma_wait3A = tpu.memref_slice %arg3[%add3A_23] : memref<320000xi32, #tpu.memory_space<hbm>> -> memref<80xi32, #tpu.memory_space<hbm>>
    %dma_wait3A_24 = tpu.memref_slice %arg3[%add3A_23] : memref<320000xi32, #tpu.memory_space<hbm>> -> memref<80xi32, #tpu.memory_space<hbm>>
    tpu.wait_dma2 semaphore(%arg21 : memref<!tpu.dma_semaphore, #tpu.memory_space<semaphore_mem>>) src(%dma_wait3A_24 : memref<80xi32, #tpu.memory_space<hbm>>) dst(%arg10 : memref<80xi32, #tpu.memory_space<vmem>>)
    %dma_wait3A_25 = tpu.memref_slice %arg4[%add3A_23] : memref<320000xi32, #tpu.memory_space<hbm>> -> memref<80xi32, #tpu.memory_space<hbm>>
    %dma_wait3A_26 = tpu.memref_slice %arg4[%add3A_23] : memref<320000xi32, #tpu.memory_space<hbm>> -> memref<80xi32, #tpu.memory_space<hbm>>
    tpu.wait_dma2 semaphore(%arg21 : memref<!tpu.dma_semaphore, #tpu.memory_space<semaphore_mem>>) src(%dma_wait3A_26 : memref<80xi32, #tpu.memory_space<hbm>>) dst(%arg12 : memref<80xi32, #tpu.memory_space<vmem>>)
    %dma_wait3A_27 = arith.constant 0 : i32
    %dma_wait3A_28 = tpu.memref_slice %arg5[%add3A_23, %dma_wait3A_27] : memref<320000x4xf32, #tpu.memory_space<hbm>> -> memref<80x4xf32, #tpu.memory_space<hbm>>
    %dma_wait3A_29 = arith.constant 0 : i32
    %dma_wait3A_30 = tpu.memref_slice %arg5[%add3A_23, %dma_wait3A_29] : memref<320000x4xf32, #tpu.memory_space<hbm>> -> memref<80x4xf32, #tpu.memory_space<hbm>>
    tpu.wait_dma2 semaphore(%arg21 : memref<!tpu.dma_semaphore, #tpu.memory_space<semaphore_mem>>) src(%dma_wait3A_30 : memref<80x4xf32, #tpu.memory_space<hbm>>) dst(%arg14 : memref<80x4xf32, #tpu.memory_space<vmem>>)
    %dma_start3A_31 = arith.constant 0 : i32
    %dma_start3A_32 = arith.constant 0 : i32
    %dma_start3A_33 = tpu.memref_slice %arg2[%dma_start3A_31, %dma_start3A_32] : memref<10000x256xf32, #tpu.memory_space<hbm>> -> memref<10000x256xf32, #tpu.memory_space<hbm>>
    tpu.enqueue_indirect_dma source(%dma_start3A_33 : memref<10000x256xf32, #tpu.memory_space<hbm>>) target(%arg17 : memref<80x256xf32, #tpu.memory_space<vmem>>) offsets(%arg10 : memref<80xi32, #tpu.memory_space<vmem>>) semaphore(%arg23 : memref<!tpu.dma_semaphore, #tpu.memory_space<semaphore_mem>>)
    %dma_start3A_34 = arith.constant 0 : i32
    %dma_start3A_35 = arith.constant 0 : i32
    %dma_start3A_36 = tpu.memref_slice %arg6[%dma_start3A_34, %dma_start3A_35] : memref<10000x16xf32, #tpu.memory_space<hbm>> -> memref<10000x16xf32, #tpu.memory_space<hbm>>
    tpu.enqueue_indirect_dma source(%dma_start3A_36 : memref<10000x16xf32, #tpu.memory_space<hbm>>) target(%arg8 : memref<80x16xf32, #tpu.memory_space<vmem>>) offsets(%arg12 : memref<80xi32, #tpu.memory_space<vmem>>) semaphore(%arg23 : memref<!tpu.dma_semaphore, #tpu.memory_space<semaphore_mem>>)
    %add3A_37 = arith.constant 80 : i32
    %add3A_38 = arith.addi %mul3A_2, %add3A_37 : i32
    %dma_start3A_39 = tpu.memref_slice %arg3[%add3A_38] : memref<320000xi32, #tpu.memory_space<hbm>> -> memref<80xi32, #tpu.memory_space<hbm>>
    %dma_start3A_40 = tpu.memref_slice %arg3[%add3A_38] : memref<320000xi32, #tpu.memory_space<hbm>> -> memref<80xi32, #tpu.memory_space<hbm>>
    tpu.enqueue_dma source(%dma_start3A_40 : memref<80xi32, #tpu.memory_space<hbm>>) target(%arg11 : memref<80xi32, #tpu.memory_space<vmem>>) target_semaphore(%arg22 : memref<!tpu.dma_semaphore, #tpu.memory_space<semaphore_mem>>)
    %dma_start3A_41 = tpu.memref_slice %arg4[%add3A_38] : memref<320000xi32, #tpu.memory_space<hbm>> -> memref<80xi32, #tpu.memory_space<hbm>>
    %dma_start3A_42 = tpu.memref_slice %arg4[%add3A_38] : memref<320000xi32, #tpu.memory_space<hbm>> -> memref<80xi32, #tpu.memory_space<hbm>>
    tpu.enqueue_dma source(%dma_start3A_42 : memref<80xi32, #tpu.memory_space<hbm>>) target(%arg13 : memref<80xi32, #tpu.memory_space<vmem>>) target_semaphore(%arg22 : memref<!tpu.dma_semaphore, #tpu.memory_space<semaphore_mem>>)
    %dma_start3A_43 = arith.constant 0 : i32
    %dma_start3A_44 = tpu.memref_slice %arg5[%add3A_38, %dma_start3A_43] : memref<320000x4xf32, #tpu.memory_space<hbm>> -> memref<80x4xf32, #tpu.memory_space<hbm>>
    %dma_start3A_45 = arith.constant 0 : i32
    %dma_start3A_46 = tpu.memref_slice %arg5[%add3A_38, %dma_start3A_45] : memref<320000x4xf32, #tpu.memory_space<hbm>> -> memref<80x4xf32, #tpu.memory_space<hbm>>
    tpu.enqueue_dma source(%dma_start3A_46 : memref<80x4xf32, #tpu.memory_space<hbm>>) target(%arg15 : memref<80x4xf32, #tpu.memory_space<vmem>>) target_semaphore(%arg22 : memref<!tpu.dma_semaphore, #tpu.memory_space<semaphore_mem>>)
    %scan3A_47 = arith.constant 0 : i32
    %scan3A_48 = arith.constant 62 : i32
    %scan3A_49 = arith.addi %scan3A_47, %scan3A_48 : i32
    %scan3A_50 = arith.constant 1 : i32
    scf.for %scan3A_73 = %scan3A_47 to %scan3A_49 step %scan3A_50  : i32 {
      %mul3A_74 = arith.constant 2 : i32
      %mul3A_75 = arith.muli %scan3A_73, %mul3A_74 : i32
      %add3A_76 = arith.constant 0 : i32
      %add3A_77 = arith.addi %add3A_76, %mul3A_75 : i32
      %add3A_78 = arith.constant 0 : i32
      %add3A_79 = arith.addi %add3A_77, %add3A_78 : i32
      %dma_wait3A_80 = arith.constant 0 : i32
      %dma_wait3A_81 = arith.constant 0 : i32
      %dma_wait3A_82 = tpu.memref_slice %arg2[%dma_wait3A_80, %dma_wait3A_81] : memref<10000x256xf32, #tpu.memory_space<hbm>> -> memref<10000x256xf32, #tpu.memory_space<hbm>>
      tpu.wait_indirect_dma semaphore(%arg23 : memref<!tpu.dma_semaphore, #tpu.memory_space<semaphore_mem>>) src(%dma_wait3A_82 : memref<10000x256xf32, #tpu.memory_space<hbm>>) dst(%arg17 : memref<80x256xf32, #tpu.memory_space<vmem>>)
      %dma_wait3A_83 = arith.constant 0 : i32
      %dma_wait3A_84 = arith.constant 0 : i32
      %dma_wait3A_85 = tpu.memref_slice %arg6[%dma_wait3A_83, %dma_wait3A_84] : memref<10000x16xf32, #tpu.memory_space<hbm>> -> memref<10000x16xf32, #tpu.memory_space<hbm>>
      tpu.wait_indirect_dma semaphore(%arg23 : memref<!tpu.dma_semaphore, #tpu.memory_space<semaphore_mem>>) src(%dma_wait3A_85 : memref<10000x16xf32, #tpu.memory_space<hbm>>) dst(%arg8 : memref<80x16xf32, #tpu.memory_space<vmem>>)
      %add3A_86 = arith.constant 1 : i32
      %add3A_87 = arith.addi %add3A_79, %add3A_86 : i32
      %mul3A_88 = arith.constant 80 : i32
      %mul3A_89 = arith.muli %add3A_87, %mul3A_88 : i32
      %add3A_90 = arith.addi %mul3A_2, %mul3A_89 : i32
      %dma_wait3A_91 = tpu.memref_slice %arg3[%add3A_90] : memref<320000xi32, #tpu.memory_space<hbm>> -> memref<80xi32, #tpu.memory_space<hbm>>
      %dma_wait3A_92 = tpu.memref_slice %arg3[%add3A_90] : memref<320000xi32, #tpu.memory_space<hbm>> -> memref<80xi32, #tpu.memory_space<hbm>>
      tpu.wait_dma2 semaphore(%arg22 : memref<!tpu.dma_semaphore, #tpu.memory_space<semaphore_mem>>) src(%dma_wait3A_92 : memref<80xi32, #tpu.memory_space<hbm>>) dst(%arg11 : memref<80xi32, #tpu.memory_space<vmem>>)
      %dma_wait3A_93 = tpu.memref_slice %arg4[%add3A_90] : memref<320000xi32, #tpu.memory_space<hbm>> -> memref<80xi32, #tpu.memory_space<hbm>>
      %dma_wait3A_94 = tpu.memref_slice %arg4[%add3A_90] : memref<320000xi32, #tpu.memory_space<hbm>> -> memref<80xi32, #tpu.memory_space<hbm>>
      tpu.wait_dma2 semaphore(%arg22 : memref<!tpu.dma_semaphore, #tpu.memory_space<semaphore_mem>>) src(%dma_wait3A_94 : memref<80xi32, #tpu.memory_space<hbm>>) dst(%arg13 : memref<80xi32, #tpu.memory_space<vmem>>)
      %dma_wait3A_95 = arith.constant 0 : i32
      %dma_wait3A_96 = tpu.memref_slice %arg5[%add3A_90, %dma_wait3A_95] : memref<320000x4xf32, #tpu.memory_space<hbm>> -> memref<80x4xf32, #tpu.memory_space<hbm>>
      %dma_wait3A_97 = arith.constant 0 : i32
      %dma_wait3A_98 = tpu.memref_slice %arg5[%add3A_90, %dma_wait3A_97] : memref<320000x4xf32, #tpu.memory_space<hbm>> -> memref<80x4xf32, #tpu.memory_space<hbm>>
      tpu.wait_dma2 semaphore(%arg22 : memref<!tpu.dma_semaphore, #tpu.memory_space<semaphore_mem>>) src(%dma_wait3A_98 : memref<80x4xf32, #tpu.memory_space<hbm>>) dst(%arg15 : memref<80x4xf32, #tpu.memory_space<vmem>>)
      %dma_start3A_99 = arith.constant 0 : i32
      %dma_start3A_100 = arith.constant 0 : i32
      %dma_start3A_101 = tpu.memref_slice %arg2[%dma_start3A_99, %dma_start3A_100] : memref<10000x256xf32, #tpu.memory_space<hbm>> -> memref<10000x256xf32, #tpu.memory_space<hbm>>
      tpu.enqueue_indirect_dma source(%dma_start3A_101 : memref<10000x256xf32, #tpu.memory_space<hbm>>) target(%arg18 : memref<80x256xf32, #tpu.memory_space<vmem>>) offsets(%arg11 : memref<80xi32, #tpu.memory_space<vmem>>) semaphore(%arg24 : memref<!tpu.dma_semaphore, #tpu.memory_space<semaphore_mem>>)
      %dma_start3A_102 = arith.constant 0 : i32
      %dma_start3A_103 = arith.constant 0 : i32
      %dma_start3A_104 = tpu.memref_slice %arg6[%dma_start3A_102, %dma_start3A_103] : memref<10000x16xf32, #tpu.memory_space<hbm>> -> memref<10000x16xf32, #tpu.memory_space<hbm>>
      tpu.enqueue_indirect_dma source(%dma_start3A_104 : memref<10000x16xf32, #tpu.memory_space<hbm>>) target(%arg9 : memref<80x16xf32, #tpu.memory_space<vmem>>) offsets(%arg13 : memref<80xi32, #tpu.memory_space<vmem>>) semaphore(%arg24 : memref<!tpu.dma_semaphore, #tpu.memory_space<semaphore_mem>>)
      %scan3A_105 = arith.constant 0 : i32
      %scan3A_106 = arith.constant 5 : i32
      %scan3A_107 = arith.addi %scan3A_105, %scan3A_106 : i32
      %scan3A_108 = arith.constant 1 : i32
      scf.for %scan3A_163 = %scan3A_105 to %scan3A_107 step %scan3A_108  : i32 {
        %mul3A_164 = arith.constant 16 : i32
        %mul3A_165 = arith.muli %scan3A_163, %mul3A_164 : i32
        %add3A_166 = arith.constant 0 : i32
        %add3A_167 = arith.addi %add3A_166, %mul3A_165 : i32
        %iota3A = tpu.iota {dimensions = array<i32: 0>} : vector<16xi32>
        %add3A_168 = vector.broadcast %add3A_167 : i32 to vector<16xi32>
        %add3A_169 = arith.addi %iota3A, %add3A_168 : vector<16xi32>
        %broadcast_in_dim3A_170 = arith.constant 0 : i32
        %broadcast_in_dim3A_171 = vector.broadcast %broadcast_in_dim3A_170 : i32 to vector<16xi32>
        %gather3A = tpu.vector_load_idx %arg14[%add3A_169, %broadcast_in_dim3A_171] : memref<80x4xf32, #tpu.memory_space<vmem>>[vector<16xi32>, vector<16xi32>], vector<16xf32>,
        %gather3A_172 = tpu.vector_load_idx %arg8[%add3A_169, %broadcast_in_dim3A_171] : memref<80x16xf32, #tpu.memory_space<vmem>>[vector<16xi32>, vector<16xi32>], vector<16xf32>,
        %mul3A_173 = arith.mulf %gather3A, %gather3A_172 : vector<16xf32>
        tpu.vector_store_idx %arg16[%add3A_169, %broadcast_in_dim3A_171], %mul3A_173 : memref<80x16xf32, #tpu.memory_space<vmem>>[vector<16xi32>, vector<16xi32>], vector<16xf32>,
        %broadcast_in_dim3A_174 = arith.constant 1 : i32
        %broadcast_in_dim3A_175 = vector.broadcast %broadcast_in_dim3A_174 : i32 to vector<16xi32>
        %gather3A_176 = tpu.vector_load_idx %arg14[%add3A_169, %broadcast_in_dim3A_175] : memref<80x4xf32, #tpu.memory_space<vmem>>[vector<16xi32>, vector<16xi32>], vector<16xf32>,
        %gather3A_177 = tpu.vector_load_idx %arg8[%add3A_169, %broadcast_in_dim3A_175] : memref<80x16xf32, #tpu.memory_space<vmem>>[vector<16xi32>, vector<16xi32>], vector<16xf32>,
        %mul3A_178 = arith.mulf %gather3A_176, %gather3A_177 : vector<16xf32>
        tpu.vector_store_idx %arg16[%add3A_169, %broadcast_in_dim3A_175], %mul3A_178 : memref<80x16xf32, #tpu.memory_space<vmem>>[vector<16xi32>, vector<16xi32>], vector<16xf32>,
        %broadcast_in_dim3A_179 = arith.constant 2 : i32
        %broadcast_in_dim3A_180 = vector.broadcast %broadcast_in_dim3A_179 : i32 to vector<16xi32>
        %gather3A_181 = tpu.vector_load_idx %arg14[%add3A_169, %broadcast_in_dim3A_180] : memref<80x4xf32, #tpu.memory_space<vmem>>[vector<16xi32>, vector<16xi32>], vector<16xf32>,
        %gather3A_182 = tpu.vector_load_idx %arg8[%add3A_169, %broadcast_in_dim3A_180] : memref<80x16xf32, #tpu.memory_space<vmem>>[vector<16xi32>, vector<16xi32>], vector<16xf32>,
        %mul3A_183 = arith.mulf %gather3A_181, %gather3A_182 : vector<16xf32>
        tpu.vector_store_idx %arg16[%add3A_169, %broadcast_in_dim3A_180], %mul3A_183 : memref<80x16xf32, #tpu.memory_space<vmem>>[vector<16xi32>, vector<16xi32>], vector<16xf32>,
        %broadcast_in_dim3A_184 = arith.constant 3 : i32
        %broadcast_in_dim3A_185 = vector.broadcast %broadcast_in_dim3A_184 : i32 to vector<16xi32>
        %gather3A_186 = tpu.vector_load_idx %arg14[%add3A_169, %broadcast_in_dim3A_185] : memref<80x4xf32, #tpu.memory_space<vmem>>[vector<16xi32>, vector<16xi32>], vector<16xf32>,
        %gather3A_187 = tpu.vector_load_idx %arg8[%add3A_169, %broadcast_in_dim3A_185] : memref<80x16xf32, #tpu.memory_space<vmem>>[vector<16xi32>, vector<16xi32>], vector<16xf32>,
        %mul3A_188 = arith.mulf %gather3A_186, %gather3A_187 : vector<16xf32>
        tpu.vector_store_idx %arg16[%add3A_169, %broadcast_in_dim3A_185], %mul3A_188 : memref<80x16xf32, #tpu.memory_space<vmem>>[vector<16xi32>, vector<16xi32>], vector<16xf32>,
      }
      %scan3A_109 = arith.constant 5 : i32
      %scan3A_110 = arith.constant 0 : i32
      %scan3A_111 = arith.constant 80 : i32
      %scan3A_112 = arith.addi %scan3A_110, %scan3A_111 : i32
      %scan3A_113 = arith.constant 1 : i32
      scf.for %scan3A_163 = %scan3A_110 to %scan3A_112 step %scan3A_113  : i32 {
        %mul3A_164 = arith.constant 1 : i32
        %mul3A_165 = arith.muli %scan3A_163, %mul3A_164 : i32
        %add3A_166 = arith.constant 0 : i32
        %add3A_167 = arith.addi %add3A_166, %mul3A_165 : i32
        %get3A = arith.index_cast %add3A_167 : i32 to index
        %get3A_168 = arith.constant 0 : index
        %get3A_169 = tpu.vector_load %arg16[%get3A, %get3A_168] {strides = array<i32>} : memref<80x16xf32, #tpu.memory_space<vmem>>, vector<16xf32>,
        %slice3A = vector.extract_strided_slice %get3A_169 {offsets = [0], sizes = [1], strides = [1]} : vector<16xf32> to vector<1xf32>
        %squeeze3A = vector.extract %slice3A[0] : f32 from vector<1xf32>
        %slice3A_170 = vector.extract_strided_slice %get3A_169 {offsets = [1], sizes = [1], strides = [1]} : vector<16xf32> to vector<1xf32>
        %squeeze3A_171 = vector.extract %slice3A_170[0] : f32 from vector<1xf32>
        %slice3A_172 = vector.extract_strided_slice %get3A_169 {offsets = [2], sizes = [1], strides = [1]} : vector<16xf32> to vector<1xf32>
        %squeeze3A_173 = vector.extract %slice3A_172[0] : f32 from vector<1xf32>
        %slice3A_174 = vector.extract_strided_slice %get3A_169 {offsets = [3], sizes = [1], strides = [1]} : vector<16xf32> to vector<1xf32>
        %squeeze3A_175 = vector.extract %slice3A_174[0] : f32 from vector<1xf32>
        %get3A_176 = arith.index_cast %add3A_167 : i32 to index
        %get3A_177 = arith.constant 0 : index
        %get3A_178 = tpu.vector_load %arg17[%get3A_176, %get3A_177] {strides = array<i32>} : memref<80x256xf32, #tpu.memory_space<vmem>>, vector<16xf32>,
        %mul3A_179 = vector.broadcast %squeeze3A : f32 to vector<16xf32>
        %mul3A_180 = arith.mulf %mul3A_179, %get3A_178 : vector<16xf32>
        %get3A_181 = arith.index_cast %add3A_167 : i32 to index
        %get3A_182 = arith.constant 64 : index
        %get3A_183 = tpu.vector_load %arg17[%get3A_181, %get3A_182] {strides = array<i32>} : memref<80x256xf32, #tpu.memory_space<vmem>>, vector<16xf32>,
        %mul3A_184 = vector.broadcast %squeeze3A_171 : f32 to vector<16xf32>
        %mul3A_185 = arith.mulf %mul3A_184, %get3A_183 : vector<16xf32>
        %add3A_186 = arith.addf %mul3A_180, %mul3A_185 : vector<16xf32>
        %get3A_187 = arith.index_cast %add3A_167 : i32 to index
        %get3A_188 = arith.constant 128 : index
        %get3A_189 = tpu.vector_load %arg17[%get3A_187, %get3A_188] {strides = array<i32>} : memref<80x256xf32, #tpu.memory_space<vmem>>, vector<16xf32>,
        %mul3A_190 = vector.broadcast %squeeze3A_173 : f32 to vector<16xf32>
        %mul3A_191 = arith.mulf %mul3A_190, %get3A_189 : vector<16xf32>
        %add3A_192 = arith.addf %add3A_186, %mul3A_191 : vector<16xf32>
        %get3A_193 = arith.index_cast %add3A_167 : i32 to index
        %get3A_194 = arith.constant 192 : index
        %get3A_195 = tpu.vector_load %arg17[%get3A_193, %get3A_194] {strides = array<i32>} : memref<80x256xf32, #tpu.memory_space<vmem>>, vector<16xf32>,
        %mul3A_196 = vector.broadcast %squeeze3A_175 : f32 to vector<16xf32>
        %mul3A_197 = arith.mulf %mul3A_196, %get3A_195 : vector<16xf32>
        %add3A_198 = arith.addf %add3A_192, %mul3A_197 : vector<16xf32>
        %swap3A = arith.index_cast %add3A_167 : i32 to index
        %swap3A_199 = arith.constant 0 : index
        %swap3A_200 = tpu.vector_load %arg19[%swap3A, %swap3A_199] {strides = array<i32>} : memref<80x64xf32, #tpu.memory_space<vmem>>, vector<16xf32>,
        tpu.vector_store %arg19[%swap3A, %swap3A_199], %add3A_198 {strides = array<i32>} : memref<80x64xf32, #tpu.memory_space<vmem>>, vector<16xf32>,
        %get3A_201 = arith.index_cast %add3A_167 : i32 to index
        %get3A_202 = arith.constant 16 : index
        %get3A_203 = tpu.vector_load %arg17[%get3A_201, %get3A_202] {strides = array<i32>} : memref<80x256xf32, #tpu.memory_space<vmem>>, vector<16xf32>,
        %mul3A_204 = vector.broadcast %squeeze3A : f32 to vector<16xf32>
        %mul3A_205 = arith.mulf %mul3A_204, %get3A_203 : vector<16xf32>
        %get3A_206 = arith.index_cast %add3A_167 : i32 to index
        %get3A_207 = arith.constant 80 : index
        %get3A_208 = tpu.vector_load %arg17[%get3A_206, %get3A_207] {strides = array<i32>} : memref<80x256xf32, #tpu.memory_space<vmem>>, vector<16xf32>,
        %mul3A_209 = vector.broadcast %squeeze3A_171 : f32 to vector<16xf32>
        %mul3A_210 = arith.mulf %mul3A_209, %get3A_208 : vector<16xf32>
        %add3A_211 = arith.addf %mul3A_205, %mul3A_210 : vector<16xf32>
        %get3A_212 = arith.index_cast %add3A_167 : i32 to index
        %get3A_213 = arith.constant 144 : index
        %get3A_214 = tpu.vector_load %arg17[%get3A_212, %get3A_213] {strides = array<i32>} : memref<80x256xf32, #tpu.memory_space<vmem>>, vector<16xf32>,
        %mul3A_215 = vector.broadcast %squeeze3A_173 : f32 to vector<16xf32>
        %mul3A_216 = arith.mulf %mul3A_215, %get3A_214 : vector<16xf32>
        %add3A_217 = arith.addf %add3A_211, %mul3A_216 : vector<16xf32>
        %get3A_218 = arith.index_cast %add3A_167 : i32 to index
        %get3A_219 = arith.constant 208 : index
        %get3A_220 = tpu.vector_load %arg17[%get3A_218, %get3A_219] {strides = array<i32>} : memref<80x256xf32, #tpu.memory_space<vmem>>, vector<16xf32>,
        %mul3A_221 = vector.broadcast %squeeze3A_175 : f32 to vector<16xf32>
        %mul3A_222 = arith.mulf %mul3A_221, %get3A_220 : vector<16xf32>
        %add3A_223 = arith.addf %add3A_217, %mul3A_222 : vector<16xf32>
        %swap3A_224 = arith.index_cast %add3A_167 : i32 to index
        %swap3A_225 = arith.constant 16 : index
        %swap3A_226 = tpu.vector_load %arg19[%swap3A_224, %swap3A_225] {strides = array<i32>} : memref<80x64xf32, #tpu.memory_space<vmem>>, vector<16xf32>,
        tpu.vector_store %arg19[%swap3A_224, %swap3A_225], %add3A_223 {strides = array<i32>} : memref<80x64xf32, #tpu.memory_space<vmem>>, vector<16xf32>,
        %get3A_227 = arith.index_cast %add3A_167 : i32 to index
        %get3A_228 = arith.constant 32 : index
        %get3A_229 = tpu.vector_load %arg17[%get3A_227, %get3A_228] {strides = array<i32>} : memref<80x256xf32, #tpu.memory_space<vmem>>, vector<16xf32>,
        %mul3A_230 = vector.broadcast %squeeze3A : f32 to vector<16xf32>
        %mul3A_231 = arith.mulf %mul3A_230, %get3A_229 : vector<16xf32>
        %get3A_232 = arith.index_cast %add3A_167 : i32 to index
        %get3A_233 = arith.constant 96 : index
        %get3A_234 = tpu.vector_load %arg17[%get3A_232, %get3A_233] {strides = array<i32>} : memref<80x256xf32, #tpu.memory_space<vmem>>, vector<16xf32>,
        %mul3A_235 = vector.broadcast %squeeze3A_171 : f32 to vector<16xf32>
        %mul3A_236 = arith.mulf %mul3A_235, %get3A_234 : vector<16xf32>
        %add3A_237 = arith.addf %mul3A_231, %mul3A_236 : vector<16xf32>
        %get3A_238 = arith.index_cast %add3A_167 : i32 to index
        %get3A_239 = arith.constant 160 : index
        %get3A_240 = tpu.vector_load %arg17[%get3A_238, %get3A_239] {strides = array<i32>} : memref<80x256xf32, #tpu.memory_space<vmem>>, vector<16xf32>,
        %mul3A_241 = vector.broadcast %squeeze3A_173 : f32 to vector<16xf32>
        %mul3A_242 = arith.mulf %mul3A_241, %get3A_240 : vector<16xf32>
        %add3A_243 = arith.addf %add3A_237, %mul3A_242 : vector<16xf32>
        %get3A_244 = arith.index_cast %add3A_167 : i32 to index
        %get3A_245 = arith.constant 224 : index
        %get3A_246 = tpu.vector_load %arg17[%get3A_244, %get3A_245] {strides = array<i32>} : memref<80x256xf32, #tpu.memory_space<vmem>>, vector<16xf32>,
        %mul3A_247 = vector.broadcast %squeeze3A_175 : f32 to vector<16xf32>
        %mul3A_248 = arith.mulf %mul3A_247, %get3A_246 : vector<16xf32>
        %add3A_249 = arith.addf %add3A_243, %mul3A_248 : vector<16xf32>
        %swap3A_250 = arith.index_cast %add3A_167 : i32 to index
        %swap3A_251 = arith.constant 32 : index
        %swap3A_252 = tpu.vector_load %arg19[%swap3A_250, %swap3A_251] {strides = array<i32>} : memref<80x64xf32, #tpu.memory_space<vmem>>, vector<16xf32>,
        tpu.vector_store %arg19[%swap3A_250, %swap3A_251], %add3A_249 {strides = array<i32>} : memref<80x64xf32, #tpu.memory_space<vmem>>, vector<16xf32>,
        %get3A_253 = arith.index_cast %add3A_167 : i32 to index
        %get3A_254 = arith.constant 48 : index
        %get3A_255 = tpu.vector_load %arg17[%get3A_253, %get3A_254] {strides = array<i32>} : memref<80x256xf32, #tpu.memory_space<vmem>>, vector<16xf32>,
        %mul3A_256 = vector.broadcast %squeeze3A : f32 to vector<16xf32>
        %mul3A_257 = arith.mulf %mul3A_256, %get3A_255 : vector<16xf32>
        %get3A_258 = arith.index_cast %add3A_167 : i32 to index
        %get3A_259 = arith.constant 112 : index
        %get3A_260 = tpu.vector_load %arg17[%get3A_258, %get3A_259] {strides = array<i32>} : memref<80x256xf32, #tpu.memory_space<vmem>>, vector<16xf32>,
        %mul3A_261 = vector.broadcast %squeeze3A_171 : f32 to vector<16xf32>
        %mul3A_262 = arith.mulf %mul3A_261, %get3A_260 : vector<16xf32>
        %add3A_263 = arith.addf %mul3A_257, %mul3A_262 : vector<16xf32>
        %get3A_264 = arith.index_cast %add3A_167 : i32 to index
        %get3A_265 = arith.constant 176 : index
        %get3A_266 = tpu.vector_load %arg17[%get3A_264, %get3A_265] {strides = array<i32>} : memref<80x256xf32, #tpu.memory_space<vmem>>, vector<16xf32>,
        %mul3A_267 = vector.broadcast %squeeze3A_173 : f32 to vector<16xf32>
        %mul3A_268 = arith.mulf %mul3A_267, %get3A_266 : vector<16xf32>
        %add3A_269 = arith.addf %add3A_263, %mul3A_268 : vector<16xf32>
        %get3A_270 = arith.index_cast %add3A_167 : i32 to index
        %get3A_271 = arith.constant 240 : index
        %get3A_272 = tpu.vector_load %arg17[%get3A_270, %get3A_271] {strides = array<i32>} : memref<80x256xf32, #tpu.memory_space<vmem>>, vector<16xf32>,
        %mul3A_273 = vector.broadcast %squeeze3A_175 : f32 to vector<16xf32>
        %mul3A_274 = arith.mulf %mul3A_273, %get3A_272 : vector<16xf32>
        %add3A_275 = arith.addf %add3A_269, %mul3A_274 : vector<16xf32>
        %swap3A_276 = arith.index_cast %add3A_167 : i32 to index
        %swap3A_277 = arith.constant 48 : index
        %swap3A_278 = tpu.vector_load %arg19[%swap3A_276, %swap3A_277] {strides = array<i32>} : memref<80x64xf32, #tpu.memory_space<vmem>>, vector<16xf32>,
        tpu.vector_store %arg19[%swap3A_276, %swap3A_277], %add3A_275 {strides = array<i32>} : memref<80x64xf32, #tpu.memory_space<vmem>>, vector<16xf32>,
      }
      %scan3A_114 = arith.constant 80 : i32
      "tpu.region"() ({
        %run_scoped3A = tpu.sem_alloc : memref<!tpu.dma_semaphore, #tpu.memory_space<semaphore_mem>>
        %dma_start3A_163 = arith.constant 0 : i32
        %dma_start3A_164 = arith.constant 0 : i32
        %dma_start3A_165 = tpu.memref_slice %arg20[%dma_start3A_163, %dma_start3A_164] : memref<10240x64xf32, #tpu.memory_space<vmem_shared>> -> memref<10240x64xf32, #tpu.memory_space<vmem_shared>>
        tpu.enqueue_indirect_dma source(%arg19 : memref<80x64xf32, #tpu.memory_space<vmem>>) target(%dma_start3A_165 : memref<10240x64xf32, #tpu.memory_space<vmem_shared>>) offsets(%arg12 : memref<80xi32, #tpu.memory_space<vmem>>) semaphore(%run_scoped3A : memref<!tpu.dma_semaphore, #tpu.memory_space<semaphore_mem>>) {add = true}
        %dma_wait3A_166 = arith.constant 0 : i32
        %dma_wait3A_167 = arith.constant 0 : i32
        %dma_wait3A_168 = tpu.memref_slice %arg20[%dma_wait3A_166, %dma_wait3A_167] : memref<10240x64xf32, #tpu.memory_space<vmem_shared>> -> memref<10240x64xf32, #tpu.memory_space<vmem_shared>>
        tpu.wait_indirect_dma semaphore(%run_scoped3A : memref<!tpu.dma_semaphore, #tpu.memory_space<semaphore_mem>>) src(%arg19 : memref<80x64xf32, #tpu.memory_space<vmem>>) dst(%dma_wait3A_168 : memref<10240x64xf32, #tpu.memory_space<vmem_shared>>)
        tpu.yield
      }) : () -> ()
      %add3A_115 = arith.constant 2 : i32
      %add3A_116 = arith.addi %add3A_79, %add3A_115 : i32
      %lt3A = arith.constant 125 : i32
      %lt3A_117 = arith.cmpi slt, %add3A_116, %lt3A : i32
      %convert_element_type3A = arith.extui %lt3A_117 : i1 to i32
      %cond3A = arith.constant 0 : i32
      %cond3A_118 = arith.cmpi ne, %convert_element_type3A, %cond3A : i32
      scf.if %cond3A_118 {
        %add3A_163 = arith.constant 2 : i32
        %add3A_164 = arith.addi %add3A_79, %add3A_163 : i32
        %mul3A_165 = arith.constant 80 : i32
        %mul3A_166 = arith.muli %add3A_164, %mul3A_165 : i32
        %add3A_167 = arith.addi %mul3A_2, %mul3A_166 : i32
        %dma_start3A_168 = tpu.memref_slice %arg3[%add3A_167] : memref<320000xi32, #tpu.memory_space<hbm>> -> memref<80xi32, #tpu.memory_space<hbm>>
        %dma_start3A_169 = tpu.memref_slice %arg3[%add3A_167] : memref<320000xi32, #tpu.memory_space<hbm>> -> memref<80xi32, #tpu.memory_space<hbm>>
        tpu.enqueue_dma source(%dma_start3A_169 : memref<80xi32, #tpu.memory_space<hbm>>) target(%arg10 : memref<80xi32, #tpu.memory_space<vmem>>) target_semaphore(%arg21 : memref<!tpu.dma_semaphore, #tpu.memory_space<semaphore_mem>>)
        %dma_start3A_170 = tpu.memref_slice %arg4[%add3A_167] : memref<320000xi32, #tpu.memory_space<hbm>> -> memref<80xi32, #tpu.memory_space<hbm>>
        %dma_start3A_171 = tpu.memref_slice %arg4[%add3A_167] : memref<320000xi32, #tpu.memory_space<hbm>> -> memref<80xi32, #tpu.memory_space<hbm>>
        tpu.enqueue_dma source(%dma_start3A_171 : memref<80xi32, #tpu.memory_space<hbm>>) target(%arg12 : memref<80xi32, #tpu.memory_space<vmem>>) target_semaphore(%arg21 : memref<!tpu.dma_semaphore, #tpu.memory_space<semaphore_mem>>)
        %dma_start3A_172 = arith.constant 0 : i32
        %dma_start3A_173 = tpu.memref_slice %arg5[%add3A_167, %dma_start3A_172] : memref<320000x4xf32, #tpu.memory_space<hbm>> -> memref<80x4xf32, #tpu.memory_space<hbm>>
        %dma_start3A_174 = arith.constant 0 : i32
        %dma_start3A_175 = tpu.memref_slice %arg5[%add3A_167, %dma_start3A_174] : memref<320000x4xf32, #tpu.memory_space<hbm>> -> memref<80x4xf32, #tpu.memory_space<hbm>>
        tpu.enqueue_dma source(%dma_start3A_175 : memref<80x4xf32, #tpu.memory_space<hbm>>) target(%arg14 : memref<80x4xf32, #tpu.memory_space<vmem>>) target_semaphore(%arg21 : memref<!tpu.dma_semaphore, #tpu.memory_space<semaphore_mem>>)
      } else {
      }
      %add3A_119 = arith.constant 1 : i32
      %add3A_120 = arith.addi %add3A_77, %add3A_119 : i32
      %dma_wait3A_121 = arith.constant 0 : i32
      %dma_wait3A_122 = arith.constant 0 : i32
      %dma_wait3A_123 = tpu.memref_slice %arg2[%dma_wait3A_121, %dma_wait3A_122] : memref<10000x256xf32, #tpu.memory_space<hbm>> -> memref<10000x256xf32, #tpu.memory_space<hbm>>
      tpu.wait_indirect_dma semaphore(%arg24 : memref<!tpu.dma_semaphore, #tpu.memory_space<semaphore_mem>>) src(%dma_wait3A_123 : memref<10000x256xf32, #tpu.memory_space<hbm>>) dst(%arg18 : memref<80x256xf32, #tpu.memory_space<vmem>>)
      %dma_wait3A_124 = arith.constant 0 : i32
      %dma_wait3A_125 = arith.constant 0 : i32
      %dma_wait3A_126 = tpu.memref_slice %arg6[%dma_wait3A_124, %dma_wait3A_125] : memref<10000x16xf32, #tpu.memory_space<hbm>> -> memref<10000x16xf32, #tpu.memory_space<hbm>>
      tpu.wait_indirect_dma semaphore(%arg24 : memref<!tpu.dma_semaphore, #tpu.memory_space<semaphore_mem>>) src(%dma_wait3A_126 : memref<10000x16xf32, #tpu.memory_space<hbm>>) dst(%arg9 : memref<80x16xf32, #tpu.memory_space<vmem>>)
      %add3A_127 = arith.constant 1 : i32
      %add3A_128 = arith.addi %add3A_120, %add3A_127 : i32
      %mul3A_129 = arith.constant 80 : i32
      %mul3A_130 = arith.muli %add3A_128, %mul3A_129 : i32
      %add3A_131 = arith.addi %mul3A_2, %mul3A_130 : i32
      %dma_wait3A_132 = tpu.memref_slice %arg3[%add3A_131] : memref<320000xi32, #tpu.memory_space<hbm>> -> memref<80xi32, #tpu.memory_space<hbm>>
      %dma_wait3A_133 = tpu.memref_slice %arg3[%add3A_131] : memref<320000xi32, #tpu.memory_space<hbm>> -> memref<80xi32, #tpu.memory_space<hbm>>
      tpu.wait_dma2 semaphore(%arg21 : memref<!tpu.dma_semaphore, #tpu.memory_space<semaphore_mem>>) src(%dma_wait3A_133 : memref<80xi32, #tpu.memory_space<hbm>>) dst(%arg10 : memref<80xi32, #tpu.memory_space<vmem>>)
      %dma_wait3A_134 = tpu.memref_slice %arg4[%add3A_131] : memref<320000xi32, #tpu.memory_space<hbm>> -> memref<80xi32, #tpu.memory_space<hbm>>
      %dma_wait3A_135 = tpu.memref_slice %arg4[%add3A_131] : memref<320000xi32, #tpu.memory_space<hbm>> -> memref<80xi32, #tpu.memory_space<hbm>>
      tpu.wait_dma2 semaphore(%arg21 : memref<!tpu.dma_semaphore, #tpu.memory_space<semaphore_mem>>) src(%dma_wait3A_135 : memref<80xi32, #tpu.memory_space<hbm>>) dst(%arg12 : memref<80xi32, #tpu.memory_space<vmem>>)
      %dma_wait3A_136 = arith.constant 0 : i32
      %dma_wait3A_137 = tpu.memref_slice %arg5[%add3A_131, %dma_wait3A_136] : memref<320000x4xf32, #tpu.memory_space<hbm>> -> memref<80x4xf32, #tpu.memory_space<hbm>>
      %dma_wait3A_138 = arith.constant 0 : i32
      %dma_wait3A_139 = tpu.memref_slice %arg5[%add3A_131, %dma_wait3A_138] : memref<320000x4xf32, #tpu.memory_space<hbm>> -> memref<80x4xf32, #tpu.memory_space<hbm>>
      tpu.wait_dma2 semaphore(%arg21 : memref<!tpu.dma_semaphore, #tpu.memory_space<semaphore_mem>>) src(%dma_wait3A_139 : memref<80x4xf32, #tpu.memory_space<hbm>>) dst(%arg14 : memref<80x4xf32, #tpu.memory_space<vmem>>)
      %dma_start3A_140 = arith.constant 0 : i32
      %dma_start3A_141 = arith.constant 0 : i32
      %dma_start3A_142 = tpu.memref_slice %arg2[%dma_start3A_140, %dma_start3A_141] : memref<10000x256xf32, #tpu.memory_space<hbm>> -> memref<10000x256xf32, #tpu.memory_space<hbm>>
      tpu.enqueue_indirect_dma source(%dma_start3A_142 : memref<10000x256xf32, #tpu.memory_space<hbm>>) target(%arg17 : memref<80x256xf32, #tpu.memory_space<vmem>>) offsets(%arg10 : memref<80xi32, #tpu.memory_space<vmem>>) semaphore(%arg23 : memref<!tpu.dma_semaphore, #tpu.memory_space<semaphore_mem>>)
      %dma_start3A_143 = arith.constant 0 : i32
      %dma_start3A_144 = arith.constant 0 : i32
      %dma_start3A_145 = tpu.memref_slice %arg6[%dma_start3A_143, %dma_start3A_144] : memref<10000x16xf32, #tpu.memory_space<hbm>> -> memref<10000x16xf32, #tpu.memory_space<hbm>>
      tpu.enqueue_indirect_dma source(%dma_start3A_145 : memref<10000x16xf32, #tpu.memory_space<hbm>>) target(%arg8 : memref<80x16xf32, #tpu.memory_space<vmem>>) offsets(%arg12 : memref<80xi32, #tpu.memory_space<vmem>>) semaphore(%arg23 : memref<!tpu.dma_semaphore, #tpu.memory_space<semaphore_mem>>)
      %scan3A_146 = arith.constant 0 : i32
      %scan3A_147 = arith.constant 5 : i32
      %scan3A_148 = arith.addi %scan3A_146, %scan3A_147 : i32
      %scan3A_149 = arith.constant 1 : i32
      scf.for %scan3A_163 = %scan3A_146 to %scan3A_148 step %scan3A_149  : i32 {
        %mul3A_164 = arith.constant 16 : i32
        %mul3A_165 = arith.muli %scan3A_163, %mul3A_164 : i32
        %add3A_166 = arith.constant 0 : i32
        %add3A_167 = arith.addi %add3A_166, %mul3A_165 : i32
        %iota3A = tpu.iota {dimensions = array<i32: 0>} : vector<16xi32>
        %add3A_168 = vector.broadcast %add3A_167 : i32 to vector<16xi32>
        %add3A_169 = arith.addi %iota3A, %add3A_168 : vector<16xi32>
        %broadcast_in_dim3A_170 = arith.constant 0 : i32
        %broadcast_in_dim3A_171 = vector.broadcast %broadcast_in_dim3A_170 : i32 to vector<16xi32>
        %gather3A = tpu.vector_load_idx %arg15[%add3A_169, %broadcast_in_dim3A_171] : memref<80x4xf32, #tpu.memory_space<vmem>>[vector<16xi32>, vector<16xi32>], vector<16xf32>,
        %gather3A_172 = tpu.vector_load_idx %arg9[%add3A_169, %broadcast_in_dim3A_171] : memref<80x16xf32, #tpu.memory_space<vmem>>[vector<16xi32>, vector<16xi32>], vector<16xf32>,
        %mul3A_173 = arith.mulf %gather3A, %gather3A_172 : vector<16xf32>
        tpu.vector_store_idx %arg16[%add3A_169, %broadcast_in_dim3A_171], %mul3A_173 : memref<80x16xf32, #tpu.memory_space<vmem>>[vector<16xi32>, vector<16xi32>], vector<16xf32>,
        %broadcast_in_dim3A_174 = arith.constant 1 : i32
        %broadcast_in_dim3A_175 = vector.broadcast %broadcast_in_dim3A_174 : i32 to vector<16xi32>
        %gather3A_176 = tpu.vector_load_idx %arg15[%add3A_169, %broadcast_in_dim3A_175] : memref<80x4xf32, #tpu.memory_space<vmem>>[vector<16xi32>, vector<16xi32>], vector<16xf32>,
        %gather3A_177 = tpu.vector_load_idx %arg9[%add3A_169, %broadcast_in_dim3A_175] : memref<80x16xf32, #tpu.memory_space<vmem>>[vector<16xi32>, vector<16xi32>], vector<16xf32>,
        %mul3A_178 = arith.mulf %gather3A_176, %gather3A_177 : vector<16xf32>
        tpu.vector_store_idx %arg16[%add3A_169, %broadcast_in_dim3A_175], %mul3A_178 : memref<80x16xf32, #tpu.memory_space<vmem>>[vector<16xi32>, vector<16xi32>], vector<16xf32>,
        %broadcast_in_dim3A_179 = arith.constant 2 : i32
        %broadcast_in_dim3A_180 = vector.broadcast %broadcast_in_dim3A_179 : i32 to vector<16xi32>
        %gather3A_181 = tpu.vector_load_idx %arg15[%add3A_169, %broadcast_in_dim3A_180] : memref<80x4xf32, #tpu.memory_space<vmem>>[vector<16xi32>, vector<16xi32>], vector<16xf32>,
        %gather3A_182 = tpu.vector_load_idx %arg9[%add3A_169, %broadcast_in_dim3A_180] : memref<80x16xf32, #tpu.memory_space<vmem>>[vector<16xi32>, vector<16xi32>], vector<16xf32>,
        %mul3A_183 = arith.mulf %gather3A_181, %gather3A_182 : vector<16xf32>
        tpu.vector_store_idx %arg16[%add3A_169, %broadcast_in_dim3A_180], %mul3A_183 : memref<80x16xf32, #tpu.memory_space<vmem>>[vector<16xi32>, vector<16xi32>], vector<16xf32>,
        %broadcast_in_dim3A_184 = arith.constant 3 : i32
        %broadcast_in_dim3A_185 = vector.broadcast %broadcast_in_dim3A_184 : i32 to vector<16xi32>
        %gather3A_186 = tpu.vector_load_idx %arg15[%add3A_169, %broadcast_in_dim3A_185] : memref<80x4xf32, #tpu.memory_space<vmem>>[vector<16xi32>, vector<16xi32>], vector<16xf32>,
        %gather3A_187 = tpu.vector_load_idx %arg9[%add3A_169, %broadcast_in_dim3A_185] : memref<80x16xf32, #tpu.memory_space<vmem>>[vector<16xi32>, vector<16xi32>], vector<16xf32>,
        %mul3A_188 = arith.mulf %gather3A_186, %gather3A_187 : vector<16xf32>
        tpu.vector_store_idx %arg16[%add3A_169, %broadcast_in_dim3A_185], %mul3A_188 : memref<80x16xf32, #tpu.memory_space<vmem>>[vector<16xi32>, vector<16xi32>], vector<16xf32>,
      }
      %scan3A_150 = arith.constant 5 : i32
      %scan3A_151 = arith.constant 0 : i32
      %scan3A_152 = arith.constant 80 : i32
      %scan3A_153 = arith.addi %scan3A_151, %scan3A_152 : i32
      %scan3A_154 = arith.constant 1 : i32
      scf.for %scan3A_163 = %scan3A_151 to %scan3A_153 step %scan3A_154  : i32 {
        %mul3A_164 = arith.constant 1 : i32
        %mul3A_165 = arith.muli %scan3A_163, %mul3A_164 : i32
        %add3A_166 = arith.constant 0 : i32
        %add3A_167 = arith.addi %add3A_166, %mul3A_165 : i32
        %get3A = arith.index_cast %add3A_167 : i32 to index
        %get3A_168 = arith.constant 0 : index
        %get3A_169 = tpu.vector_load %arg16[%get3A, %get3A_168] {strides = array<i32>} : memref<80x16xf32, #tpu.memory_space<vmem>>, vector<16xf32>,
        %slice3A = vector.extract_strided_slice %get3A_169 {offsets = [0], sizes = [1], strides = [1]} : vector<16xf32> to vector<1xf32>
        %squeeze3A = vector.extract %slice3A[0] : f32 from vector<1xf32>
        %slice3A_170 = vector.extract_strided_slice %get3A_169 {offsets = [1], sizes = [1], strides = [1]} : vector<16xf32> to vector<1xf32>
        %squeeze3A_171 = vector.extract %slice3A_170[0] : f32 from vector<1xf32>
        %slice3A_172 = vector.extract_strided_slice %get3A_169 {offsets = [2], sizes = [1], strides = [1]} : vector<16xf32> to vector<1xf32>
        %squeeze3A_173 = vector.extract %slice3A_172[0] : f32 from vector<1xf32>
        %slice3A_174 = vector.extract_strided_slice %get3A_169 {offsets = [3], sizes = [1], strides = [1]} : vector<16xf32> to vector<1xf32>
        %squeeze3A_175 = vector.extract %slice3A_174[0] : f32 from vector<1xf32>
        %get3A_176 = arith.index_cast %add3A_167 : i32 to index
        %get3A_177 = arith.constant 0 : index
        %get3A_178 = tpu.vector_load %arg18[%get3A_176, %get3A_177] {strides = array<i32>} : memref<80x256xf32, #tpu.memory_space<vmem>>, vector<16xf32>,
        %mul3A_179 = vector.broadcast %squeeze3A : f32 to vector<16xf32>
        %mul3A_180 = arith.mulf %mul3A_179, %get3A_178 : vector<16xf32>
        %get3A_181 = arith.index_cast %add3A_167 : i32 to index
        %get3A_182 = arith.constant 64 : index
        %get3A_183 = tpu.vector_load %arg18[%get3A_181, %get3A_182] {strides = array<i32>} : memref<80x256xf32, #tpu.memory_space<vmem>>, vector<16xf32>,
        %mul3A_184 = vector.broadcast %squeeze3A_171 : f32 to vector<16xf32>
        %mul3A_185 = arith.mulf %mul3A_184, %get3A_183 : vector<16xf32>
        %add3A_186 = arith.addf %mul3A_180, %mul3A_185 : vector<16xf32>
        %get3A_187 = arith.index_cast %add3A_167 : i32 to index
        %get3A_188 = arith.constant 128 : index
        %get3A_189 = tpu.vector_load %arg18[%get3A_187, %get3A_188] {strides = array<i32>} : memref<80x256xf32, #tpu.memory_space<vmem>>, vector<16xf32>,
        %mul3A_190 = vector.broadcast %squeeze3A_173 : f32 to vector<16xf32>
        %mul3A_191 = arith.mulf %mul3A_190, %get3A_189 : vector<16xf32>
        %add3A_192 = arith.addf %add3A_186, %mul3A_191 : vector<16xf32>
        %get3A_193 = arith.index_cast %add3A_167 : i32 to index
        %get3A_194 = arith.constant 192 : index
        %get3A_195 = tpu.vector_load %arg18[%get3A_193, %get3A_194] {strides = array<i32>} : memref<80x256xf32, #tpu.memory_space<vmem>>, vector<16xf32>,
        %mul3A_196 = vector.broadcast %squeeze3A_175 : f32 to vector<16xf32>
        %mul3A_197 = arith.mulf %mul3A_196, %get3A_195 : vector<16xf32>
        %add3A_198 = arith.addf %add3A_192, %mul3A_197 : vector<16xf32>
        %swap3A = arith.index_cast %add3A_167 : i32 to index
        %swap3A_199 = arith.constant 0 : index
        %swap3A_200 = tpu.vector_load %arg19[%swap3A, %swap3A_199] {strides = array<i32>} : memref<80x64xf32, #tpu.memory_space<vmem>>, vector<16xf32>,
        tpu.vector_store %arg19[%swap3A, %swap3A_199], %add3A_198 {strides = array<i32>} : memref<80x64xf32, #tpu.memory_space<vmem>>, vector<16xf32>,
        %get3A_201 = arith.index_cast %add3A_167 : i32 to index
        %get3A_202 = arith.constant 16 : index
        %get3A_203 = tpu.vector_load %arg18[%get3A_201, %get3A_202] {strides = array<i32>} : memref<80x256xf32, #tpu.memory_space<vmem>>, vector<16xf32>,
        %mul3A_204 = vector.broadcast %squeeze3A : f32 to vector<16xf32>
        %mul3A_205 = arith.mulf %mul3A_204, %get3A_203 : vector<16xf32>
        %get3A_206 = arith.index_cast %add3A_167 : i32 to index
        %get3A_207 = arith.constant 80 : index
        %get3A_208 = tpu.vector_load %arg18[%get3A_206, %get3A_207] {strides = array<i32>} : memref<80x256xf32, #tpu.memory_space<vmem>>, vector<16xf32>,
        %mul3A_209 = vector.broadcast %squeeze3A_171 : f32 to vector<16xf32>
        %mul3A_210 = arith.mulf %mul3A_209, %get3A_208 : vector<16xf32>
        %add3A_211 = arith.addf %mul3A_205, %mul3A_210 : vector<16xf32>
        %get3A_212 = arith.index_cast %add3A_167 : i32 to index
        %get3A_213 = arith.constant 144 : index
        %get3A_214 = tpu.vector_load %arg18[%get3A_212, %get3A_213] {strides = array<i32>} : memref<80x256xf32, #tpu.memory_space<vmem>>, vector<16xf32>,
        %mul3A_215 = vector.broadcast %squeeze3A_173 : f32 to vector<16xf32>
        %mul3A_216 = arith.mulf %mul3A_215, %get3A_214 : vector<16xf32>
        %add3A_217 = arith.addf %add3A_211, %mul3A_216 : vector<16xf32>
        %get3A_218 = arith.index_cast %add3A_167 : i32 to index
        %get3A_219 = arith.constant 208 : index
        %get3A_220 = tpu.vector_load %arg18[%get3A_218, %get3A_219] {strides = array<i32>} : memref<80x256xf32, #tpu.memory_space<vmem>>, vector<16xf32>,
        %mul3A_221 = vector.broadcast %squeeze3A_175 : f32 to vector<16xf32>
        %mul3A_222 = arith.mulf %mul3A_221, %get3A_220 : vector<16xf32>
        %add3A_223 = arith.addf %add3A_217, %mul3A_222 : vector<16xf32>
        %swap3A_224 = arith.index_cast %add3A_167 : i32 to index
        %swap3A_225 = arith.constant 16 : index
        %swap3A_226 = tpu.vector_load %arg19[%swap3A_224, %swap3A_225] {strides = array<i32>} : memref<80x64xf32, #tpu.memory_space<vmem>>, vector<16xf32>,
        tpu.vector_store %arg19[%swap3A_224, %swap3A_225], %add3A_223 {strides = array<i32>} : memref<80x64xf32, #tpu.memory_space<vmem>>, vector<16xf32>,
        %get3A_227 = arith.index_cast %add3A_167 : i32 to index
        %get3A_228 = arith.constant 32 : index
        %get3A_229 = tpu.vector_load %arg18[%get3A_227, %get3A_228] {strides = array<i32>} : memref<80x256xf32, #tpu.memory_space<vmem>>, vector<16xf32>,
        %mul3A_230 = vector.broadcast %squeeze3A : f32 to vector<16xf32>
        %mul3A_231 = arith.mulf %mul3A_230, %get3A_229 : vector<16xf32>
        %get3A_232 = arith.index_cast %add3A_167 : i32 to index
        %get3A_233 = arith.constant 96 : index
        %get3A_234 = tpu.vector_load %arg18[%get3A_232, %get3A_233] {strides = array<i32>} : memref<80x256xf32, #tpu.memory_space<vmem>>, vector<16xf32>,
        %mul3A_235 = vector.broadcast %squeeze3A_171 : f32 to vector<16xf32>
        %mul3A_236 = arith.mulf %mul3A_235, %get3A_234 : vector<16xf32>
        %add3A_237 = arith.addf %mul3A_231, %mul3A_236 : vector<16xf32>
        %get3A_238 = arith.index_cast %add3A_167 : i32 to index
        %get3A_239 = arith.constant 160 : index
        %get3A_240 = tpu.vector_load %arg18[%get3A_238, %get3A_239] {strides = array<i32>} : memref<80x256xf32, #tpu.memory_space<vmem>>, vector<16xf32>,
        %mul3A_241 = vector.broadcast %squeeze3A_173 : f32 to vector<16xf32>
        %mul3A_242 = arith.mulf %mul3A_241, %get3A_240 : vector<16xf32>
        %add3A_243 = arith.addf %add3A_237, %mul3A_242 : vector<16xf32>
        %get3A_244 = arith.index_cast %add3A_167 : i32 to index
        %get3A_245 = arith.constant 224 : index
        %get3A_246 = tpu.vector_load %arg18[%get3A_244, %get3A_245] {strides = array<i32>} : memref<80x256xf32, #tpu.memory_space<vmem>>, vector<16xf32>,
        %mul3A_247 = vector.broadcast %squeeze3A_175 : f32 to vector<16xf32>
        %mul3A_248 = arith.mulf %mul3A_247, %get3A_246 : vector<16xf32>
        %add3A_249 = arith.addf %add3A_243, %mul3A_248 : vector<16xf32>
        %swap3A_250 = arith.index_cast %add3A_167 : i32 to index
        %swap3A_251 = arith.constant 32 : index
        %swap3A_252 = tpu.vector_load %arg19[%swap3A_250, %swap3A_251] {strides = array<i32>} : memref<80x64xf32, #tpu.memory_space<vmem>>, vector<16xf32>,
        tpu.vector_store %arg19[%swap3A_250, %swap3A_251], %add3A_249 {strides = array<i32>} : memref<80x64xf32, #tpu.memory_space<vmem>>, vector<16xf32>,
        %get3A_253 = arith.index_cast %add3A_167 : i32 to index
        %get3A_254 = arith.constant 48 : index
        %get3A_255 = tpu.vector_load %arg18[%get3A_253, %get3A_254] {strides = array<i32>} : memref<80x256xf32, #tpu.memory_space<vmem>>, vector<16xf32>,
        %mul3A_256 = vector.broadcast %squeeze3A : f32 to vector<16xf32>
        %mul3A_257 = arith.mulf %mul3A_256, %get3A_255 : vector<16xf32>
        %get3A_258 = arith.index_cast %add3A_167 : i32 to index
        %get3A_259 = arith.constant 112 : index
        %get3A_260 = tpu.vector_load %arg18[%get3A_258, %get3A_259] {strides = array<i32>} : memref<80x256xf32, #tpu.memory_space<vmem>>, vector<16xf32>,
        %mul3A_261 = vector.broadcast %squeeze3A_171 : f32 to vector<16xf32>
        %mul3A_262 = arith.mulf %mul3A_261, %get3A_260 : vector<16xf32>
        %add3A_263 = arith.addf %mul3A_257, %mul3A_262 : vector<16xf32>
        %get3A_264 = arith.index_cast %add3A_167 : i32 to index
        %get3A_265 = arith.constant 176 : index
        %get3A_266 = tpu.vector_load %arg18[%get3A_264, %get3A_265] {strides = array<i32>} : memref<80x256xf32, #tpu.memory_space<vmem>>, vector<16xf32>,
        %mul3A_267 = vector.broadcast %squeeze3A_173 : f32 to vector<16xf32>
        %mul3A_268 = arith.mulf %mul3A_267, %get3A_266 : vector<16xf32>
        %add3A_269 = arith.addf %add3A_263, %mul3A_268 : vector<16xf32>
        %get3A_270 = arith.index_cast %add3A_167 : i32 to index
        %get3A_271 = arith.constant 240 : index
        %get3A_272 = tpu.vector_load %arg18[%get3A_270, %get3A_271] {strides = array<i32>} : memref<80x256xf32, #tpu.memory_space<vmem>>, vector<16xf32>,
        %mul3A_273 = vector.broadcast %squeeze3A_175 : f32 to vector<16xf32>
        %mul3A_274 = arith.mulf %mul3A_273, %get3A_272 : vector<16xf32>
        %add3A_275 = arith.addf %add3A_269, %mul3A_274 : vector<16xf32>
        %swap3A_276 = arith.index_cast %add3A_167 : i32 to index
        %swap3A_277 = arith.constant 48 : index
        %swap3A_278 = tpu.vector_load %arg19[%swap3A_276, %swap3A_277] {strides = array<i32>} : memref<80x64xf32, #tpu.memory_space<vmem>>, vector<16xf32>,
        tpu.vector_store %arg19[%swap3A_276, %swap3A_277], %add3A_275 {strides = array<i32>} : memref<80x64xf32, #tpu.memory_space<vmem>>, vector<16xf32>,
      }
      %scan3A_155 = arith.constant 80 : i32
      "tpu.region"() ({
        %run_scoped3A = tpu.sem_alloc : memref<!tpu.dma_semaphore, #tpu.memory_space<semaphore_mem>>
        %dma_start3A_163 = arith.constant 0 : i32
        %dma_start3A_164 = arith.constant 0 : i32
        %dma_start3A_165 = tpu.memref_slice %arg20[%dma_start3A_163, %dma_start3A_164] : memref<10240x64xf32, #tpu.memory_space<vmem_shared>> -> memref<10240x64xf32, #tpu.memory_space<vmem_shared>>
        tpu.enqueue_indirect_dma source(%arg19 : memref<80x64xf32, #tpu.memory_space<vmem>>) target(%dma_start3A_165 : memref<10240x64xf32, #tpu.memory_space<vmem_shared>>) offsets(%arg13 : memref<80xi32, #tpu.memory_space<vmem>>) semaphore(%run_scoped3A : memref<!tpu.dma_semaphore, #tpu.memory_space<semaphore_mem>>) {add = true}
        %dma_wait3A_166 = arith.constant 0 : i32
        %dma_wait3A_167 = arith.constant 0 : i32
        %dma_wait3A_168 = tpu.memref_slice %arg20[%dma_wait3A_166, %dma_wait3A_167] : memref<10240x64xf32, #tpu.memory_space<vmem_shared>> -> memref<10240x64xf32, #tpu.memory_space<vmem_shared>>
        tpu.wait_indirect_dma semaphore(%run_scoped3A : memref<!tpu.dma_semaphore, #tpu.memory_space<semaphore_mem>>) src(%arg19 : memref<80x64xf32, #tpu.memory_space<vmem>>) dst(%dma_wait3A_168 : memref<10240x64xf32, #tpu.memory_space<vmem_shared>>)
        tpu.yield
      }) : () -> ()
      %add3A_156 = arith.constant 2 : i32
      %add3A_157 = arith.addi %add3A_120, %add3A_156 : i32
      %lt3A_158 = arith.constant 125 : i32
      %lt3A_159 = arith.cmpi slt, %add3A_157, %lt3A_158 : i32
      %convert_element_type3A_160 = arith.extui %lt3A_159 : i1 to i32
      %cond3A_161 = arith.constant 0 : i32
      %cond3A_162 = arith.cmpi ne, %convert_element_type3A_160, %cond3A_161 : i32
      scf.if %cond3A_162 {
        %add3A_163 = arith.constant 2 : i32
        %add3A_164 = arith.addi %add3A_120, %add3A_163 : i32
        %mul3A_165 = arith.constant 80 : i32
        %mul3A_166 = arith.muli %add3A_164, %mul3A_165 : i32
        %add3A_167 = arith.addi %mul3A_2, %mul3A_166 : i32
        %dma_start3A_168 = tpu.memref_slice %arg3[%add3A_167] : memref<320000xi32, #tpu.memory_space<hbm>> -> memref<80xi32, #tpu.memory_space<hbm>>
        %dma_start3A_169 = tpu.memref_slice %arg3[%add3A_167] : memref<320000xi32, #tpu.memory_space<hbm>> -> memref<80xi32, #tpu.memory_space<hbm>>
        tpu.enqueue_dma source(%dma_start3A_169 : memref<80xi32, #tpu.memory_space<hbm>>) target(%arg11 : memref<80xi32, #tpu.memory_space<vmem>>) target_semaphore(%arg22 : memref<!tpu.dma_semaphore, #tpu.memory_space<semaphore_mem>>)
        %dma_start3A_170 = tpu.memref_slice %arg4[%add3A_167] : memref<320000xi32, #tpu.memory_space<hbm>> -> memref<80xi32, #tpu.memory_space<hbm>>
        %dma_start3A_171 = tpu.memref_slice %arg4[%add3A_167] : memref<320000xi32, #tpu.memory_space<hbm>> -> memref<80xi32, #tpu.memory_space<hbm>>
        tpu.enqueue_dma source(%dma_start3A_171 : memref<80xi32, #tpu.memory_space<hbm>>) target(%arg13 : memref<80xi32, #tpu.memory_space<vmem>>) target_semaphore(%arg22 : memref<!tpu.dma_semaphore, #tpu.memory_space<semaphore_mem>>)
        %dma_start3A_172 = arith.constant 0 : i32
        %dma_start3A_173 = tpu.memref_slice %arg5[%add3A_167, %dma_start3A_172] : memref<320000x4xf32, #tpu.memory_space<hbm>> -> memref<80x4xf32, #tpu.memory_space<hbm>>
        %dma_start3A_174 = arith.constant 0 : i32
        %dma_start3A_175 = tpu.memref_slice %arg5[%add3A_167, %dma_start3A_174] : memref<320000x4xf32, #tpu.memory_space<hbm>> -> memref<80x4xf32, #tpu.memory_space<hbm>>
        tpu.enqueue_dma source(%dma_start3A_175 : memref<80x4xf32, #tpu.memory_space<hbm>>) target(%arg15 : memref<80x4xf32, #tpu.memory_space<vmem>>) target_semaphore(%arg22 : memref<!tpu.dma_semaphore, #tpu.memory_space<semaphore_mem>>)
      } else {
      }
    }
    %scan3A_51 = arith.constant 62 : i32
    %dma_wait3A_52 = arith.constant 0 : i32
    %dma_wait3A_53 = arith.constant 0 : i32
    %dma_wait3A_54 = tpu.memref_slice %arg2[%dma_wait3A_52, %dma_wait3A_53] : memref<10000x256xf32, #tpu.memory_space<hbm>> -> memref<10000x256xf32, #tpu.memory_space<hbm>>
    tpu.wait_indirect_dma semaphore(%arg23 : memref<!tpu.dma_semaphore, #tpu.memory_space<semaphore_mem>>) src(%dma_wait3A_54 : memref<10000x256xf32, #tpu.memory_space<hbm>>) dst(%arg17 : memref<80x256xf32, #tpu.memory_space<vmem>>)
    %dma_wait3A_55 = arith.constant 0 : i32
    %dma_wait3A_56 = arith.constant 0 : i32
    %dma_wait3A_57 = tpu.memref_slice %arg6[%dma_wait3A_55, %dma_wait3A_56] : memref<10000x16xf32, #tpu.memory_space<hbm>> -> memref<10000x16xf32, #tpu.memory_space<hbm>>
    tpu.wait_indirect_dma semaphore(%arg23 : memref<!tpu.dma_semaphore, #tpu.memory_space<semaphore_mem>>) src(%dma_wait3A_57 : memref<10000x16xf32, #tpu.memory_space<hbm>>) dst(%arg8 : memref<80x16xf32, #tpu.memory_space<vmem>>)
    %scan3A_58 = arith.constant 0 : i32
    %scan3A_59 = arith.constant 5 : i32
    %scan3A_60 = arith.addi %scan3A_58, %scan3A_59 : i32
    %scan3A_61 = arith.constant 1 : i32
    scf.for %scan3A_73 = %scan3A_58 to %scan3A_60 step %scan3A_61  : i32 {
      %mul3A_74 = arith.constant 16 : i32
      %mul3A_75 = arith.muli %scan3A_73, %mul3A_74 : i32
      %add3A_76 = arith.constant 0 : i32
      %add3A_77 = arith.addi %add3A_76, %mul3A_75 : i32
      %iota3A = tpu.iota {dimensions = array<i32: 0>} : vector<16xi32>
      %add3A_78 = vector.broadcast %add3A_77 : i32 to vector<16xi32>
      %add3A_79 = arith.addi %iota3A, %add3A_78 : vector<16xi32>
      %broadcast_in_dim3A_80 = arith.constant 0 : i32
      %broadcast_in_dim3A_81 = vector.broadcast %broadcast_in_dim3A_80 : i32 to vector<16xi32>
      %gather3A = tpu.vector_load_idx %arg14[%add3A_79, %broadcast_in_dim3A_81] : memref<80x4xf32, #tpu.memory_space<vmem>>[vector<16xi32>, vector<16xi32>], vector<16xf32>,
      %gather3A_82 = tpu.vector_load_idx %arg8[%add3A_79, %broadcast_in_dim3A_81] : memref<80x16xf32, #tpu.memory_space<vmem>>[vector<16xi32>, vector<16xi32>], vector<16xf32>,
      %mul3A_83 = arith.mulf %gather3A, %gather3A_82 : vector<16xf32>
      tpu.vector_store_idx %arg16[%add3A_79, %broadcast_in_dim3A_81], %mul3A_83 : memref<80x16xf32, #tpu.memory_space<vmem>>[vector<16xi32>, vector<16xi32>], vector<16xf32>,
      %broadcast_in_dim3A_84 = arith.constant 1 : i32
      %broadcast_in_dim3A_85 = vector.broadcast %broadcast_in_dim3A_84 : i32 to vector<16xi32>
      %gather3A_86 = tpu.vector_load_idx %arg14[%add3A_79, %broadcast_in_dim3A_85] : memref<80x4xf32, #tpu.memory_space<vmem>>[vector<16xi32>, vector<16xi32>], vector<16xf32>,
      %gather3A_87 = tpu.vector_load_idx %arg8[%add3A_79, %broadcast_in_dim3A_85] : memref<80x16xf32, #tpu.memory_space<vmem>>[vector<16xi32>, vector<16xi32>], vector<16xf32>,
      %mul3A_88 = arith.mulf %gather3A_86, %gather3A_87 : vector<16xf32>
      tpu.vector_store_idx %arg16[%add3A_79, %broadcast_in_dim3A_85], %mul3A_88 : memref<80x16xf32, #tpu.memory_space<vmem>>[vector<16xi32>, vector<16xi32>], vector<16xf32>,
      %broadcast_in_dim3A_89 = arith.constant 2 : i32
      %broadcast_in_dim3A_90 = vector.broadcast %broadcast_in_dim3A_89 : i32 to vector<16xi32>
      %gather3A_91 = tpu.vector_load_idx %arg14[%add3A_79, %broadcast_in_dim3A_90] : memref<80x4xf32, #tpu.memory_space<vmem>>[vector<16xi32>, vector<16xi32>], vector<16xf32>,
      %gather3A_92 = tpu.vector_load_idx %arg8[%add3A_79, %broadcast_in_dim3A_90] : memref<80x16xf32, #tpu.memory_space<vmem>>[vector<16xi32>, vector<16xi32>], vector<16xf32>,
      %mul3A_93 = arith.mulf %gather3A_91, %gather3A_92 : vector<16xf32>
      tpu.vector_store_idx %arg16[%add3A_79, %broadcast_in_dim3A_90], %mul3A_93 : memref<80x16xf32, #tpu.memory_space<vmem>>[vector<16xi32>, vector<16xi32>], vector<16xf32>,
      %broadcast_in_dim3A_94 = arith.constant 3 : i32
      %broadcast_in_dim3A_95 = vector.broadcast %broadcast_in_dim3A_94 : i32 to vector<16xi32>
      %gather3A_96 = tpu.vector_load_idx %arg14[%add3A_79, %broadcast_in_dim3A_95] : memref<80x4xf32, #tpu.memory_space<vmem>>[vector<16xi32>, vector<16xi32>], vector<16xf32>,
      %gather3A_97 = tpu.vector_load_idx %arg8[%add3A_79, %broadcast_in_dim3A_95] : memref<80x16xf32, #tpu.memory_space<vmem>>[vector<16xi32>, vector<16xi32>], vector<16xf32>,
      %mul3A_98 = arith.mulf %gather3A_96, %gather3A_97 : vector<16xf32>
      tpu.vector_store_idx %arg16[%add3A_79, %broadcast_in_dim3A_95], %mul3A_98 : memref<80x16xf32, #tpu.memory_space<vmem>>[vector<16xi32>, vector<16xi32>], vector<16xf32>,
    }
    %scan3A_62 = arith.constant 5 : i32
    %scan3A_63 = arith.constant 0 : i32
    %scan3A_64 = arith.constant 80 : i32
    %scan3A_65 = arith.addi %scan3A_63, %scan3A_64 : i32
    %scan3A_66 = arith.constant 1 : i32
    scf.for %scan3A_73 = %scan3A_63 to %scan3A_65 step %scan3A_66  : i32 {
      %mul3A_74 = arith.constant 1 : i32
      %mul3A_75 = arith.muli %scan3A_73, %mul3A_74 : i32
      %add3A_76 = arith.constant 0 : i32
      %add3A_77 = arith.addi %add3A_76, %mul3A_75 : i32
      %get3A = arith.index_cast %add3A_77 : i32 to index
      %get3A_78 = arith.constant 0 : index
      %get3A_79 = tpu.vector_load %arg16[%get3A, %get3A_78] {strides = array<i32>} : memref<80x16xf32, #tpu.memory_space<vmem>>, vector<16xf32>,
      %slice3A = vector.extract_strided_slice %get3A_79 {offsets = [0], sizes = [1], strides = [1]} : vector<16xf32> to vector<1xf32>
      %squeeze3A = vector.extract %slice3A[0] : f32 from vector<1xf32>
      %slice3A_80 = vector.extract_strided_slice %get3A_79 {offsets = [1], sizes = [1], strides = [1]} : vector<16xf32> to vector<1xf32>
      %squeeze3A_81 = vector.extract %slice3A_80[0] : f32 from vector<1xf32>
      %slice3A_82 = vector.extract_strided_slice %get3A_79 {offsets = [2], sizes = [1], strides = [1]} : vector<16xf32> to vector<1xf32>
      %squeeze3A_83 = vector.extract %slice3A_82[0] : f32 from vector<1xf32>
      %slice3A_84 = vector.extract_strided_slice %get3A_79 {offsets = [3], sizes = [1], strides = [1]} : vector<16xf32> to vector<1xf32>
      %squeeze3A_85 = vector.extract %slice3A_84[0] : f32 from vector<1xf32>
      %get3A_86 = arith.index_cast %add3A_77 : i32 to index
      %get3A_87 = arith.constant 0 : index
      %get3A_88 = tpu.vector_load %arg17[%get3A_86, %get3A_87] {strides = array<i32>} : memref<80x256xf32, #tpu.memory_space<vmem>>, vector<16xf32>,
      %mul3A_89 = vector.broadcast %squeeze3A : f32 to vector<16xf32>
      %mul3A_90 = arith.mulf %mul3A_89, %get3A_88 : vector<16xf32>
      %get3A_91 = arith.index_cast %add3A_77 : i32 to index
      %get3A_92 = arith.constant 64 : index
      %get3A_93 = tpu.vector_load %arg17[%get3A_91, %get3A_92] {strides = array<i32>} : memref<80x256xf32, #tpu.memory_space<vmem>>, vector<16xf32>,
      %mul3A_94 = vector.broadcast %squeeze3A_81 : f32 to vector<16xf32>
      %mul3A_95 = arith.mulf %mul3A_94, %get3A_93 : vector<16xf32>
      %add3A_96 = arith.addf %mul3A_90, %mul3A_95 : vector<16xf32>
      %get3A_97 = arith.index_cast %add3A_77 : i32 to index
      %get3A_98 = arith.constant 128 : index
      %get3A_99 = tpu.vector_load %arg17[%get3A_97, %get3A_98] {strides = array<i32>} : memref<80x256xf32, #tpu.memory_space<vmem>>, vector<16xf32>,
      %mul3A_100 = vector.broadcast %squeeze3A_83 : f32 to vector<16xf32>
      %mul3A_101 = arith.mulf %mul3A_100, %get3A_99 : vector<16xf32>
      %add3A_102 = arith.addf %add3A_96, %mul3A_101 : vector<16xf32>
      %get3A_103 = arith.index_cast %add3A_77 : i32 to index
      %get3A_104 = arith.constant 192 : index
      %get3A_105 = tpu.vector_load %arg17[%get3A_103, %get3A_104] {strides = array<i32>} : memref<80x256xf32, #tpu.memory_space<vmem>>, vector<16xf32>,
      %mul3A_106 = vector.broadcast %squeeze3A_85 : f32 to vector<16xf32>
      %mul3A_107 = arith.mulf %mul3A_106, %get3A_105 : vector<16xf32>
      %add3A_108 = arith.addf %add3A_102, %mul3A_107 : vector<16xf32>
      %swap3A = arith.index_cast %add3A_77 : i32 to index
      %swap3A_109 = arith.constant 0 : index
      %swap3A_110 = tpu.vector_load %arg19[%swap3A, %swap3A_109] {strides = array<i32>} : memref<80x64xf32, #tpu.memory_space<vmem>>, vector<16xf32>,
      tpu.vector_store %arg19[%swap3A, %swap3A_109], %add3A_108 {strides = array<i32>} : memref<80x64xf32, #tpu.memory_space<vmem>>, vector<16xf32>,
      %get3A_111 = arith.index_cast %add3A_77 : i32 to index
      %get3A_112 = arith.constant 16 : index
      %get3A_113 = tpu.vector_load %arg17[%get3A_111, %get3A_112] {strides = array<i32>} : memref<80x256xf32, #tpu.memory_space<vmem>>, vector<16xf32>,
      %mul3A_114 = vector.broadcast %squeeze3A : f32 to vector<16xf32>
      %mul3A_115 = arith.mulf %mul3A_114, %get3A_113 : vector<16xf32>
      %get3A_116 = arith.index_cast %add3A_77 : i32 to index
      %get3A_117 = arith.constant 80 : index
      %get3A_118 = tpu.vector_load %arg17[%get3A_116, %get3A_117] {strides = array<i32>} : memref<80x256xf32, #tpu.memory_space<vmem>>, vector<16xf32>,
      %mul3A_119 = vector.broadcast %squeeze3A_81 : f32 to vector<16xf32>
      %mul3A_120 = arith.mulf %mul3A_119, %get3A_118 : vector<16xf32>
      %add3A_121 = arith.addf %mul3A_115, %mul3A_120 : vector<16xf32>
      %get3A_122 = arith.index_cast %add3A_77 : i32 to index
      %get3A_123 = arith.constant 144 : index
      %get3A_124 = tpu.vector_load %arg17[%get3A_122, %get3A_123] {strides = array<i32>} : memref<80x256xf32, #tpu.memory_space<vmem>>, vector<16xf32>,
      %mul3A_125 = vector.broadcast %squeeze3A_83 : f32 to vector<16xf32>
      %mul3A_126 = arith.mulf %mul3A_125, %get3A_124 : vector<16xf32>
      %add3A_127 = arith.addf %add3A_121, %mul3A_126 : vector<16xf32>
      %get3A_128 = arith.index_cast %add3A_77 : i32 to index
      %get3A_129 = arith.constant 208 : index
      %get3A_130 = tpu.vector_load %arg17[%get3A_128, %get3A_129] {strides = array<i32>} : memref<80x256xf32, #tpu.memory_space<vmem>>, vector<16xf32>,
      %mul3A_131 = vector.broadcast %squeeze3A_85 : f32 to vector<16xf32>
      %mul3A_132 = arith.mulf %mul3A_131, %get3A_130 : vector<16xf32>
      %add3A_133 = arith.addf %add3A_127, %mul3A_132 : vector<16xf32>
      %swap3A_134 = arith.index_cast %add3A_77 : i32 to index
      %swap3A_135 = arith.constant 16 : index
      %swap3A_136 = tpu.vector_load %arg19[%swap3A_134, %swap3A_135] {strides = array<i32>} : memref<80x64xf32, #tpu.memory_space<vmem>>, vector<16xf32>,
      tpu.vector_store %arg19[%swap3A_134, %swap3A_135], %add3A_133 {strides = array<i32>} : memref<80x64xf32, #tpu.memory_space<vmem>>, vector<16xf32>,
      %get3A_137 = arith.index_cast %add3A_77 : i32 to index
      %get3A_138 = arith.constant 32 : index
      %get3A_139 = tpu.vector_load %arg17[%get3A_137, %get3A_138] {strides = array<i32>} : memref<80x256xf32, #tpu.memory_space<vmem>>, vector<16xf32>,
      %mul3A_140 = vector.broadcast %squeeze3A : f32 to vector<16xf32>
      %mul3A_141 = arith.mulf %mul3A_140, %get3A_139 : vector<16xf32>
      %get3A_142 = arith.index_cast %add3A_77 : i32 to index
      %get3A_143 = arith.constant 96 : index
      %get3A_144 = tpu.vector_load %arg17[%get3A_142, %get3A_143] {strides = array<i32>} : memref<80x256xf32, #tpu.memory_space<vmem>>, vector<16xf32>,
      %mul3A_145 = vector.broadcast %squeeze3A_81 : f32 to vector<16xf32>
      %mul3A_146 = arith.mulf %mul3A_145, %get3A_144 : vector<16xf32>
      %add3A_147 = arith.addf %mul3A_141, %mul3A_146 : vector<16xf32>
      %get3A_148 = arith.index_cast %add3A_77 : i32 to index
      %get3A_149 = arith.constant 160 : index
      %get3A_150 = tpu.vector_load %arg17[%get3A_148, %get3A_149] {strides = array<i32>} : memref<80x256xf32, #tpu.memory_space<vmem>>, vector<16xf32>,
      %mul3A_151 = vector.broadcast %squeeze3A_83 : f32 to vector<16xf32>
      %mul3A_152 = arith.mulf %mul3A_151, %get3A_150 : vector<16xf32>
      %add3A_153 = arith.addf %add3A_147, %mul3A_152 : vector<16xf32>
      %get3A_154 = arith.index_cast %add3A_77 : i32 to index
      %get3A_155 = arith.constant 224 : index
      %get3A_156 = tpu.vector_load %arg17[%get3A_154, %get3A_155] {strides = array<i32>} : memref<80x256xf32, #tpu.memory_space<vmem>>, vector<16xf32>,
      %mul3A_157 = vector.broadcast %squeeze3A_85 : f32 to vector<16xf32>
      %mul3A_158 = arith.mulf %mul3A_157, %get3A_156 : vector<16xf32>
      %add3A_159 = arith.addf %add3A_153, %mul3A_158 : vector<16xf32>
      %swap3A_160 = arith.index_cast %add3A_77 : i32 to index
      %swap3A_161 = arith.constant 32 : index
      %swap3A_162 = tpu.vector_load %arg19[%swap3A_160, %swap3A_161] {strides = array<i32>} : memref<80x64xf32, #tpu.memory_space<vmem>>, vector<16xf32>,
      tpu.vector_store %arg19[%swap3A_160, %swap3A_161], %add3A_159 {strides = array<i32>} : memref<80x64xf32, #tpu.memory_space<vmem>>, vector<16xf32>,
      %get3A_163 = arith.index_cast %add3A_77 : i32 to index
      %get3A_164 = arith.constant 48 : index
      %get3A_165 = tpu.vector_load %arg17[%get3A_163, %get3A_164] {strides = array<i32>} : memref<80x256xf32, #tpu.memory_space<vmem>>, vector<16xf32>,
      %mul3A_166 = vector.broadcast %squeeze3A : f32 to vector<16xf32>
      %mul3A_167 = arith.mulf %mul3A_166, %get3A_165 : vector<16xf32>
      %get3A_168 = arith.index_cast %add3A_77 : i32 to index
      %get3A_169 = arith.constant 112 : index
      %get3A_170 = tpu.vector_load %arg17[%get3A_168, %get3A_169] {strides = array<i32>} : memref<80x256xf32, #tpu.memory_space<vmem>>, vector<16xf32>,
      %mul3A_171 = vector.broadcast %squeeze3A_81 : f32 to vector<16xf32>
      %mul3A_172 = arith.mulf %mul3A_171, %get3A_170 : vector<16xf32>
      %add3A_173 = arith.addf %mul3A_167, %mul3A_172 : vector<16xf32>
      %get3A_174 = arith.index_cast %add3A_77 : i32 to index
      %get3A_175 = arith.constant 176 : index
      %get3A_176 = tpu.vector_load %arg17[%get3A_174, %get3A_175] {strides = array<i32>} : memref<80x256xf32, #tpu.memory_space<vmem>>, vector<16xf32>,
      %mul3A_177 = vector.broadcast %squeeze3A_83 : f32 to vector<16xf32>
      %mul3A_178 = arith.mulf %mul3A_177, %get3A_176 : vector<16xf32>
      %add3A_179 = arith.addf %add3A_173, %mul3A_178 : vector<16xf32>
      %get3A_180 = arith.index_cast %add3A_77 : i32 to index
      %get3A_181 = arith.constant 240 : index
      %get3A_182 = tpu.vector_load %arg17[%get3A_180, %get3A_181] {strides = array<i32>} : memref<80x256xf32, #tpu.memory_space<vmem>>, vector<16xf32>,
      %mul3A_183 = vector.broadcast %squeeze3A_85 : f32 to vector<16xf32>
      %mul3A_184 = arith.mulf %mul3A_183, %get3A_182 : vector<16xf32>
      %add3A_185 = arith.addf %add3A_179, %mul3A_184 : vector<16xf32>
      %swap3A_186 = arith.index_cast %add3A_77 : i32 to index
      %swap3A_187 = arith.constant 48 : index
      %swap3A_188 = tpu.vector_load %arg19[%swap3A_186, %swap3A_187] {strides = array<i32>} : memref<80x64xf32, #tpu.memory_space<vmem>>, vector<16xf32>,
      tpu.vector_store %arg19[%swap3A_186, %swap3A_187], %add3A_185 {strides = array<i32>} : memref<80x64xf32, #tpu.memory_space<vmem>>, vector<16xf32>,
    }
    %scan3A_67 = arith.constant 80 : i32
    "tpu.region"() ({
      %run_scoped3A = tpu.sem_alloc : memref<!tpu.dma_semaphore, #tpu.memory_space<semaphore_mem>>
      %dma_start3A_73 = arith.constant 0 : i32
      %dma_start3A_74 = arith.constant 0 : i32
      %dma_start3A_75 = tpu.memref_slice %arg20[%dma_start3A_73, %dma_start3A_74] : memref<10240x64xf32, #tpu.memory_space<vmem_shared>> -> memref<10240x64xf32, #tpu.memory_space<vmem_shared>>
      tpu.enqueue_indirect_dma source(%arg19 : memref<80x64xf32, #tpu.memory_space<vmem>>) target(%dma_start3A_75 : memref<10240x64xf32, #tpu.memory_space<vmem_shared>>) offsets(%arg12 : memref<80xi32, #tpu.memory_space<vmem>>) semaphore(%run_scoped3A : memref<!tpu.dma_semaphore, #tpu.memory_space<semaphore_mem>>) {add = true}
      %dma_wait3A_76 = arith.constant 0 : i32
      %dma_wait3A_77 = arith.constant 0 : i32
      %dma_wait3A_78 = tpu.memref_slice %arg20[%dma_wait3A_76, %dma_wait3A_77] : memref<10240x64xf32, #tpu.memory_space<vmem_shared>> -> memref<10240x64xf32, #tpu.memory_space<vmem_shared>>
      tpu.wait_indirect_dma semaphore(%run_scoped3A : memref<!tpu.dma_semaphore, #tpu.memory_space<semaphore_mem>>) src(%arg19 : memref<80x64xf32, #tpu.memory_space<vmem>>) dst(%dma_wait3A_78 : memref<10240x64xf32, #tpu.memory_space<vmem_shared>>)
      tpu.yield
    }) : () -> ()
    %barrier3A_68 = arith.constant 0 : index
    tpu.barrier barrier_id(%barrier3A_68)
    %mul3A_69 = arith.constant 640 : i32
    %mul3A_70 = arith.muli %arg1, %mul3A_69 : i32
    %mul3A_71 = arith.constant 640 : i32
    %mul3A_72 = arith.muli %arg1, %mul3A_71 : i32
    "tpu.region"() ({
      %run_scoped3A = tpu.sem_alloc : memref<!tpu.dma_semaphore, #tpu.memory_space<semaphore_mem>>
      %dma_start3A_73 = arith.constant 0 : i32
      %dma_start3A_74 = tpu.memref_slice %arg7[%arg0, %mul3A_72, %dma_start3A_73] : memref<2x10240x64xf32, #tpu.memory_space<hbm>> -> memref<1x640x64xf32, #tpu.memory_space<hbm>>
      %dma_start3A_75 = tpu.memref_squeeze %dma_start3A_74 : memref<1x640x64xf32, #tpu.memory_space<hbm>> -> memref<640x64xf32, #tpu.memory_space<hbm>>
      %dma_start3A_76 = arith.constant 0 : i32
      %dma_start3A_77 = tpu.memref_slice %arg20[%mul3A_70, %dma_start3A_76] : memref<10240x64xf32, #tpu.memory_space<vmem_shared>> -> memref<640x64xf32, #tpu.memory_space<vmem_shared>>
      tpu.enqueue_dma source(%dma_start3A_77 : memref<640x64xf32, #tpu.memory_space<vmem_shared>>) target(%dma_start3A_75 : memref<640x64xf32, #tpu.memory_space<hbm>>) target_semaphore(%run_scoped3A : memref<!tpu.dma_semaphore, #tpu.memory_space<semaphore_mem>>)
      %dma_wait3A_78 = arith.constant 0 : i32
      %dma_wait3A_79 = tpu.memref_slice %arg7[%arg0, %mul3A_72, %dma_wait3A_78] : memref<2x10240x64xf32, #tpu.memory_space<hbm>> -> memref<1x640x64xf32, #tpu.memory_space<hbm>>
      %dma_wait3A_80 = tpu.memref_squeeze %dma_wait3A_79 : memref<1x640x64xf32, #tpu.memory_space<hbm>> -> memref<640x64xf32, #tpu.memory_space<hbm>>
      %dma_wait3A_81 = arith.constant 0 : i32
      %dma_wait3A_82 = tpu.memref_slice %arg20[%mul3A_70, %dma_wait3A_81] : memref<10240x64xf32, #tpu.memory_space<vmem_shared>> -> memref<640x64xf32, #tpu.memory_space<vmem_shared>>
      tpu.wait_dma2 semaphore(%run_scoped3A : memref<!tpu.dma_semaphore, #tpu.memory_space<semaphore_mem>>) src(%dma_wait3A_82 : memref<640x64xf32, #tpu.memory_space<vmem_shared>>) dst(%dma_wait3A_80 : memref<640x64xf32, #tpu.memory_space<hbm>>)
      tpu.yield
    }) : () -> ()
    return
  }
}

module attributes {stable_mosaic.version = 14 : i64} {
  func.func @_proj_body(%arg0: i32, %arg1: memref<1000x128xf32, #tpu.memory_space<vmem>>, %arg2: memref<128x256xf32, #tpu.memory_space<vmem>>, %arg3: memref<256x16xf32, #tpu.memory_space<vmem>>, %arg4: memref<1000x256xf32, #tpu.memory_space<vmem>>, %arg5: memref<1000x16xf32, #tpu.memory_space<vmem>>) attributes {dimension_semantics = [#tpu.dimension_semantics<arbitrary>], iteration_bounds = array<i64: 10>, scalar_prefetch = 0 : i64, scratch_operands = 0 : i64, tpu.core_type = #tpu.core_type<tc>, window_params = [{transform_indices = @transform_0, window_bounds = array<i64: 1000, 128>}, {pipeline_mode = #tpu.pipeline_mode<synchronous>, transform_indices = @transform_1, window_bounds = array<i64: 128, 256>}, {pipeline_mode = #tpu.pipeline_mode<synchronous>, transform_indices = @transform_2, window_bounds = array<i64: 256, 16>}, {transform_indices = @transform_3, window_bounds = array<i64: 1000, 256>}, {transform_indices = @transform_4, window_bounds = array<i64: 1000, 16>}]} {
    %get3A = arith.constant 0 : index
    %get3A_0 = arith.constant 0 : index
    %get3A_1 = vector.load %arg1[%get3A, %get3A_0] : memref<1000x128xf32, #tpu.memory_space<vmem>>, vector<1000x128xf32>
    %get3A_2 = arith.constant 0 : index
    %get3A_3 = arith.constant 0 : index
    %get3A_4 = vector.load %arg2[%get3A_2, %get3A_3] : memref<128x256xf32, #tpu.memory_space<vmem>>, vector<128x256xf32>
    %dot_general3A = arith.constant dense<0.000000e+00> : vector<1000x256xf32>
    %dot_general3A_5 = tpu.matmul %get3A_1, %get3A_4, %dot_general3A {dimension_numbers = #tpu.dot_dimension_numbers<[1], [0], [0], [1], [0, 0, 1, 1], [], []>, transpose_lhs_hint = false} : vector<1000x128xf32>, vector<128x256xf32>, vector<1000x256xf32> -> vector<1000x256xf32>
    %swap3A = arith.constant 0 : index
    %swap3A_6 = arith.constant 0 : index
    %swap3A_7 = vector.load %arg4[%swap3A, %swap3A_6] : memref<1000x256xf32, #tpu.memory_space<vmem>>, vector<1000x256xf32>
    tpu.vector_store %arg4[%swap3A, %swap3A_6], %dot_general3A_5 {strides = array<i32>} : memref<1000x256xf32, #tpu.memory_space<vmem>>, vector<1000x256xf32>,
    %get3A_8 = arith.constant 0 : index
    %get3A_9 = arith.constant 0 : index
    %get3A_10 = vector.load %arg3[%get3A_8, %get3A_9] : memref<256x16xf32, #tpu.memory_space<vmem>>, vector<256x16xf32>
    %dot_general3A_11 = arith.constant dense<0.000000e+00> : vector<1000x16xf32>
    %dot_general3A_12 = tpu.matmul %dot_general3A_5, %get3A_10, %dot_general3A_11 {dimension_numbers = #tpu.dot_dimension_numbers<[1], [0], [0], [1], [0, 0, 1, 1], [], []>, transpose_lhs_hint = false} : vector<1000x256xf32>, vector<256x16xf32>, vector<1000x16xf32> -> vector<1000x16xf32>
    %swap3A_13 = arith.constant 0 : index
    %swap3A_14 = arith.constant 0 : index
    %swap3A_15 = vector.load %arg5[%swap3A_13, %swap3A_14] : memref<1000x16xf32, #tpu.memory_space<vmem>>, vector<1000x16xf32>
    tpu.vector_store %arg5[%swap3A_13, %swap3A_14], %dot_general3A_12 {strides = array<i32>} : memref<1000x16xf32, #tpu.memory_space<vmem>>, vector<1000x16xf32>,
    return
  }
  func.func @transform_0(%arg0: i32) -> (i32, i32) {
    %c0_i32 = arith.constant 0 : i32
    %c0_i32_0 = arith.constant 0 : i32
    return %arg0, %c0_i32 : i32, i32
  }
  func.func @transform_1(%arg0: i32) -> (i32, i32) {
    %c0_i32 = arith.constant 0 : i32
    %c0_i32_0 = arith.constant 0 : i32
    %c0_i32_1 = arith.constant 0 : i32
    return %c0_i32, %c0_i32_0 : i32, i32
  }
  func.func @transform_2(%arg0: i32) -> (i32, i32) {
    %c0_i32 = arith.constant 0 : i32
    %c0_i32_0 = arith.constant 0 : i32
    %c0_i32_1 = arith.constant 0 : i32
    return %c0_i32, %c0_i32_0 : i32, i32
  }
  func.func @transform_3(%arg0: i32) -> (i32, i32) {
    %c0_i32 = arith.constant 0 : i32
    %c0_i32_0 = arith.constant 0 : i32
    return %arg0, %c0_i32 : i32, i32
  }
  func.func @transform_4(%arg0: i32) -> (i32, i32) {
    %c0_i32 = arith.constant 0 : i32
    %c0_i32_0 = arith.constant 0 : i32
    return %arg0, %c0_i32 : i32, i32
  }
}

module attributes {stable_mosaic.version = 14 : i64} {
  func.func @_invd_body(%arg0: i32, %arg1: memref<2x1000x16xf32, #tpu.memory_space<vmem>>, %arg2: memref<1000x16xf32, #tpu.memory_space<vmem>>) attributes {dimension_semantics = [#tpu.dimension_semantics<arbitrary>], iteration_bounds = array<i64: 10>, scalar_prefetch = 0 : i64, scratch_operands = 0 : i64, tpu.core_type = #tpu.core_type<tc>, window_params = [{transform_indices = @transform_0, window_bounds = array<i64: 2, 1000, 16>}, {transform_indices = @transform_1, window_bounds = array<i64: 1000, 16>}]} {
    %get3A = arith.constant 0 : index
    %get3A_0 = arith.constant 0 : index
    %get3A_1 = arith.constant 0 : index
    %get3A_2 = vector.load %arg1[%get3A, %get3A_0, %get3A_1] : memref<2x1000x16xf32, #tpu.memory_space<vmem>>, vector<1x1000x16xf32>
    %get3A_3 = vector.shape_cast %get3A_2 : vector<1x1000x16xf32> to vector<1000x16xf32>
    %get3A_4 = arith.constant 1 : index
    %get3A_5 = arith.constant 0 : index
    %get3A_6 = arith.constant 0 : index
    %get3A_7 = vector.load %arg1[%get3A_4, %get3A_5, %get3A_6] : memref<2x1000x16xf32, #tpu.memory_space<vmem>>, vector<1x1000x16xf32>
    %get3A_8 = vector.shape_cast %get3A_7 : vector<1x1000x16xf32> to vector<1000x16xf32>
    %add3A = arith.addf %get3A_3, %get3A_8 : vector<1000x16xf32>
    %add3A_9 = arith.constant 9.99999971E-10 : f32
    %add3A_10 = vector.broadcast %add3A_9 : f32 to vector<1000x16xf32>
    %add3A_11 = arith.addf %add3A, %add3A_10 : vector<1000x16xf32>
    %div3A = arith.constant 1.000000e+00 : f32
    %div3A_12 = vector.broadcast %div3A : f32 to vector<1000x16xf32>
    %div3A_13 = arith.divf %div3A_12, %add3A_11 : vector<1000x16xf32>
    %swap3A = arith.constant 0 : index
    %swap3A_14 = arith.constant 0 : index
    %swap3A_15 = vector.load %arg2[%swap3A, %swap3A_14] : memref<1000x16xf32, #tpu.memory_space<vmem>>, vector<1000x16xf32>
    tpu.vector_store %arg2[%swap3A, %swap3A_14], %div3A_13 {strides = array<i32>} : memref<1000x16xf32, #tpu.memory_space<vmem>>, vector<1000x16xf32>,
    return
  }
  func.func @transform_0(%arg0: i32) -> (i32, i32, i32) {
    %c0_i32 = arith.constant 0 : i32
    %c0_i32_0 = arith.constant 0 : i32
    %c0_i32_1 = arith.constant 0 : i32
    return %c0_i32, %arg0, %c0_i32_0 : i32, i32, i32
  }
  func.func @transform_1(%arg0: i32) -> (i32, i32) {
    %c0_i32 = arith.constant 0 : i32
    %c0_i32_0 = arith.constant 0 : i32
    return %arg0, %c0_i32 : i32, i32
  }
}

module attributes {stable_mosaic.version = 14 : i64} {
  func.func @_final_body(%arg0: i32, %arg1: memref<2x1000x64xf32, #tpu.memory_space<vmem>>, %arg2: memref<1x256xf32, #tpu.memory_space<vmem>>, %arg3: memref<1000x64xf32, #tpu.memory_space<vmem>>) attributes {dimension_semantics = [#tpu.dimension_semantics<arbitrary>], iteration_bounds = array<i64: 10>, scalar_prefetch = 0 : i64, scratch_operands = 0 : i64, tpu.core_type = #tpu.core_type<tc>, window_params = [{transform_indices = @transform_0, window_bounds = array<i64: 2, 1000, 64>}, {pipeline_mode = #tpu.pipeline_mode<synchronous>, transform_indices = @transform_1, window_bounds = array<i64: 1, 256>}, {transform_indices = @transform_2, window_bounds = array<i64: 1000, 64>}]} {
    %get3A = arith.constant 0 : index
    %get3A_0 = arith.constant 0 : index
    %get3A_1 = arith.constant 0 : index
    %get3A_2 = vector.load %arg1[%get3A, %get3A_0, %get3A_1] : memref<2x1000x64xf32, #tpu.memory_space<vmem>>, vector<1x1000x64xf32>
    %get3A_3 = vector.shape_cast %get3A_2 : vector<1x1000x64xf32> to vector<1000x64xf32>
    %get3A_4 = arith.constant 1 : index
    %get3A_5 = arith.constant 0 : index
    %get3A_6 = arith.constant 0 : index
    %get3A_7 = vector.load %arg1[%get3A_4, %get3A_5, %get3A_6] : memref<2x1000x64xf32, #tpu.memory_space<vmem>>, vector<1x1000x64xf32>
    %get3A_8 = vector.shape_cast %get3A_7 : vector<1x1000x64xf32> to vector<1000x64xf32>
    %add3A = arith.addf %get3A_3, %get3A_8 : vector<1000x64xf32>
    %mul3A = arith.constant 2.500000e-01 : f32
    %mul3A_9 = vector.broadcast %mul3A : f32 to vector<1000x64xf32>
    %mul3A_10 = arith.mulf %add3A, %mul3A_9 : vector<1000x64xf32>
    %get3A_11 = arith.constant 0 : index
    %get3A_12 = arith.constant 0 : index
    %get3A_13 = vector.load %arg2[%get3A_11, %get3A_12] : memref<1x256xf32, #tpu.memory_space<vmem>>, vector<1x256xf32>
    %slice3A = vector.extract_strided_slice %get3A_13 {offsets = [0, 0], sizes = [1, 64], strides = [1, 1]} : vector<1x256xf32> to vector<1x64xf32>
    %slice3A_14 = vector.extract_strided_slice %get3A_13 {offsets = [0, 64], sizes = [1, 64], strides = [1, 1]} : vector<1x256xf32> to vector<1x64xf32>
    %add3A_15 = arith.addf %slice3A, %slice3A_14 : vector<1x64xf32>
    %slice3A_16 = vector.extract_strided_slice %get3A_13 {offsets = [0, 128], sizes = [1, 64], strides = [1, 1]} : vector<1x256xf32> to vector<1x64xf32>
    %add3A_17 = arith.addf %add3A_15, %slice3A_16 : vector<1x64xf32>
    %slice3A_18 = vector.extract_strided_slice %get3A_13 {offsets = [0, 192], sizes = [1, 64], strides = [1, 1]} : vector<1x256xf32> to vector<1x64xf32>
    %add3A_19 = arith.addf %add3A_17, %slice3A_18 : vector<1x64xf32>
    %mul3A_20 = arith.constant 2.500000e-01 : f32
    %mul3A_21 = vector.broadcast %mul3A_20 : f32 to vector<1x64xf32>
    %mul3A_22 = arith.mulf %add3A_19, %mul3A_21 : vector<1x64xf32>
    %add3A_23 = vector.broadcast %mul3A_22 : vector<1x64xf32> to vector<1000x64xf32>
    %add3A_24 = arith.addf %mul3A_10, %add3A_23 : vector<1000x64xf32>
    %max3A = arith.constant 0.000000e+00 : f32
    %max3A_25 = vector.broadcast %max3A : f32 to vector<1000x64xf32>
    %max3A_26 = arith.maximumf %add3A_24, %max3A_25 : vector<1000x64xf32>
    %swap3A = arith.constant 0 : index
    %swap3A_27 = arith.constant 0 : index
    %swap3A_28 = vector.load %arg3[%swap3A, %swap3A_27] : memref<1000x64xf32, #tpu.memory_space<vmem>>, vector<1000x64xf32>
    tpu.vector_store %arg3[%swap3A, %swap3A_27], %max3A_26 {strides = array<i32>} : memref<1000x64xf32, #tpu.memory_space<vmem>>, vector<1000x64xf32>,
    return
  }
  func.func @transform_0(%arg0: i32) -> (i32, i32, i32) {
    %c0_i32 = arith.constant 0 : i32
    %c0_i32_0 = arith.constant 0 : i32
    %c0_i32_1 = arith.constant 0 : i32
    return %c0_i32, %arg0, %c0_i32_0 : i32, i32, i32
  }
  func.func @transform_1(%arg0: i32) -> (i32, i32) {
    %c0_i32 = arith.constant 0 : i32
    %c0_i32_0 = arith.constant 0 : i32
    %c0_i32_1 = arith.constant 0 : i32
    return %c0_i32, %c0_i32_0 : i32, i32
  }
  func.func @transform_2(%arg0: i32) -> (i32, i32) {
    %c0_i32 = arith.constant 0 : i32
    %c0_i32_0 = arith.constant 0 : i32
    return %arg0, %c0_i32 : i32, i32
  }
}

</mosaic_0001>

<sc_bundles>
// kernel: kernel.10.cloned.1.call-start
scs
__scs_entry_jumppad:
0x0: {  	(pc) =	sbr.rel $0x88, $3  }
0x1: {  	(tag) =	ssettag $0x0;
	lr =	simm.s32 $0x1  }
0x2: {  	[smem:$0x3F9B] =	sst lr;
	_ =	strace $0xD0000000  }
0x3: {  	_ = 	snop  }
0x4: {  	_ = 	snop  }
0x5: {  	_ = 	snop  }
0x6: {  	_ = 	snop  }
0x7: {  	_ = 	snop  }
__scs_overlays_trampoline_lowered:
0x8: {  	[smem:$0x3FAA] =	sst s0  }
0x9: {  	[smem:$0x3FAB] =	sst s1  }
0xa: {  	[smem:$0x3FAC] =	sst s2  }
0xb: {  	[smem:$0x3FAD] =	sst s3  }
0xc: {  	[smem:$0x3FAE] =	sst s4  }
0xd: {  	[smem:$0x3FAF] =	sst s5  }
0xe: {  	[smem:$0x3FB0] =	sst s6  }
0xf: {  	[smem:$0x3FB1] =	sst s7  }
0x10: {  	[smem:$0x3FB2] =	sst s8  }
0x11: {  	[smem:$0x3FB3] =	sst s9;
	s0 =	simm.s32 @!p0 $0x0  }
0x12: {  	s1 =	sld [smem:$0x3F99];
	s0 =	simm.s32 @p0 $0x1  }
0x13: {  	[smem:$0x3FB4] =	sst s0;
	s0 =	simm.s32 @!p1 $0x0  }
0x14: {  	s2 =	sld [smem:$0x3F98];
	s0 =	simm.s32 @p1 $0x1  }
0x15: {  	[smem:$0x3FB5] =	sst s0;
	s0 =	simm.s32 @!p2 $0x0  }
0x16: {  	s3 =	sld [smem:$0x3FDB];
	s0 =	simm.s32 @p2 $0x1  }
0x17: {  	s4 =	simm.s32 $0x1BF5;
	[smem:$0x3FB7] =	sst s0  }
0x18: {  	s0 =	sld [smem:$0x3F9A];
	_ =	swait.ge [sflag:s4], $0x0  }
0x19: {  	s7 =	sld [smem:$0x3F9B]  }
0x1a: {  	s8 =	sadd.s32 $0xFFFFE003, lr  }
0x1b: {  	s9 =	sadd.s32 $0xFFFFFEF7, lr;
	s5 =	simm.s32 $0xFFFFFFFF;
	p2 =	slt.u32 s8, $0xFFFFF086  }
0x1c: {  	p1 =	slt.u32 s9, $0xF7A;
	s5 =	simm.s32 @!p2 $0x0  }
0x1d: {  	s5 =	simm.s32 @p1 $0x1;
	p0 =	seq.s32 s7, s2  }
0x1e: {  	s7 =	smul.u32 @!p0 $0xF7A, s2;
	p2 =	seq.s32 @!p0 s5, $0x0  }
0x1f: {  	s9 =	smul.u32 $0xF7A, s1;
	s8 =	simm.s32 @!p0 $0x1BF5;
	p2 =	por !p2, p0  }
0x20: {  	[sflag:s8] =	ssyncset.s32 @!p0 $0xFFFFF086;
	s6 =	sadd.s32 @!p0 s3, s7;
	s7 =	simm.s32 @!p0 $0x108  }
0x21: {  	s3 =	sadd.s32 s3, s9;
	s6 =	sadd.s32 @!p0 $0x88, s6;
	s7 =	simm.s32 @p2 $0x1082  }
0x22: {  	[simem:s7], [sflag:s8] =	dma.local @!p0 [hbm:s6], $0xF7A  }
0x23: {  	s9 =	sor.u32 $0xD0000000, s2;
	s6 =	simm.s32 $0x108;
	_ =	swait.ge @!p0 [sflag:s8], $0x0  }
0x24: {  	s3 =	sadd.s32 $0x88, s3;
	s6 =	simm.s32 @!p1 $0x1082;
	[sflag:s4] =	ssyncset.s32 $0xFFFFF086  }
0x25: {  	[simem:s6], [sflag:s4] =	dma.local [hbm:s3], $0xF7A  }
0x26: {  	[smem:$0x3F9B] =	sst s1;
	(tag) =	ssettag s2;
	_ =	strace s9  }
0x27: {  	s1 =	sld [smem:$0x3FAB]  }
0x28: {  	s2 =	sld [smem:$0x3FAC]  }
0x29: {  	s4 =	sld [smem:$0x3FAE]  }
0x2a: {  	p0 =	seq.s32 s5, $0x0;
	s5 =	sld [smem:$0x3FAF]  }
0x2b: {  	s6 =	sld [smem:$0x3FB0]  }
0x2c: {  	s7 =	sld [smem:$0x3FB1]  }
0x2d: {  	s3 =	simm.s32 $0x108;
	s8 =	sld [smem:$0x3FB2]  }
0x2e: {  	s3 =	simm.s32 @!p0 $0x1082;
	s9 =	sld [smem:$0x3FB3]  }
0x2f: {  	lr =	sadd.s32 s0, s3;
	s0 =	sld [smem:$0x3FAA]  }
0x30: {  	s3 =	sld [smem:$0x3FAD]  }
0x31: {  	[smem:$0x3FB6] =	sst s10  }
0x32: {  	s10 =	sld [smem:$0x3FB4];
	_ =	sdelay $0x3  }
0x33: {  	p0 =	seq.s32 s10, $0x1;
	s10 =	sld [smem:$0x3FB6];
	_ =	sdelay $0x3  }
0x34: {  	[smem:$0x3FB6] =	sst s10  }
0x35: {  	s10 =	sld [smem:$0x3FB5];
	_ =	sdelay $0x3  }
0x36: {  	p1 =	seq.s32 s10, $0x1;
	s10 =	sld [smem:$0x3FB6];
	_ =	sdelay $0x3  }
0x37: {  	[smem:$0x3FB6] =	sst s10  }
0x38: {  	s10 =	sld [smem:$0x3FB7]  }
0x39: {  	_ = 	snop;
	(pc) =	sbr.ind lr, $3  }
0x3a: {  	_ = 	snop  }
0x3b: {  	_ = 	snop  }
0x3c: {  	p2 =	seq.s32 s10, $0x1;
	s10 =	sld [smem:$0x3FB6]  }
0x3d: {  	_ =	shalt  }
0x3e: {  	_ =	shalt  }
0x3f: {  	_ =	shalt  }
0x40: {  	_ =	shalt  }
0x41: {  	_ =	shalt  }
0x42: {  	_ =	shalt  }
0x43: {  	_ =	shalt  }
0x44: {  	_ =	shalt  }
0x45: {  	_ =	shalt  }
0x46: {  	_ =	shalt  }
0x47: {  	_ =	shalt  }
0x48: {  	_ =	shalt  }
0x49: {  	_ =	shalt  }
0x4a: {  	_ =	shalt  }
0x4b: {  	_ =	shalt  }
0x4c: {  	_ =	shalt  }
0x4d: {  	_ =	shalt  }
0x4e: {  	_ =	shalt  }
0x4f: {  	_ =	shalt  }
0x50: {  	_ =	shalt  }
0x51: {  	_ =	shalt  }
0x52: {  	_ =	shalt  }
0x53: {  	_ =	shalt  }
0x54: {  	_ =	shalt  }
0x55: {  	_ =	shalt  }
0x56: {  	_ =	shalt  }
0x57: {  	_ =	shalt  }
0x58: {  	_ =	shalt  }
0x59: {  	_ =	shalt  }
0x5a: {  	_ =	shalt  }
0x5b: {  	_ =	shalt  }
0x5c: {  	_ =	shalt  }
0x5d: {  	_ =	shalt  }
0x5e: {  	_ =	shalt  }
0x5f: {  	_ =	shalt  }
0x60: {  	_ =	shalt  }
0x61: {  	_ =	shalt  }
0x62: {  	_ =	shalt  }
0x63: {  	_ =	shalt  }
0x64: {  	_ =	shalt  }
0x65: {  	_ =	shalt  }
0x66: {  	_ =	shalt  }
0x67: {  	_ =	shalt  }
0x68: {  	_ =	shalt  }
0x69: {  	_ =	shalt  }
0x6a: {  	_ =	shalt  }
0x6b: {  	_ =	shalt  }
0x6c: {  	_ =	shalt  }
0x6d: {  	_ =	shalt  }
0x6e: {  	_ =	shalt  }
0x6f: {  	_ =	shalt  }
0x70: {  	_ =	shalt  }
0x71: {  	_ =	shalt  }
0x72: {  	_ =	shalt  }
0x73: {  	_ =	shalt  }
0x74: {  	_ =	shalt  }
0x75: {  	_ =	shalt  }
0x76: {  	_ =	shalt  }
0x77: {  	_ =	shalt  }
0x78: {  	_ =	shalt  }
0x79: {  	_ =	shalt  }
0x7a: {  	_ =	shalt  }
0x7b: {  	_ =	shalt  }
0x7c: {  	_ =	shalt  }
0x7d: {  	_ =	shalt  }
0x7e: {  	_ =	shalt  }
0x7f: {  	_ =	shalt  }
0x80: {  	_ =	shalt  }
0x81: {  	_ =	shalt  }
0x82: {  	_ =	shalt  }
0x83: {  	_ =	shalt  }
0x84: {  	_ =	shalt  }
0x85: {  	_ =	shalt  }
0x86: {  	_ =	shalt  }
0x87: {  	_ =	shalt  }
.Lfunc_end0:
.L_simem_size_0:
called_computation.1_lowered:
.L_overlay_start_0:
0x88: {  	s2 =	sld [smem:$0x3FD9]  }
0x89: {  	s3 =	sld [smem:$0x3FFE];
	_ =	sdelay $0x1  }
0x8a: {  	s1 =	srdreg.scid  }
0x8b: {  	s0 =	sand.u32 $0x1, s1  }
0x8c: {  	s17 =	sshll.u32 s0, $0xA;
	s2 =	sadd.s32 s3, s2  }
0x8d: {  	s2 =	sadd.s32 s2, s17  }
0x8e: {  	[smem:$0x3FC2] =	sst s2  }
0x8f: {  	_ = 	snop  }
0x90: {  	s2 =	sld [smem:$0x3FD0];
	(tm) =	ssettm $0x1  }
0x91: {  	s18 =	sld [smem:$0x3FFB];
	_ =	sdelay $0x3  }
0x92: {  	_ =	strace s18  }
0x93: {  	s3 =	sld [smem:$0x3FFC];
	_ =	sdelay $0x3  }
0x94: {  	_ =	strace s3  }
0x95: {  	s3 =	sld [smem:$0x3FFD];
	_ =	sdelay $0x3  }
0x96: {  	_ =	strace s3  }
0x97: {  	_ =	strace $0x8FFFFFFF  }
0x98: {  	s19 =	sld [smem:$0x3FDB];
	_ =	sdelay $0x1  }
0x99: {  	s4 =	simm.s32 $_scs_section_size  }
0x9a: {  	s5 =	simm.s32 $_size__tile_overlayer_lowered;
	s6 =	simm.s32 $_tile_overlayer_lowered  }
0x9b: {  	s22 =	simm.s32 $0x1BFF;
	s21 =	sshll.u32 s6, $0x1;
	s3 =	sadd.s32 s4, s19  }
0x9c: {  	s7 =	simm.s32 $0x0;
	s20 =	sshll.u32 s5, $0x1;
	s5 =	sadd.s32 s21, s3  }
0x9d: {  	[timem:s7], [sflag:s22] =	dma.local [hbm:s5], s20  }
0x9e: {  	_ =	swait.ge [sflag:s22], s20  }
0x9f: {  	s4 =	ssub.s32 $0x0, s20;
	[sflag:s22] =	ssyncset.done $0x0  }
0xa0: {  	[sflag:s22] =	ssyncadd.s32 s4;
	_ =	sdelay $0x1  }
0xa1: {  	s23 =	simm.s32 $0x1B8B  }
0xa2: {  	_ =	swait.ge [sflag:s23], $0x1  }
0xa3: {  	[sflag:s23] =	ssyncset.done $0x0  }
0xa4: {  	s25 =	simm.s32 $0x1B8E;
	s24 =	sld [smem:$0x3FFE];
	[sflag:s23] =	ssyncadd.s32 $0xFFFFFFFF  }
0xa5: {  	s26 =	simm.s32 $execute0_lowered;
	[smem:$0x3FD2] =	sst s25  }
0xa6: {  	s5 =	sshll.u32 s26, $0x1;
	_ =	strace $0x80000049;
	[dreg:$0x1] =	wrdreg $0xFFFFFFFF  }
0xa7: {  	s28 =	simm.s32 $_size_execute0_lowered;
	s3 =	sadd.s32 s3, s5;
	[dreg:$0x0] =	wrdreg $0x0  }
0xa8: {  	s5 =	sshll.u32 s28, $0x1;
	[dreg:$0x2] =	wrdreg s3  }
0xa9: {  	[dreg:$0x3] =	wrdreg s5  }
0xaa: {  	[dreg:$0x4] =	wrdreg $0xC0  }
0xab: {  	_ =	task [dreg:s7], $0x5FFFF  }
0xac: {  	[dreg:$0x1] =	wrdreg $0xFFFFFFFF  }
0xad: {  	[dreg:$0x0] =	wrdreg $0x60  }
0xae: {  	[dreg:$0x2] =	wrdreg s24  }
0xaf: {  	[dreg:$0x3] =	wrdreg s2  }
0xb0: {  	[dreg:$0x4] =	wrdreg $0xC9400  }
0xb1: {  	[dreg:$0x5] =	wrdreg $0x9  }
0xb2: {  	_ =	task.clear_ibuf [dreg:s7], $0x6FFFF;
	_ =	strace $0x90000049  }
0xb3: {  	s29 =	simm.s32 $0x9;
	_ =	strace $0x8000004B  }
0xb4: {  	_ =	swait.ge [sflag:s29], $0x1  }
0xb5: {  	[sflag:s29] =	ssyncadd.s32 $0xFFFFFFFF  }
0xb6: {  	_ =	strace $0x9000004B  }
0xb7: {  	_ =	sfence  }
0xb8: {  	s30 =	sld [smem:$0x0];
	_ =	sdelay $0x2  }
0xb9: {  	s31 =	sshll.u32 s1, $0xD;
	s1 =	sshrl.u32 s1, $0x2  }
0xba: {  	s3 =	sand.u32 $0x4000, s31;
	s1 =	sadd.s32 s1, s30  }
0xbb: {  	s0 =	sor.u32 s3, s0;
	s1 =	sshll.u32 s1, $0x11  }
0xbc: {  	s0 =	sor.u32 s1, s0  }
0xbd: {  	s0 =	sadd.s32 $0x8F2B, s0  }
0xbe: {  	[sflag:s0] =	ssyncadd.remote.s32 $0x1  }
0xbf: {  	_ =	sfence.sel $0xFFFF  }
0xc0: {  	[dreg:$0x0] =	wrdreg $0xFFFFFFFF;
	(pc) =	sbr.abs _section_cstart, $3  }
0xc1: {  	[dreg:$0x1] =	wrdreg $0xFFFFFFFF  }
0xc2: {  	_ =	task.clear_ibuf [dreg:s7], $0x2FFFF;
	_ =	strace $0x9FFFFFFF  }
0xc3: {  	(tm) =	ssettm $0x7FFFFFFF  }
tec
execute0_lowered:
.L_overlay_start_1:
0x0: {  	(tag) =	ssettag $0x1  }
0x1: {  	s0 =	rddreg [dreg:$0x0]  }
0x2: {  	s1 =	rddreg [dreg:$0x1]  }
0x3: {  	s2 =	rddreg [dreg:$0x2]  }
0x4: {  	s3 =	simm.s32 $0x0;
	s4 =	srdreg.scid;
	s13 =	stileid.u32  }
0x5: {  	s29 =	simm.s32 $0xB540;
	s30 =	simm.s32 $0x5;
	s31 =	simm.s32 $0xA00  }
0x6: {  	[smem:$0x7FF] =	sst s3;
	s4 =	sand.u32 $0x1, s4;
	s5 =	sadd.s32 $0x67C00, s0  }
0x7: {  	s9 =	smul.u32 $0xA000, s13;
	s6 =	sadd.s32 $0xAC00, s0;
	s7 =	sadd.s32 $0xE00, s0  }
0x8: {  	s8 =	smul.u32 $0xA0000, s4;
	s10 =	sshll.u32 s4, $0x4;
	s4 =	ssub.s32 $0x2, s4  }
0x9: {  	s10 =	sor.u32 s13, s10;
	s12 =	sshrl.u32 s4, $0x1;
	s13 =	smul.u32 $0x28000, s13  }
0xa: {  	_ =	strace $0x8000004A;
	s10 =	smul.u32 $0x2710, s10;
	s4 =	ssub.s32 s4, s12  }
0xb: {  	s11 =	sadd.s32 s9, s8;
	s8 =	sadd.s32 $0x19A00, s0;
	s4 =	smax.u32 s4, $0x1  }
0xc: {  	s18 =	sshrl.u32 s13, $0x2;
	s16 =	sadd.s32 s8, s10;
	[dreg:$0xd] =	wrdreg s4  }
0xd: {  	s28 =	sshrl.u32 s10, $0x3;
	s20 =	sadd.s32 s18, s2;
	[dreg:$0x6] =	wrdreg s16  }
0xe: {  	s11 =	sshrl.u32 s11, $0x3;
	s14 =	sadd.s32 s6, s28;
	[dreg:$0xc] =	wrdreg s20  }
0xf: {  	s0 =	sadd.s32 s11, s0;
	s11 =	sadd.s32 s7, s28;
	[dreg:$0x4] =	wrdreg s14  }
0x10: {  	s19 =	sadd.s32 s9, s2;
	s0 =	sadd.s32 $0xB5E00, s0;
	[dreg:$0x5] =	wrdreg s11  }
0x11: {  	s9 =	simm.s32 $0x1;
	s21 =	sadd.s32 $0x1400, s20;
	[dreg:$0xb] =	wrdreg s0  }
0x12: {  	s13 =	simm.s32 $0xAF0;
	s22 =	sadd.s32 $0x2800, s20;
	[dreg:$0xe] =	wrdreg s21  }
0x13: {  	s15 =	sadd.s32 $0x50, s10;
	s23 =	sadd.s32 $0x3C00, s20;
	[dreg:$0xf] =	wrdreg s22  }
0x14: {  	s4 =	simm.s32 $0xB40;
	s24 =	sadd.s32 $0x5000, s20;
	[dreg:$0x10] =	wrdreg s23  }
0x15: {  	s17 =	sshrl.u32 s15, $0x3;
	s25 =	sadd.s32 $0x6400, s20;
	[dreg:$0x11] =	wrdreg s24  }
0x16: {  	s26 =	sadd.s32 $0x7800, s20;
	s28 =	sadd.s32 $0x8C00, s20;
	[dreg:$0x12] =	wrdreg s25  }
0x17: {  	s16 =	simm.s32 $0x0;
	s14 =	sadd.s32 s6, s17;
	[dreg:$0x14] =	wrdreg s26  }
0x18: {  	s12 =	sadd.s32 s7, s17;
	s11 =	sadd.s32 s8, s15;
	[dreg:$0x15] =	wrdreg s28  }
0x19: {  	s15 =	sadd.s32 $0xA0, s10;
	s10 =	sadd.s32 $0xF0, s10;
	[dreg:$0x7] =	wrdreg s14  }
0x1a: {  	s0 =	sshrl.u32 s19, $0x3;
	s17 =	simm.s32 $0x3;
	[dreg:$0x8] =	wrdreg s12  }
0x1b: {  	s19 =	simm.s32 $0x2;
	s21 =	simm.s32 $0x500;
	[dreg:$0x9] =	wrdreg s11  }
0x1c: {  	s22 =	simm.s32 $0x1040;
	s23 =	simm.s32 $0x4;
	[dreg:$0xa] =	wrdreg s10  }
0x1d: {  	s25 =	simm.s32 $0x0;
	[dreg:$0x13] =	wrdreg s0;
	s0 =	simm.s32 $0xAA0  }
0x1e: {  	v0 =	vimm.f32 $0.0e+00;
	v1 =	vlaneseq.u32;
	s10 =	simm.s32 $0x50;
	s12 =	simm.s32 $0xA50;
	s14 =	simm.s32 $0xDC0  }
.LBB2_1:
0x1f: {  	[dreg:$0x16] =	wrdreg s16;
	s18 =	simm.s32 $0x100;
	s11 =	simm.s32 $0x0  }
.LBB2_2:
0x20: {  	p0 =	sne.s32 s18, $0x4F00;
	[tilespmem:s11+$0xB570] =	vst v0;
	s20 =	smov.u32 s18;
	s18 =	sadd.s32 $0x100, s18  }
.Ltmp0:
0x21: {  	[tilespmem:s11+$0xB560] =	vst v0;
	(pc) =	sbr.rel @p0 .LBB2_2-.Ltmp0, $3  }
0x22: {  	[tilespmem:s11+$0xB540] =	vst v0  }
0x23: {  	[tilespmem:s11+$0xB550] =	vst v0;
	_ =	sdelay $0x1  }
0x24: {  	s11 =	sshra.s32 s20, $0x2  }
0x25: {  	[tilespmem:s11+$0xB570] =	vst v0  }
0x26: {  	[tilespmem:s11+$0xB560] =	vst v0  }
0x27: {  	[tilespmem:s11+$0xB540] =	vst v0  }
0x28: {  	[tilespmem:s11+$0xB550] =	vst v0;
	s24 =	rddreg [dreg:$0xc]  }
0x29: {  	[spmem:s24] =	stream.linear.scatter [tilespmem:s29], [sflag:$0x5], $0x1400, $0x38;
	[tilespmem:$0x16940] =	vst v63  }
0x2a: {  	_ =	swait.ge [sflag:s30], $0x1400  }
0x2b: {  	[sflag:s30] =	ssyncset.done $0x0  }
0x2c: {  	s26 =	rddreg [dreg:$0xe];
	[sflag:s30] =	ssyncadd.s32 $0xFFFFEC00  }
0x2d: {  	[spmem:s26] =	stream.linear.scatter [tilespmem:s29], [sflag:$0x5], $0x1400, $0x38;
	[tilespmem:$0x16940] =	vst v63  }
0x2e: {  	_ =	swait.ge [sflag:s30], $0x1400  }
0x2f: {  	[sflag:s30] =	ssyncset.done $0x0  }
0x30: {  	s28 =	rddreg [dreg:$0xf];
	[sflag:s30] =	ssyncadd.s32 $0xFFFFEC00  }
0x31: {  	[spmem:s28] =	stream.linear.scatter [tilespmem:s29], [sflag:$0x5], $0x1400, $0x38;
	[tilespmem:$0x16940] =	vst v63  }
0x32: {  	_ =	swait.ge [sflag:s30], $0x1400  }
0x33: {  	[sflag:s30] =	ssyncset.done $0x0  }
0x34: {  	s16 =	rddreg [dreg:$0x10];
	[sflag:s30] =	ssyncadd.s32 $0xFFFFEC00  }
0x35: {  	[spmem:s16] =	stream.linear.scatter [tilespmem:s29], [sflag:$0x5], $0x1400, $0x38;
	[tilespmem:$0x16940] =	vst v63  }
0x36: {  	_ =	swait.ge [sflag:s30], $0x1400  }
0x37: {  	[sflag:s30] =	ssyncset.done $0x0  }
0x38: {  	s18 =	rddreg [dreg:$0x11];
	[sflag:s30] =	ssyncadd.s32 $0xFFFFEC00  }
0x39: {  	[spmem:s18] =	stream.linear.scatter [tilespmem:s29], [sflag:$0x5], $0x1400, $0x38;
	[tilespmem:$0x16940] =	vst v63  }
0x3a: {  	_ =	swait.ge [sflag:s30], $0x1400  }
0x3b: {  	[sflag:s30] =	ssyncset.done $0x0  }
0x3c: {  	s20 =	rddreg [dreg:$0x12];
	[sflag:s30] =	ssyncadd.s32 $0xFFFFEC00  }
0x3d: {  	[spmem:s20] =	stream.linear.scatter [tilespmem:s29], [sflag:$0x5], $0x1400, $0x38;
	[tilespmem:$0x16940] =	vst v63  }
0x3e: {  	_ =	swait.ge [sflag:s30], $0x1400  }
0x3f: {  	[sflag:s30] =	ssyncset.done $0x0  }
0x40: {  	s24 =	rddreg [dreg:$0x14];
	[sflag:s30] =	ssyncadd.s32 $0xFFFFEC00  }
0x41: {  	[spmem:s24] =	stream.linear.scatter [tilespmem:s29], [sflag:$0x5], $0x1400, $0x38;
	[tilespmem:$0x16940] =	vst v63  }
0x42: {  	_ =	swait.ge [sflag:s30], $0x1400  }
0x43: {  	[sflag:s30] =	ssyncset.done $0x0  }
0x44: {  	s26 =	rddreg [dreg:$0x15];
	[sflag:s30] =	ssyncadd.s32 $0xFFFFEC00  }
0x45: {  	[spmem:s26] =	stream.linear.scatter [tilespmem:s29], [sflag:$0x5], $0x1400, $0x38;
	[tilespmem:$0x16940] =	vst v63  }
0x46: {  	_ =	swait.ge [sflag:s30], $0x1400  }
0x47: {  	[sflag:s30] =	ssyncset.done $0x0  }
0x48: {  	[sflag:s30] =	ssyncadd.s32 $0xFFFFEC00  }
0x49: {  	[bflag:$0x0] =	sbarrier.arrive $0xFFFF  }
0x4a: {  	s28 =	rddreg [dreg:$0x4]  }
0x4b: {  	[tilespmem:s31], [sflag:$0x1] =	stream.linear.gather [hbm4b:s28+s25], $0x50, $0x38;
	[tilespmem:$0x16940] =	vst v63  }
0x4c: {  	s16 =	rddreg [dreg:$0x5]  }
0x4d: {  	[tilespmem:s0], [sflag:$0x1] =	stream.linear.gather [hbm4b:s16+s25], $0x50, $0x38;
	[tilespmem:$0x16940] =	vst v63  }
0x4e: {  	s18 =	rddreg [dreg:$0x6]  }
0x4f: {  	[tilespmem:s4], [sflag:$0x1] =	stream.linear.gather [hbm4b:s18+s25], $0x280, $0x38;
	[tilespmem:$0x16940] =	vst v63  }
0x50: {  	_ =	swait.ge [sflag:s9], $0x50  }
0x51: {  	[sflag:s9] =	ssyncset.done $0x0  }
0x52: {  	[sflag:s9] =	ssyncadd.s32 $0xFFFFFFB0  }
0x53: {  	_ =	swait.ge [sflag:s9], $0x50  }
0x54: {  	[sflag:s9] =	ssyncset.done $0x0  }
0x55: {  	[sflag:s9] =	ssyncadd.s32 $0xFFFFFFB0  }
0x56: {  	_ =	swait.ge [sflag:s9], $0x280  }
0x57: {  	[sflag:s9] =	ssyncset.done $0x0  }
0x58: {  	s20 =	simm.s32 $0x1540;
	[sflag:s9] =	ssyncadd.s32 $0xFFFFFD80  }
0x59: {  	[tilespmem:s20], [sflag:$0x3] =	stream.indirect.gather [hbm4b:s5+s10], $0x100, s31, s10, $0xb8;
	[tilespmem:$0x16940] =	vst v63  }
0x5a: {  	_ = 	snop  }
0x5b: {  	[tilespmem:s25], [sflag:$0x3] =	stream.indirect.gather [hbm4b:s1+s10], $0x10, s0, s10, $0xb8;
	[tilespmem:$0x16940] =	vst v63  }
0x5c: {  	s24 =	rddreg [dreg:$0x7]  }
0x5d: {  	[tilespmem:s12], [sflag:$0x2] =	stream.linear.gather [hbm4b:s24+s25], $0x50, $0x38;
	[tilespmem:$0x16940] =	vst v63  }
0x5e: {  	s26 =	rddreg [dreg:$0x8]  }
0x5f: {  	[tilespmem:s13], [sflag:$0x2] =	stream.linear.gather [hbm4b:s26+s25], $0x50, $0x38;
	[tilespmem:$0x16940] =	vst v63  }
0x60: {  	s28 =	rddreg [dreg:$0x9];
	s26 =	simm.s32 $0x0  }
0x61: {  	[tilespmem:s14], [sflag:$0x2] =	stream.linear.gather [hbm4b:s28+s25], $0x280, $0x38;
	[tilespmem:$0x16940] =	vst v63  }
.LBB2_4:
0x62: {  	_ =	swait.ge [sflag:s17], $0x5000  }
0x63: {  	[sflag:s17] =	ssyncset.done $0x0  }
0x64: {  	[sflag:s17] =	ssyncadd.s32 $0xFFFFB000  }
0x65: {  	_ =	swait.ge [sflag:s17], $0x500  }
0x66: {  	[sflag:s17] =	ssyncset.done $0x0  }
0x67: {  	[sflag:s17] =	ssyncadd.s32 $0xFFFFFB00  }
0x68: {  	_ =	swait.ge [sflag:s19], $0x50  }
0x69: {  	[sflag:s19] =	ssyncset.done $0x0  }
0x6a: {  	[sflag:s19] =	ssyncadd.s32 $0xFFFFFFB0  }
0x6b: {  	_ =	swait.ge [sflag:s19], $0x50  }
0x6c: {  	[sflag:s19] =	ssyncset.done $0x0  }
0x6d: {  	[sflag:s19] =	ssyncadd.s32 $0xFFFFFFB0  }
0x6e: {  	v2 =	vor.u32 s25, v1;
	_ =	swait.ge [sflag:s19], $0x280  }
0x6f: {  	v3 =	vshll.u32 v2, $0x3;
	[sflag:s19] =	ssyncset.done $0x0  }
0x70: {  	s11 =	simm.s32 $0x6540;
	v2 =	vshll.u32 v2, $0x4;
	[sflag:s19] =	ssyncadd.s32 $0xFFFFFD80  }
0x71: {  	[tilespmem:s11], [sflag:$0x4] =	stream.indirect.gather [hbm4b:s5+s10], $0x100, s12, s10, $0xb8;
	[tilespmem:$0x16940] =	vst v63  }
0x72: {  	_ = 	snop  }
0x73: {  	[tilespmem:s21], [sflag:$0x4] =	stream.indirect.gather [hbm4b:s1+s10], $0x10, s13, s10, $0xb8;
	[tilespmem:$0x16940] =	vst v63  }
0x74: {  	v4 =	vld.idx.msk [tilespmem:v3+s4+$0x0], $0xffff  }
0x75: {  	v5 =	vld.idx.msk [tilespmem:v2+s25+$0x0], $0xffff;
	_ =	sdelay $0x2  }
0x76: {  	v6 =	vor.u32 $0x1, v3  }
0x77: {  	v7 =	vor.u32 $0x1, v2  }
0x78: {  	v4 =	vmul.f32 v5, v4;
	_ =	sdelay $0x1  }
0x79: {  	[tilespmem:v2+s22+$0x0] =	vst.idx.msk $0xffff, v4  }
0x7a: {  	v4 =	vld.idx.msk [tilespmem:v6+s4+$0x0], $0xffff  }
0x7b: {  	v5 =	vld.idx.msk [tilespmem:v7+s25+$0x0], $0xffff;
	_ =	sdelay $0x2  }
0x7c: {  	v6 =	vor.u32 $0x2, v3  }
0x7d: {  	v8 =	vor.u32 $0x2, v2  }
0x7e: {  	v4 =	vmul.f32 v5, v4;
	_ =	sdelay $0x1  }
0x7f: {  	[tilespmem:v7+s22+$0x0] =	vst.idx.msk $0xffff, v4  }
0x80: {  	v4 =	vld.idx.msk [tilespmem:v6+s4+$0x0], $0xffff  }
0x81: {  	v5 =	vld.idx.msk [tilespmem:v8+s25+$0x0], $0xffff;
	_ =	sdelay $0x2  }
0x82: {  	v3 =	vor.u32 $0x3, v3  }
0x83: {  	v2 =	vor.u32 $0x3, v2  }
0x84: {  	v4 =	vmul.f32 v5, v4;
	_ =	sdelay $0x1  }
0x85: {  	[tilespmem:v8+s22+$0x0] =	vst.idx.msk $0xffff, v4  }
0x86: {  	v3 =	vld.idx.msk [tilespmem:v3+s4+$0x0], $0xffff  }
0x87: {  	v4 =	vld.idx.msk [tilespmem:v2+s25+$0x0], $0xffff  }
0x88: {  	s28 =	simm.s32 $0x10  }
0x89: {  	s18 =	simm.s32 $0x20;
	v5 =	vor.u32 s28, v1  }
.LBB2_5:
0x8a: {  	p0 =	sne.s32 s18, $0x40;
	v6 =	vshll.u32 v5, $0x3;
	v5 =	vshll.u32 v5, $0x4;
	s20 =	smov.u32 s18;
	s18 =	sadd.s32 $0x10, s18  }
0x8b: {  	_ = 	snop  }
0x8c: {  	v3 =	vmul.f32 v4, v3;
	_ =	sdelay $0x1  }
0x8d: {  	[tilespmem:v2+s22+$0x0] =	vst.idx.msk $0xffff, v3  }
0x8e: {  	s11 =	simm.s32 $0x0;
	v2 =	vld.idx.msk [tilespmem:v6+s4+$0x0], $0xffff  }
0x8f: {  	v3 =	vld.idx.msk [tilespmem:v5+s11+$0x0], $0xffff;
	_ =	sdelay $0x3  }
0x90: {  	v4 =	vor.u32 $0x1, v6;
	v7 =	vor.u32 $0x1, v5;
	_ =	sdelay $0x1  }
0x91: {  	v2 =	vmul.f32 v3, v2;
	_ =	sdelay $0x1  }
0x92: {  	[tilespmem:v5+s22+$0x0] =	vst.idx.msk $0xffff, v2  }
0x93: {  	v2 =	vld.idx.msk [tilespmem:v4+s4+$0x0], $0xffff  }
0x94: {  	v3 =	vld.idx.msk [tilespmem:v7+s11+$0x0], $0xffff;
	_ =	sdelay $0x3  }
0x95: {  	v8 =	vor.u32 $0x2, v5;
	v4 =	vor.u32 $0x2, v6;
	_ =	sdelay $0x1  }
0x96: {  	v2 =	vmul.f32 v3, v2;
	_ =	sdelay $0x1  }
0x97: {  	[tilespmem:v7+s22+$0x0] =	vst.idx.msk $0xffff, v2  }
0x98: {  	v3 =	vld.idx.msk [tilespmem:v4+s4+$0x0], $0xffff  }
0x99: {  	v4 =	vld.idx.msk [tilespmem:v8+s11+$0x0], $0xffff;
	_ =	sdelay $0x3  }
0x9a: {  	v6 =	vor.u32 $0x3, v6;
	v2 =	vor.u32 $0x3, v5;
	_ =	sdelay $0x1  }
0x9b: {  	v3 =	vmul.f32 v4, v3;
	_ =	sdelay $0x1  }
0x9c: {  	[tilespmem:v8+s22+$0x0] =	vst.idx.msk $0xffff, v3  }
.Ltmp1:
0x9d: {  	v3 =	vld.idx.msk [tilespmem:v6+s4+$0x0], $0xffff;
	(pc) =	sbr.rel @p0 .LBB2_5-.Ltmp1, $2  }
0x9e: {  	v4 =	vld.idx.msk [tilespmem:v2+s11+$0x0], $0xffff;
	_ =	sdelay $0x2  }
0x9f: {  	v5 =	vor.u32 s20, v1  }
0xa0: {  	v6 =	vshll.u32 v5, $0x3  }
0xa1: {  	v5 =	vshll.u32 v5, $0x4  }
0xa2: {  	v3 =	vmul.f32 v4, v3;
	_ =	sdelay $0x1  }
0xa3: {  	[tilespmem:v2+s22+$0x0] =	vst.idx.msk $0xffff, v3  }
0xa4: {  	v2 =	vld.idx.msk [tilespmem:v6+s4+$0x0], $0xffff  }
0xa5: {  	v3 =	vld.idx.msk [tilespmem:v5+s11+$0x0], $0xffff;
	_ =	sdelay $0x2  }
0xa6: {  	v4 =	vor.u32 $0x1, v6  }
0xa7: {  	v7 =	vor.u32 $0x1, v5  }
0xa8: {  	v2 =	vmul.f32 v3, v2;
	_ =	sdelay $0x1  }
0xa9: {  	[tilespmem:v5+s22+$0x0] =	vst.idx.msk $0xffff, v2  }
0xaa: {  	v2 =	vld.idx.msk [tilespmem:v4+s4+$0x0], $0xffff  }
0xab: {  	v3 =	vld.idx.msk [tilespmem:v7+s11+$0x0], $0xffff;
	_ =	sdelay $0x2  }
0xac: {  	v4 =	vor.u32 $0x2, v6  }
0xad: {  	v8 =	vor.u32 $0x2, v5  }
0xae: {  	v2 =	vmul.f32 v3, v2;
	_ =	sdelay $0x1  }
0xaf: {  	[tilespmem:v7+s22+$0x0] =	vst.idx.msk $0xffff, v2  }
0xb0: {  	v2 =	vld.idx.msk [tilespmem:v4+s4+$0x0], $0xffff  }
0xb1: {  	v3 =	vld.idx.msk [tilespmem:v8+s11+$0x0], $0xffff;
	_ =	sdelay $0x2  }
0xb2: {  	v4 =	vor.u32 $0x3, v6  }
0xb3: {  	v5 =	vor.u32 $0x3, v5  }
0xb4: {  	v2 =	vmul.f32 v3, v2;
	_ =	sdelay $0x1  }
0xb5: {  	[tilespmem:v8+s22+$0x0] =	vst.idx.msk $0xffff, v2  }
0xb6: {  	v2 =	vld.idx.msk [tilespmem:v4+s4+$0x0], $0xffff  }
0xb7: {  	v3 =	vld.idx.msk [tilespmem:v5+s11+$0x0], $0xffff;
	_ =	sdelay $0x4  }
0xb8: {  	v2 =	vmul.f32 v3, v2;
	_ =	sdelay $0x1  }
0xb9: {  	s24 =	simm.s32 $0x0;
	[tilespmem:v5+s22+$0x0] =	vst.idx.msk $0xffff, v2  }
0xba: {  	s28 =	simm.s32 $0x15C0;
	v2 =	vld [tilespmem:s24+$0x1040]  }
0xbb: {  	v5 =	vld [tilespmem:s28+$0xFFFFFFC0]  }
0xbc: {  	v6 =	vld [tilespmem:s28+$0xFFFFFF80];
	_ =	sdelay $0x1  }
0xbd: {  	v7 =	vld [tilespmem:s28+$0x0]  }
0xbe: {  	v8 =	vbroadcast v2, $0x0;
	v4 =	vbroadcast v2, $0x1  }
0xbf: {  	v9 =	vld [tilespmem:s28+$0x40];
	v3 =	vbroadcast v2, $0x2  }
0xc0: {  	v6 =	vmul.f32 v6, v8;
	v5 =	vmul.f32 v5, v4;
	_ =	sdelay $0x1  }
0xc1: {  	v2 =	vbroadcast v2, $0x3;
	v5 =	vadd.f32 v5, v6;
	v6 =	vmul.f32 v7, v3;
	_ =	sdelay $0x1  }
0xc2: {  	v5 =	vadd.f32 v6, v5;
	v6 =	vmul.f32 v9, v2;
	_ =	sdelay $0x1  }
0xc3: {  	v5 =	vadd.f32 v6, v5  }
0xc4: {  	s18 =	simm.s32 $0xB560  }
0xc5: {  	[tilespmem:s18+$0xFFFFFFE0] =	vst v5  }
0xc6: {  	v5 =	vld [tilespmem:s28+$0xFFFFFF90]  }
0xc7: {  	v6 =	vld [tilespmem:s28+$0xFFFFFFD0];
	_ =	sdelay $0x1  }
0xc8: {  	v7 =	vld [tilespmem:s28+$0x10];
	_ =	sdelay $0x1  }
0xc9: {  	v9 =	vld [tilespmem:s28+$0x50]  }
0xca: {  	v5 =	vmul.f32 v5, v8;
	v6 =	vmul.f32 v6, v4;
	_ =	sdelay $0x1  }
0xcb: {  	v5 =	vadd.f32 v6, v5;
	v6 =	vmul.f32 v7, v3;
	_ =	sdelay $0x1  }
0xcc: {  	v5 =	vadd.f32 v6, v5;
	v6 =	vmul.f32 v9, v2;
	_ =	sdelay $0x1  }
0xcd: {  	v5 =	vadd.f32 v6, v5;
	_ =	sdelay $0x1  }
0xce: {  	[tilespmem:s18+$0xFFFFFFF0] =	vst v5  }
0xcf: {  	v5 =	vld [tilespmem:s28+$0xFFFFFFA0]  }
0xd0: {  	v6 =	vld [tilespmem:s28+$0xFFFFFFE0];
	_ =	sdelay $0x1  }
0xd1: {  	v7 =	vld [tilespmem:s28+$0x20];
	_ =	sdelay $0x1  }
0xd2: {  	v9 =	vld [tilespmem:s28+$0x60]  }
0xd3: {  	v5 =	vmul.f32 v5, v8;
	v6 =	vmul.f32 v6, v4;
	_ =	sdelay $0x1  }
0xd4: {  	v5 =	vadd.f32 v6, v5;
	v6 =	vmul.f32 v7, v3;
	_ =	sdelay $0x1  }
0xd5: {  	v5 =	vadd.f32 v6, v5;
	v6 =	vmul.f32 v9, v2;
	_ =	sdelay $0x1  }
0xd6: {  	v5 =	vadd.f32 v6, v5;
	_ =	sdelay $0x1  }
0xd7: {  	[tilespmem:s18+$0x0] =	vst v5  }
0xd8: {  	p0 =	por $0x1, $0x1;
	v9 =	vld [tilespmem:s28+$0xFFFFFFB0]  }
.Ltmp2:
0xd9: {  	v7 =	vld [tilespmem:s28+$0xFFFFFFF0];
	(pc) =	sbr.rel @!p0 .LBB2_8-.Ltmp2, $3  }
0xda: {  	v6 =	vld [tilespmem:s28+$0x30]  }
0xdb: {  	v5 =	vld [tilespmem:s28+$0x70];
	_ =	sdelay $0x1  }
0xdc: {  	s20 =	simm.s32 $0x40;
	s11 =	simm.s32 $0xB560;
	v8 =	vmul.f32 v9, v8  }
.LBB2_7:
0xdd: {  	p0 =	sne.s32 s20, $0x13C0;
	v4 =	vmul.f32 v7, v4;
	s28 =	sadd.s32 $0x100, s28;
	s11 =	sadd.s32 $0x40, s11  }
0xde: {  	s24 =	smov.u32 s20;
	s20 =	sadd.s32 $0x40, s20;
	v3 =	vmul.f32 v6, v3  }
0xdf: {  	v4 =	vadd.f32 v4, v8;
	v2 =	vmul.f32 v5, v2  }
0xe0: {  	s24 =	sshra.s32 s24, $0x2  }
0xe1: {  	v3 =	vadd.f32 v3, v4;
	_ =	sdelay $0x1  }
0xe2: {  	v2 =	vadd.f32 v2, v3;
	_ =	sdelay $0x1  }
0xe3: {  	[tilespmem:s18+$0x10] =	vst v2;
	s18 =	smov.u32 s11  }
0xe4: {  	v2 =	vld [tilespmem:s24+$0x1040]  }
0xe5: {  	v5 =	vld [tilespmem:s28+$0xFFFFFFC0]  }
0xe6: {  	v6 =	vld [tilespmem:s28+$0xFFFFFF80];
	_ =	sdelay $0x1  }
0xe7: {  	v7 =	vld [tilespmem:s28+$0x0]  }
0xe8: {  	v8 =	vbroadcast v2, $0x0;
	v4 =	vbroadcast v2, $0x1  }
0xe9: {  	v3 =	vbroadcast v2, $0x2;
	v2 =	vbroadcast v2, $0x3;
	v9 =	vld [tilespmem:s28+$0x40]  }
0xea: {  	v6 =	vmul.f32 v6, v8;
	v5 =	vmul.f32 v5, v4;
	_ =	sdelay $0x1  }
0xeb: {  	v5 =	vadd.f32 v5, v6;
	v6 =	vmul.f32 v7, v3;
	_ =	sdelay $0x1  }
0xec: {  	v5 =	vadd.f32 v6, v5;
	v6 =	vmul.f32 v9, v2;
	_ =	sdelay $0x1  }
0xed: {  	v5 =	vadd.f32 v6, v5;
	_ =	sdelay $0x1  }
0xee: {  	[tilespmem:s11+$0xFFFFFFE0] =	vst v5  }
0xef: {  	v5 =	vld [tilespmem:s28+$0xFFFFFF90]  }
0xf0: {  	v6 =	vld [tilespmem:s28+$0xFFFFFFD0];
	_ =	sdelay $0x1  }
0xf1: {  	v7 =	vld [tilespmem:s28+$0x10];
	_ =	sdelay $0x1  }
0xf2: {  	v5 =	vmul.f32 v5, v8;
	v9 =	vld [tilespmem:s28+$0x50]  }
0xf3: {  	v6 =	vmul.f32 v6, v4;
	_ =	sdelay $0x1  }
0xf4: {  	v5 =	vadd.f32 v6, v5;
	v6 =	vmul.f32 v7, v3;
	_ =	sdelay $0x1  }
0xf5: {  	v5 =	vadd.f32 v6, v5;
	v6 =	vmul.f32 v9, v2;
	_ =	sdelay $0x1  }
0xf6: {  	v5 =	vadd.f32 v6, v5;
	_ =	sdelay $0x1  }
0xf7: {  	[tilespmem:s11+$0xFFFFFFF0] =	vst v5  }
0xf8: {  	v5 =	vld [tilespmem:s28+$0xFFFFFFA0]  }
0xf9: {  	v6 =	vld [tilespmem:s28+$0xFFFFFFE0];
	_ =	sdelay $0x1  }
0xfa: {  	v7 =	vld [tilespmem:s28+$0x20];
	_ =	sdelay $0x1  }
0xfb: {  	v5 =	vmul.f32 v5, v8;
	v9 =	vld [tilespmem:s28+$0x60]  }
0xfc: {  	v6 =	vmul.f32 v6, v4;
	_ =	sdelay $0x1  }
0xfd: {  	v5 =	vadd.f32 v6, v5;
	v6 =	vmul.f32 v7, v3;
	_ =	sdelay $0x1  }
0xfe: {  	v5 =	vadd.f32 v6, v5;
	v6 =	vmul.f32 v9, v2;
	_ =	sdelay $0x1  }
0xff: {  	v5 =	vadd.f32 v6, v5;
	_ =	sdelay $0x1  }
0x100: {  	[tilespmem:s11+$0x0] =	vst v5  }
0x101: {  	v9 =	vld [tilespmem:s28+$0xFFFFFFB0]  }
.Ltmp3:
0x102: {  	v7 =	vld [tilespmem:s28+$0xFFFFFFF0];
	(pc) =	sbr.rel @p0 .LBB2_7-.Ltmp3, $3  }
0x103: {  	v6 =	vld [tilespmem:s28+$0x30]  }
0x104: {  	v5 =	vld [tilespmem:s28+$0x70];
	_ =	sdelay $0x1  }
0x105: {  	v8 =	vmul.f32 v9, v8  }
.LBB2_8:
0x106: {  	v4 =	vmul.f32 v7, v4;
	_ =	sdelay $0x1  }
0x107: {  	v3 =	vmul.f32 v6, v3;
	v4 =	vadd.f32 v4, v8;
	_ =	sdelay $0x1  }
0x108: {  	v2 =	vmul.f32 v5, v2;
	v3 =	vadd.f32 v3, v4;
	_ =	sdelay $0x1  }
0x109: {  	v2 =	vadd.f32 v2, v3;
	_ =	sdelay $0x1  }
0x10a: {  	s28 =	smul.u32 $0xA0, s26;
	[tilespmem:s18+$0x10] =	vst v2  }
0x10b: {  	[spmem:s2] =	stream.indirect.scatter.add.f32 [tilespmem:s29], [sflag:$0x5], $0x40, s0, s10, $0xb8;
	[tilespmem:$0x16940] =	vst v63  }
0x10c: {  	s11 =	sadd.s32 s28, s15;
	_ =	swait.ge [sflag:s30], $0x1400  }
0x10d: {  	s16 =	sshrl.u32 s11, $0x3;
	[sflag:s30] =	ssyncset.done $0x0  }
0x10e: {  	s24 =	simm.s32 $0x0;
	s20 =	sadd.s32 s6, s16;
	[sflag:s30] =	ssyncadd.s32 $0xFFFFEC00  }
0x10f: {  	[tilespmem:s31], [sflag:$0x1] =	stream.linear.gather [hbm4b:s20+s24], $0x50, $0x38;
	[tilespmem:$0x16940] =	vst v63  }
0x110: {  	s18 =	sadd.s32 s7, s16  }
0x111: {  	[tilespmem:s0], [sflag:$0x1] =	stream.linear.gather [hbm4b:s18+s24], $0x50, $0x38;
	[tilespmem:$0x16940] =	vst v63  }
0x112: {  	s11 =	sadd.s32 s8, s11  }
0x113: {  	[tilespmem:s4], [sflag:$0x1] =	stream.linear.gather [hbm4b:s11+s24], $0x280, $0x38;
	[tilespmem:$0x16940] =	vst v63  }
0x114: {  	_ =	swait.ge [sflag:s23], $0x5000  }
0x115: {  	[sflag:s23] =	ssyncset.done $0x0  }
0x116: {  	[sflag:s23] =	ssyncadd.s32 $0xFFFFB000  }
0x117: {  	_ =	swait.ge [sflag:s23], $0x500  }
0x118: {  	[sflag:s23] =	ssyncset.done $0x0  }
0x119: {  	[sflag:s23] =	ssyncadd.s32 $0xFFFFFB00  }
0x11a: {  	_ =	swait.ge [sflag:s9], $0x50  }
0x11b: {  	[sflag:s9] =	ssyncset.done $0x0  }
0x11c: {  	[sflag:s9] =	ssyncadd.s32 $0xFFFFFFB0  }
0x11d: {  	_ =	swait.ge [sflag:s9], $0x50  }
0x11e: {  	[sflag:s9] =	ssyncset.done $0x0  }
0x11f: {  	[sflag:s9] =	ssyncadd.s32 $0xFFFFFFB0  }
0x120: {  	v2 =	vor.u32 s24, v1;
	_ =	swait.ge [sflag:s9], $0x280  }
0x121: {  	v3 =	vshll.u32 v2, $0x3;
	[sflag:s9] =	ssyncset.done $0x0  }
0x122: {  	v2 =	vshll.u32 v2, $0x4;
	s20 =	simm.s32 $0x1540;
	[sflag:s9] =	ssyncadd.s32 $0xFFFFFD80  }
0x123: {  	[tilespmem:s20], [sflag:$0x3] =	stream.indirect.gather [hbm4b:s5+s10], $0x100, s31, s10, $0xb8;
	[tilespmem:$0x16940] =	vst v63  }
0x124: {  	_ = 	snop  }
0x125: {  	[tilespmem:s24], [sflag:$0x3] =	stream.indirect.gather [hbm4b:s1+s10], $0x10, s0, s10, $0xb8;
	[tilespmem:$0x16940] =	vst v63  }
0x126: {  	v4 =	vld.idx.msk [tilespmem:v3+s14+$0x0], $0xffff  }
0x127: {  	v5 =	vld.idx.msk [tilespmem:v2+s21+$0x0], $0xffff;
	_ =	sdelay $0x2  }
0x128: {  	v6 =	vor.u32 $0x1, v3  }
0x129: {  	v7 =	vor.u32 $0x1, v2  }
0x12a: {  	v4 =	vmul.f32 v5, v4;
	_ =	sdelay $0x1  }
0x12b: {  	[tilespmem:v2+s22+$0x0] =	vst.idx.msk $0xffff, v4  }
0x12c: {  	v4 =	vld.idx.msk [tilespmem:v6+s14+$0x0], $0xffff  }
0x12d: {  	v5 =	vld.idx.msk [tilespmem:v7+s21+$0x0], $0xffff;
	_ =	sdelay $0x2  }
0x12e: {  	v6 =	vor.u32 $0x2, v3  }
0x12f: {  	v63 =	vor.u32 $0x2, v2  }
0x130: {  	v4 =	vmul.f32 v5, v4;
	_ =	sdelay $0x1  }
0x131: {  	[tilespmem:v7+s22+$0x0] =	vst.idx.msk $0xffff, v4  }
0x132: {  	v4 =	vld.idx.msk [tilespmem:v6+s14+$0x0], $0xffff  }
0x133: {  	v5 =	vld.idx.msk [tilespmem:v63+s21+$0x0], $0xffff;
	_ =	sdelay $0x2  }
0x134: {  	v3 =	vor.u32 $0x3, v3  }
0x135: {  	v2 =	vor.u32 $0x3, v2  }
0x136: {  	v4 =	vmul.f32 v5, v4;
	_ =	sdelay $0x1  }
0x137: {  	[tilespmem:v63+s22+$0x0] =	vst.idx.msk $0xffff, v4  }
0x138: {  	v3 =	vld.idx.msk [tilespmem:v3+s14+$0x0], $0xffff  }
0x139: {  	v4 =	vld.idx.msk [tilespmem:v2+s21+$0x0], $0xffff  }
0x13a: {  	s24 =	simm.s32 $0x10  }
0x13b: {  	s11 =	simm.s32 $0x20;
	v5 =	vor.u32 s24, v1  }
.LBB2_9:
0x13c: {  	p0 =	sne.s32 s11, $0x40;
	v6 =	vshll.u32 v5, $0x3;
	v5 =	vshll.u32 v5, $0x4;
	s18 =	smov.u32 s11;
	s11 =	sadd.s32 $0x10, s11  }
0x13d: {  	_ = 	snop  }
0x13e: {  	v3 =	vmul.f32 v4, v3;
	_ =	sdelay $0x1  }
0x13f: {  	[tilespmem:v2+s22+$0x0] =	vst.idx.msk $0xffff, v3  }
0x140: {  	v2 =	vld.idx.msk [tilespmem:v6+s14+$0x0], $0xffff  }
0x141: {  	v3 =	vld.idx.msk [tilespmem:v5+s21+$0x0], $0xffff;
	_ =	sdelay $0x3  }
0x142: {  	v4 =	vor.u32 $0x1, v6;
	v7 =	vor.u32 $0x1, v5;
	_ =	sdelay $0x1  }
0x143: {  	v2 =	vmul.f32 v3, v2;
	_ =	sdelay $0x1  }
0x144: {  	[tilespmem:v5+s22+$0x0] =	vst.idx.msk $0xffff, v2  }
0x145: {  	v2 =	vld.idx.msk [tilespmem:v4+s14+$0x0], $0xffff  }
0x146: {  	v3 =	vld.idx.msk [tilespmem:v7+s21+$0x0], $0xffff;
	_ =	sdelay $0x3  }
0x147: {  	v8 =	vor.u32 $0x2, v5;
	v4 =	vor.u32 $0x2, v6;
	_ =	sdelay $0x1  }
0x148: {  	v2 =	vmul.f32 v3, v2;
	_ =	sdelay $0x1  }
0x149: {  	[tilespmem:v7+s22+$0x0] =	vst.idx.msk $0xffff, v2  }
0x14a: {  	v3 =	vld.idx.msk [tilespmem:v4+s14+$0x0], $0xffff  }
0x14b: {  	v4 =	vld.idx.msk [tilespmem:v8+s21+$0x0], $0xffff;
	_ =	sdelay $0x3  }
0x14c: {  	v6 =	vor.u32 $0x3, v6;
	v2 =	vor.u32 $0x3, v5;
	_ =	sdelay $0x1  }
0x14d: {  	v3 =	vmul.f32 v4, v3;
	_ =	sdelay $0x1  }
0x14e: {  	[tilespmem:v8+s22+$0x0] =	vst.idx.msk $0xffff, v3  }
.Ltmp4:
0x14f: {  	v3 =	vld.idx.msk [tilespmem:v6+s14+$0x0], $0xffff;
	(pc) =	sbr.rel @p0 .LBB2_9-.Ltmp4, $2  }
0x150: {  	v4 =	vld.idx.msk [tilespmem:v2+s21+$0x0], $0xffff;
	_ =	sdelay $0x2  }
0x151: {  	v5 =	vor.u32 s18, v1  }
0x152: {  	v6 =	vshll.u32 v5, $0x3  }
0x153: {  	v5 =	vshll.u32 v5, $0x4  }
0x154: {  	v3 =	vmul.f32 v4, v3;
	_ =	sdelay $0x1  }
0x155: {  	[tilespmem:v2+s22+$0x0] =	vst.idx.msk $0xffff, v3  }
0x156: {  	v2 =	vld.idx.msk [tilespmem:v6+s14+$0x0], $0xffff  }
0x157: {  	v3 =	vld.idx.msk [tilespmem:v5+s21+$0x0], $0xffff;
	_ =	sdelay $0x2  }
0x158: {  	v4 =	vor.u32 $0x1, v6  }
0x159: {  	v7 =	vor.u32 $0x1, v5  }
0x15a: {  	v2 =	vmul.f32 v3, v2;
	_ =	sdelay $0x1  }
0x15b: {  	[tilespmem:v5+s22+$0x0] =	vst.idx.msk $0xffff, v2  }
0x15c: {  	v2 =	vld.idx.msk [tilespmem:v4+s14+$0x0], $0xffff  }
0x15d: {  	v3 =	vld.idx.msk [tilespmem:v7+s21+$0x0], $0xffff;
	_ =	sdelay $0x2  }
0x15e: {  	v4 =	vor.u32 $0x2, v6  }
0x15f: {  	v8 =	vor.u32 $0x2, v5  }
0x160: {  	v2 =	vmul.f32 v3, v2;
	_ =	sdelay $0x1  }
0x161: {  	[tilespmem:v7+s22+$0x0] =	vst.idx.msk $0xffff, v2  }
0x162: {  	v2 =	vld.idx.msk [tilespmem:v4+s14+$0x0], $0xffff  }
0x163: {  	v3 =	vld.idx.msk [tilespmem:v8+s21+$0x0], $0xffff;
	_ =	sdelay $0x2  }
0x164: {  	v4 =	vor.u32 $0x3, v6  }
0x165: {  	v5 =	vor.u32 $0x3, v5  }
0x166: {  	v2 =	vmul.f32 v3, v2;
	_ =	sdelay $0x1  }
0x167: {  	[tilespmem:v8+s22+$0x0] =	vst.idx.msk $0xffff, v2  }
0x168: {  	v2 =	vld.idx.msk [tilespmem:v4+s14+$0x0], $0xffff  }
0x169: {  	v3 =	vld.idx.msk [tilespmem:v5+s21+$0x0], $0xffff;
	_ =	sdelay $0x4  }
0x16a: {  	v2 =	vmul.f32 v3, v2;
	_ =	sdelay $0x1  }
0x16b: {  	s11 =	simm.s32 $0x0;
	[tilespmem:v5+s22+$0x0] =	vst.idx.msk $0xffff, v2  }
0x16c: {  	s18 =	simm.s32 $0x65C0;
	v2 =	vld [tilespmem:s11+$0x1040]  }
0x16d: {  	v5 =	vld [tilespmem:s18+$0xFFFFFFC0]  }
0x16e: {  	v6 =	vld [tilespmem:s18+$0xFFFFFF80];
	_ =	sdelay $0x1  }
0x16f: {  	v7 =	vld [tilespmem:s18+$0x0]  }
0x170: {  	v8 =	vbroadcast v2, $0x0;
	v4 =	vbroadcast v2, $0x1  }
0x171: {  	v9 =	vld [tilespmem:s18+$0x40];
	v3 =	vbroadcast v2, $0x2  }
0x172: {  	v6 =	vmul.f32 v6, v8;
	v5 =	vmul.f32 v5, v4;
	_ =	sdelay $0x1  }
0x173: {  	v2 =	vbroadcast v2, $0x3;
	v5 =	vadd.f32 v5, v6;
	v6 =	vmul.f32 v7, v3;
	_ =	sdelay $0x1  }
0x174: {  	v5 =	vadd.f32 v6, v5;
	v6 =	vmul.f32 v9, v2;
	_ =	sdelay $0x1  }
0x175: {  	v5 =	vadd.f32 v6, v5  }
0x176: {  	s24 =	simm.s32 $0xB560  }
0x177: {  	[tilespmem:s24+$0xFFFFFFE0] =	vst v5  }
0x178: {  	v5 =	vld [tilespmem:s18+$0xFFFFFF90]  }
0x179: {  	v6 =	vld [tilespmem:s18+$0xFFFFFFD0];
	_ =	sdelay $0x1  }
0x17a: {  	v7 =	vld [tilespmem:s18+$0x10];
	_ =	sdelay $0x1  }
0x17b: {  	v9 =	vld [tilespmem:s18+$0x50]  }
0x17c: {  	v5 =	vmul.f32 v5, v8;
	v6 =	vmul.f32 v6, v4;
	_ =	sdelay $0x1  }
0x17d: {  	v5 =	vadd.f32 v6, v5;
	v6 =	vmul.f32 v7, v3;
	_ =	sdelay $0x1  }
0x17e: {  	v5 =	vadd.f32 v6, v5;
	v6 =	vmul.f32 v9, v2;
	_ =	sdelay $0x1  }
0x17f: {  	v5 =	vadd.f32 v6, v5;
	_ =	sdelay $0x1  }
0x180: {  	[tilespmem:s24+$0xFFFFFFF0] =	vst v5  }
0x181: {  	v5 =	vld [tilespmem:s18+$0xFFFFFFA0]  }
0x182: {  	v6 =	vld [tilespmem:s18+$0xFFFFFFE0];
	_ =	sdelay $0x1  }
0x183: {  	v7 =	vld [tilespmem:s18+$0x20];
	_ =	sdelay $0x1  }
0x184: {  	v9 =	vld [tilespmem:s18+$0x60]  }
0x185: {  	v5 =	vmul.f32 v5, v8;
	v6 =	vmul.f32 v6, v4;
	_ =	sdelay $0x1  }
0x186: {  	v5 =	vadd.f32 v6, v5;
	v6 =	vmul.f32 v7, v3;
	_ =	sdelay $0x1  }
0x187: {  	v5 =	vadd.f32 v6, v5;
	v6 =	vmul.f32 v9, v2;
	_ =	sdelay $0x1  }
0x188: {  	v5 =	vadd.f32 v6, v5;
	_ =	sdelay $0x1  }
0x189: {  	[tilespmem:s24+$0x0] =	vst v5  }
0x18a: {  	v9 =	vld [tilespmem:s18+$0xFFFFFFB0]  }
0x18b: {  	v7 =	vld [tilespmem:s18+$0xFFFFFFF0]  }
0x18c: {  	v6 =	vld [tilespmem:s18+$0x30]  }
0x18d: {  	v5 =	vld [tilespmem:s18+$0x70];
	_ =	sdelay $0x1  }
0x18e: {  	s20 =	simm.s32 $0xB560;
	s11 =	simm.s32 $0x40;
	v8 =	vmul.f32 v9, v8  }
.LBB2_11:
0x18f: {  	p0 =	sne.s32 s11, $0x13C0;
	v4 =	vmul.f32 v7, v4;
	s18 =	sadd.s32 $0x100, s18;
	s24 =	sadd.s32 $0x40, s24  }
0x190: {  	s16 =	smov.u32 s11;
	s11 =	sadd.s32 $0x40, s11;
	v3 =	vmul.f32 v6, v3  }
0x191: {  	v4 =	vadd.f32 v4, v8;
	v2 =	vmul.f32 v5, v2  }
0x192: {  	s16 =	sshra.s32 s16, $0x2  }
0x193: {  	v3 =	vadd.f32 v3, v4;
	_ =	sdelay $0x1  }
0x194: {  	v2 =	vadd.f32 v2, v3;
	_ =	sdelay $0x1  }
0x195: {  	[tilespmem:s20+$0x10] =	vst v2;
	s20 =	smov.u32 s24  }
0x196: {  	v2 =	vld [tilespmem:s16+$0x1040]  }
0x197: {  	v5 =	vld [tilespmem:s18+$0xFFFFFFC0]  }
0x198: {  	v6 =	vld [tilespmem:s18+$0xFFFFFF80];
	_ =	sdelay $0x1  }
0x199: {  	v7 =	vld [tilespmem:s18+$0x0]  }
0x19a: {  	v8 =	vbroadcast v2, $0x0;
	v4 =	vbroadcast v2, $0x1  }
0x19b: {  	v3 =	vbroadcast v2, $0x2;
	v2 =	vbroadcast v2, $0x3;
	v9 =	vld [tilespmem:s18+$0x40]  }
0x19c: {  	v6 =	vmul.f32 v6, v8;
	v5 =	vmul.f32 v5, v4;
	_ =	sdelay $0x1  }
0x19d: {  	v5 =	vadd.f32 v5, v6;
	v6 =	vmul.f32 v7, v3;
	_ =	sdelay $0x1  }
0x19e: {  	v5 =	vadd.f32 v6, v5;
	v6 =	vmul.f32 v9, v2;
	_ =	sdelay $0x1  }
0x19f: {  	v5 =	vadd.f32 v6, v5;
	_ =	sdelay $0x1  }
0x1a0: {  	[tilespmem:s24+$0xFFFFFFE0] =	vst v5  }
0x1a1: {  	v5 =	vld [tilespmem:s18+$0xFFFFFF90]  }
0x1a2: {  	v6 =	vld [tilespmem:s18+$0xFFFFFFD0];
	_ =	sdelay $0x1  }
0x1a3: {  	v7 =	vld [tilespmem:s18+$0x10];
	_ =	sdelay $0x1  }
0x1a4: {  	v5 =	vmul.f32 v5, v8;
	v9 =	vld [tilespmem:s18+$0x50]  }
0x1a5: {  	v6 =	vmul.f32 v6, v4;
	_ =	sdelay $0x1  }
0x1a6: {  	v5 =	vadd.f32 v6, v5;
	v6 =	vmul.f32 v7, v3;
	_ =	sdelay $0x1  }
0x1a7: {  	v5 =	vadd.f32 v6, v5;
	v6 =	vmul.f32 v9, v2;
	_ =	sdelay $0x1  }
0x1a8: {  	v5 =	vadd.f32 v6, v5;
	_ =	sdelay $0x1  }
0x1a9: {  	[tilespmem:s24+$0xFFFFFFF0] =	vst v5  }
0x1aa: {  	v5 =	vld [tilespmem:s18+$0xFFFFFFA0]  }
0x1ab: {  	v6 =	vld [tilespmem:s18+$0xFFFFFFE0];
	_ =	sdelay $0x1  }
0x1ac: {  	v7 =	vld [tilespmem:s18+$0x20];
	_ =	sdelay $0x1  }
0x1ad: {  	v5 =	vmul.f32 v5, v8;
	v9 =	vld [tilespmem:s18+$0x60]  }
0x1ae: {  	v6 =	vmul.f32 v6, v4;
	_ =	sdelay $0x1  }
0x1af: {  	v5 =	vadd.f32 v6, v5;
	v6 =	vmul.f32 v7, v3;
	_ =	sdelay $0x1  }
0x1b0: {  	v5 =	vadd.f32 v6, v5;
	v6 =	vmul.f32 v9, v2;
	_ =	sdelay $0x1  }
0x1b1: {  	v5 =	vadd.f32 v6, v5;
	_ =	sdelay $0x1  }
0x1b2: {  	[tilespmem:s24+$0x0] =	vst v5  }
0x1b3: {  	v9 =	vld [tilespmem:s18+$0xFFFFFFB0]  }
.Ltmp5:
0x1b4: {  	v7 =	vld [tilespmem:s18+$0xFFFFFFF0];
	(pc) =	sbr.rel @p0 .LBB2_11-.Ltmp5, $3  }
0x1b5: {  	v6 =	vld [tilespmem:s18+$0x30]  }
0x1b6: {  	v5 =	vld [tilespmem:s18+$0x70];
	_ =	sdelay $0x1  }
0x1b7: {  	v8 =	vmul.f32 v9, v8  }
0x1b8: {  	v4 =	vmul.f32 v7, v4;
	_ =	sdelay $0x1  }
0x1b9: {  	v3 =	vmul.f32 v6, v3;
	v4 =	vadd.f32 v4, v8;
	_ =	sdelay $0x1  }
0x1ba: {  	v2 =	vmul.f32 v5, v2;
	v3 =	vadd.f32 v3, v4;
	_ =	sdelay $0x1  }
0x1bb: {  	v2 =	vadd.f32 v2, v3  }
0x1bc: {  	p0 =	seq.s32 s26, $0x3D  }
.Ltmp6:
0x1bd: {  	[tilespmem:s20+$0x10] =	vst v2;
	(pc) =	sbr.rel @p0 .LBB2_14-.Ltmp6, $4  }
0x1be: {  	[spmem:s2] =	stream.indirect.scatter.add.f32 [tilespmem:s29], [sflag:$0x5], $0x40, s13, s10, $0xb8;
	[tilespmem:$0x16940] =	vst v63  }
0x1bf: {  	_ =	swait.ge [sflag:s30], $0x1400  }
0x1c0: {  	[sflag:s30] =	ssyncset.done $0x0  }
0x1c1: {  	[sflag:s30] =	ssyncadd.s32 $0xFFFFEC00  }
0x1c2: {  	s11 =	rddreg [dreg:$0xa]  }
0x1c3: {  	s11 =	sadd.s32 s28, s11  }
0x1c4: {  	s16 =	sshrl.u32 s11, $0x3  }
0x1c5: {  	s18 =	sadd.s32 s6, s16  }
0x1c6: {  	[tilespmem:s12], [sflag:$0x2] =	stream.linear.gather [hbm4b:s18+s3], $0x50, $0x38;
	[tilespmem:$0x16940] =	vst v63  }
.Ltmp7:
0x1c7: {  	_ = 	snop;
	(pc) =	sbr.rel .LBB2_4-.Ltmp7, $4  }
0x1c8: {  	s16 =	sadd.s32 s7, s16  }
0x1c9: {  	[tilespmem:s13], [sflag:$0x2] =	stream.linear.gather [hbm4b:s16+s3], $0x50, $0x38;
	[tilespmem:$0x16940] =	vst v63  }
0x1ca: {  	s26 =	sadd.s32 $0x1, s26;
	s11 =	sadd.s32 s8, s11  }
0x1cb: {  	[tilespmem:s14], [sflag:$0x2] =	stream.linear.gather [hbm4b:s11+s3], $0x280, $0x38;
	[tilespmem:$0x16940] =	vst v63  }
.LBB2_14:
0x1cc: {  	s11 =	simm.s32 $0x0  }
0x1cd: {  	_ =	swait.ge [sflag:s17], $0x5000;
	v2 =	vor.u32 s11, v1  }
0x1ce: {  	[sflag:s17] =	ssyncset.done $0x0;
	v3 =	vshll.u32 v2, $0x3  }
0x1cf: {  	[sflag:s17] =	ssyncadd.s32 $0xFFFFB000;
	v2 =	vshll.u32 v2, $0x4  }
0x1d0: {  	_ =	swait.ge [sflag:s17], $0x500  }
0x1d1: {  	[sflag:s17] =	ssyncset.done $0x0  }
0x1d2: {  	[sflag:s17] =	ssyncadd.s32 $0xFFFFFB00  }
0x1d3: {  	v4 =	vld.idx.msk [tilespmem:v3+s4+$0x0], $0xffff  }
0x1d4: {  	v5 =	vld.idx.msk [tilespmem:v2+s11+$0x0], $0xffff;
	_ =	sdelay $0x2  }
0x1d5: {  	v6 =	vor.u32 $0x1, v3  }
0x1d6: {  	v7 =	vor.u32 $0x1, v2  }
0x1d7: {  	v4 =	vmul.f32 v5, v4;
	_ =	sdelay $0x1  }
0x1d8: {  	[tilespmem:v2+s22+$0x0] =	vst.idx.msk $0xffff, v4  }
0x1d9: {  	v4 =	vld.idx.msk [tilespmem:v6+s4+$0x0], $0xffff  }
0x1da: {  	v5 =	vld.idx.msk [tilespmem:v7+s11+$0x0], $0xffff;
	_ =	sdelay $0x2  }
0x1db: {  	v6 =	vor.u32 $0x2, v3  }
0x1dc: {  	v8 =	vor.u32 $0x2, v2  }
0x1dd: {  	v4 =	vmul.f32 v5, v4;
	_ =	sdelay $0x1  }
0x1de: {  	[tilespmem:v7+s22+$0x0] =	vst.idx.msk $0xffff, v4  }
0x1df: {  	v4 =	vld.idx.msk [tilespmem:v6+s4+$0x0], $0xffff  }
0x1e0: {  	v5 =	vld.idx.msk [tilespmem:v8+s11+$0x0], $0xffff;
	_ =	sdelay $0x2  }
0x1e1: {  	v3 =	vor.u32 $0x3, v3  }
0x1e2: {  	v2 =	vor.u32 $0x3, v2  }
0x1e3: {  	v4 =	vmul.f32 v5, v4;
	_ =	sdelay $0x1  }
0x1e4: {  	[tilespmem:v8+s22+$0x0] =	vst.idx.msk $0xffff, v4  }
0x1e5: {  	v3 =	vld.idx.msk [tilespmem:v3+s4+$0x0], $0xffff  }
0x1e6: {  	v4 =	vld.idx.msk [tilespmem:v2+s11+$0x0], $0xffff  }
0x1e7: {  	s16 =	simm.s32 $0x10  }
0x1e8: {  	s18 =	simm.s32 $0x20;
	v5 =	vor.u32 s16, v1  }
.LBB2_15:
0x1e9: {  	p0 =	sne.s32 s18, $0x40;
	v6 =	vshll.u32 v5, $0x3;
	v5 =	vshll.u32 v5, $0x4;
	s20 =	smov.u32 s18;
	s18 =	sadd.s32 $0x10, s18  }
0x1ea: {  	_ = 	snop  }
0x1eb: {  	v3 =	vmul.f32 v4, v3;
	_ =	sdelay $0x1  }
0x1ec: {  	[tilespmem:v2+s22+$0x0] =	vst.idx.msk $0xffff, v3  }
0x1ed: {  	v2 =	vld.idx.msk [tilespmem:v6+s4+$0x0], $0xffff  }
0x1ee: {  	v3 =	vld.idx.msk [tilespmem:v5+s11+$0x0], $0xffff;
	_ =	sdelay $0x3  }
0x1ef: {  	v4 =	vor.u32 $0x1, v6;
	v7 =	vor.u32 $0x1, v5;
	_ =	sdelay $0x1  }
0x1f0: {  	v2 =	vmul.f32 v3, v2;
	_ =	sdelay $0x1  }
0x1f1: {  	[tilespmem:v5+s22+$0x0] =	vst.idx.msk $0xffff, v2  }
0x1f2: {  	v2 =	vld.idx.msk [tilespmem:v4+s4+$0x0], $0xffff  }
0x1f3: {  	v3 =	vld.idx.msk [tilespmem:v7+s11+$0x0], $0xffff;
	_ =	sdelay $0x3  }
0x1f4: {  	v8 =	vor.u32 $0x2, v5;
	v4 =	vor.u32 $0x2, v6;
	_ =	sdelay $0x1  }
0x1f5: {  	v2 =	vmul.f32 v3, v2;
	_ =	sdelay $0x1  }
0x1f6: {  	[tilespmem:v7+s22+$0x0] =	vst.idx.msk $0xffff, v2  }
0x1f7: {  	v3 =	vld.idx.msk [tilespmem:v4+s4+$0x0], $0xffff  }
0x1f8: {  	v4 =	vld.idx.msk [tilespmem:v8+s11+$0x0], $0xffff;
	_ =	sdelay $0x3  }
0x1f9: {  	v6 =	vor.u32 $0x3, v6;
	v2 =	vor.u32 $0x3, v5;
	_ =	sdelay $0x1  }
0x1fa: {  	v3 =	vmul.f32 v4, v3;
	_ =	sdelay $0x1  }
0x1fb: {  	[tilespmem:v8+s22+$0x0] =	vst.idx.msk $0xffff, v3  }
.Ltmp8:
0x1fc: {  	v3 =	vld.idx.msk [tilespmem:v6+s4+$0x0], $0xffff;
	(pc) =	sbr.rel @p0 .LBB2_15-.Ltmp8, $2  }
0x1fd: {  	v4 =	vld.idx.msk [tilespmem:v2+s11+$0x0], $0xffff;
	_ =	sdelay $0x2  }
0x1fe: {  	v5 =	vor.u32 s20, v1  }
0x1ff: {  	v6 =	vshll.u32 v5, $0x3  }
0x200: {  	v5 =	vshll.u32 v5, $0x4  }
0x201: {  	v3 =	vmul.f32 v4, v3;
	_ =	sdelay $0x1  }
0x202: {  	[tilespmem:v2+s22+$0x0] =	vst.idx.msk $0xffff, v3  }
0x203: {  	v2 =	vld.idx.msk [tilespmem:v6+s4+$0x0], $0xffff  }
0x204: {  	v3 =	vld.idx.msk [tilespmem:v5+s11+$0x0], $0xffff;
	_ =	sdelay $0x2  }
0x205: {  	v4 =	vor.u32 $0x1, v6  }
0x206: {  	v7 =	vor.u32 $0x1, v5  }
0x207: {  	v2 =	vmul.f32 v3, v2;
	_ =	sdelay $0x1  }
0x208: {  	[tilespmem:v5+s22+$0x0] =	vst.idx.msk $0xffff, v2  }
0x209: {  	v2 =	vld.idx.msk [tilespmem:v4+s4+$0x0], $0xffff  }
0x20a: {  	v3 =	vld.idx.msk [tilespmem:v7+s11+$0x0], $0xffff;
	_ =	sdelay $0x2  }
0x20b: {  	v4 =	vor.u32 $0x2, v6  }
0x20c: {  	v8 =	vor.u32 $0x2, v5  }
0x20d: {  	v2 =	vmul.f32 v3, v2;
	_ =	sdelay $0x1  }
0x20e: {  	[tilespmem:v7+s22+$0x0] =	vst.idx.msk $0xffff, v2  }
0x20f: {  	v2 =	vld.idx.msk [tilespmem:v4+s4+$0x0], $0xffff  }
0x210: {  	v3 =	vld.idx.msk [tilespmem:v8+s11+$0x0], $0xffff;
	_ =	sdelay $0x2  }
0x211: {  	v4 =	vor.u32 $0x3, v6  }
0x212: {  	v5 =	vor.u32 $0x3, v5  }
0x213: {  	v2 =	vmul.f32 v3, v2;
	_ =	sdelay $0x1  }
0x214: {  	[tilespmem:v8+s22+$0x0] =	vst.idx.msk $0xffff, v2  }
0x215: {  	v2 =	vld.idx.msk [tilespmem:v4+s4+$0x0], $0xffff  }
0x216: {  	v3 =	vld.idx.msk [tilespmem:v5+s11+$0x0], $0xffff;
	_ =	sdelay $0x4  }
0x217: {  	v2 =	vmul.f32 v3, v2;
	_ =	sdelay $0x1  }
0x218: {  	s28 =	simm.s32 $0x0;
	[tilespmem:v5+s22+$0x0] =	vst.idx.msk $0xffff, v2  }
0x219: {  	s18 =	simm.s32 $0x15C0;
	v2 =	vld [tilespmem:s28+$0x1040]  }
0x21a: {  	v5 =	vld [tilespmem:s18+$0xFFFFFFC0]  }
0x21b: {  	v6 =	vld [tilespmem:s18+$0xFFFFFF80];
	_ =	sdelay $0x1  }
0x21c: {  	v7 =	vld [tilespmem:s18+$0x0]  }
0x21d: {  	v8 =	vbroadcast v2, $0x0;
	v4 =	vbroadcast v2, $0x1  }
0x21e: {  	v9 =	vld [tilespmem:s18+$0x40];
	v3 =	vbroadcast v2, $0x2  }
0x21f: {  	v6 =	vmul.f32 v6, v8;
	v5 =	vmul.f32 v5, v4;
	_ =	sdelay $0x1  }
0x220: {  	v2 =	vbroadcast v2, $0x3;
	v5 =	vadd.f32 v5, v6;
	v6 =	vmul.f32 v7, v3;
	_ =	sdelay $0x1  }
0x221: {  	v5 =	vadd.f32 v6, v5;
	v6 =	vmul.f32 v9, v2;
	_ =	sdelay $0x1  }
0x222: {  	v5 =	vadd.f32 v6, v5  }
0x223: {  	s24 =	simm.s32 $0xB560  }
0x224: {  	[tilespmem:s24+$0xFFFFFFE0] =	vst v5  }
0x225: {  	v5 =	vld [tilespmem:s18+$0xFFFFFF90]  }
0x226: {  	v6 =	vld [tilespmem:s18+$0xFFFFFFD0];
	_ =	sdelay $0x1  }
0x227: {  	v7 =	vld [tilespmem:s18+$0x10];
	_ =	sdelay $0x1  }
0x228: {  	v9 =	vld [tilespmem:s18+$0x50]  }
0x229: {  	v5 =	vmul.f32 v5, v8;
	v6 =	vmul.f32 v6, v4;
	_ =	sdelay $0x1  }
0x22a: {  	v5 =	vadd.f32 v6, v5;
	v6 =	vmul.f32 v7, v3;
	_ =	sdelay $0x1  }
0x22b: {  	v5 =	vadd.f32 v6, v5;
	v6 =	vmul.f32 v9, v2;
	_ =	sdelay $0x1  }
0x22c: {  	v5 =	vadd.f32 v6, v5;
	_ =	sdelay $0x1  }
0x22d: {  	[tilespmem:s24+$0xFFFFFFF0] =	vst v5  }
0x22e: {  	v5 =	vld [tilespmem:s18+$0xFFFFFFA0]  }
0x22f: {  	v6 =	vld [tilespmem:s18+$0xFFFFFFE0];
	_ =	sdelay $0x1  }
0x230: {  	v7 =	vld [tilespmem:s18+$0x20];
	_ =	sdelay $0x1  }
0x231: {  	v9 =	vld [tilespmem:s18+$0x60]  }
0x232: {  	v5 =	vmul.f32 v5, v8;
	v6 =	vmul.f32 v6, v4;
	_ =	sdelay $0x1  }
0x233: {  	v5 =	vadd.f32 v6, v5;
	v6 =	vmul.f32 v7, v3;
	_ =	sdelay $0x1  }
0x234: {  	v5 =	vadd.f32 v6, v5;
	v6 =	vmul.f32 v9, v2;
	_ =	sdelay $0x1  }
0x235: {  	v5 =	vadd.f32 v6, v5;
	_ =	sdelay $0x1  }
0x236: {  	[tilespmem:s24+$0x0] =	vst v5  }
0x237: {  	v9 =	vld [tilespmem:s18+$0xFFFFFFB0]  }
0x238: {  	v7 =	vld [tilespmem:s18+$0xFFFFFFF0]  }
0x239: {  	v6 =	vld [tilespmem:s18+$0x30]  }
0x23a: {  	v5 =	vld [tilespmem:s18+$0x70];
	_ =	sdelay $0x1  }
0x23b: {  	s20 =	simm.s32 $0xB560;
	s11 =	simm.s32 $0x40;
	v8 =	vmul.f32 v9, v8  }
.LBB2_17:
0x23c: {  	p0 =	sne.s32 s11, $0x13C0;
	v4 =	vmul.f32 v7, v4;
	s18 =	sadd.s32 $0x100, s18;
	s24 =	sadd.s32 $0x40, s24  }
0x23d: {  	s16 =	smov.u32 s11;
	s11 =	sadd.s32 $0x40, s11;
	v3 =	vmul.f32 v6, v3  }
0x23e: {  	v4 =	vadd.f32 v4, v8;
	v2 =	vmul.f32 v5, v2  }
0x23f: {  	s16 =	sshra.s32 s16, $0x2  }
0x240: {  	v3 =	vadd.f32 v3, v4;
	_ =	sdelay $0x1  }
0x241: {  	v2 =	vadd.f32 v2, v3;
	_ =	sdelay $0x1  }
0x242: {  	[tilespmem:s20+$0x10] =	vst v2;
	s20 =	smov.u32 s24  }
0x243: {  	v2 =	vld [tilespmem:s16+$0x1040]  }
0x244: {  	v5 =	vld [tilespmem:s18+$0xFFFFFFC0]  }
0x245: {  	v6 =	vld [tilespmem:s18+$0xFFFFFF80];
	_ =	sdelay $0x1  }
0x246: {  	v7 =	vld [tilespmem:s18+$0x0]  }
0x247: {  	v8 =	vbroadcast v2, $0x0;
	v4 =	vbroadcast v2, $0x1  }
0x248: {  	v3 =	vbroadcast v2, $0x2;
	v2 =	vbroadcast v2, $0x3;
	v9 =	vld [tilespmem:s18+$0x40]  }
0x249: {  	v6 =	vmul.f32 v6, v8;
	v5 =	vmul.f32 v5, v4;
	_ =	sdelay $0x1  }
0x24a: {  	v5 =	vadd.f32 v5, v6;
	v6 =	vmul.f32 v7, v3;
	_ =	sdelay $0x1  }
0x24b: {  	v5 =	vadd.f32 v6, v5;
	v6 =	vmul.f32 v9, v2;
	_ =	sdelay $0x1  }
0x24c: {  	v5 =	vadd.f32 v6, v5;
	_ =	sdelay $0x1  }
0x24d: {  	[tilespmem:s24+$0xFFFFFFE0] =	vst v5  }
0x24e: {  	v5 =	vld [tilespmem:s18+$0xFFFFFF90]  }
0x24f: {  	v6 =	vld [tilespmem:s18+$0xFFFFFFD0];
	_ =	sdelay $0x1  }
0x250: {  	v7 =	vld [tilespmem:s18+$0x10];
	_ =	sdelay $0x1  }
0x251: {  	v5 =	vmul.f32 v5, v8;
	v9 =	vld [tilespmem:s18+$0x50]  }
0x252: {  	v6 =	vmul.f32 v6, v4;
	_ =	sdelay $0x1  }
0x253: {  	v5 =	vadd.f32 v6, v5;
	v6 =	vmul.f32 v7, v3;
	_ =	sdelay $0x1  }
0x254: {  	v5 =	vadd.f32 v6, v5;
	v6 =	vmul.f32 v9, v2;
	_ =	sdelay $0x1  }
0x255: {  	v5 =	vadd.f32 v6, v5;
	_ =	sdelay $0x1  }
0x256: {  	[tilespmem:s24+$0xFFFFFFF0] =	vst v5  }
0x257: {  	v5 =	vld [tilespmem:s18+$0xFFFFFFA0]  }
0x258: {  	v6 =	vld [tilespmem:s18+$0xFFFFFFE0];
	_ =	sdelay $0x1  }
0x259: {  	v7 =	vld [tilespmem:s18+$0x20];
	_ =	sdelay $0x1  }
0x25a: {  	v5 =	vmul.f32 v5, v8;
	v9 =	vld [tilespmem:s18+$0x60]  }
0x25b: {  	v6 =	vmul.f32 v6, v4;
	_ =	sdelay $0x1  }
0x25c: {  	v5 =	vadd.f32 v6, v5;
	v6 =	vmul.f32 v7, v3;
	_ =	sdelay $0x1  }
0x25d: {  	v5 =	vadd.f32 v6, v5;
	v6 =	vmul.f32 v9, v2;
	_ =	sdelay $0x1  }
0x25e: {  	v5 =	vadd.f32 v6, v5;
	_ =	sdelay $0x1  }
0x25f: {  	[tilespmem:s24+$0x0] =	vst v5  }
0x260: {  	v9 =	vld [tilespmem:s18+$0xFFFFFFB0]  }
.Ltmp9:
0x261: {  	v7 =	vld [tilespmem:s18+$0xFFFFFFF0];
	(pc) =	sbr.rel @p0 .LBB2_17-.Ltmp9, $3  }
0x262: {  	v6 =	vld [tilespmem:s18+$0x30]  }
0x263: {  	v5 =	vld [tilespmem:s18+$0x70];
	_ =	sdelay $0x1  }
0x264: {  	v8 =	vmul.f32 v9, v8  }
0x265: {  	v4 =	vmul.f32 v7, v4;
	_ =	sdelay $0x1  }
0x266: {  	v3 =	vmul.f32 v6, v3;
	v4 =	vadd.f32 v4, v8;
	_ =	sdelay $0x1  }
0x267: {  	v2 =	vmul.f32 v5, v2;
	v3 =	vadd.f32 v3, v4;
	_ =	sdelay $0x1  }
0x268: {  	v2 =	vadd.f32 v2, v3;
	_ =	sdelay $0x1  }
0x269: {  	[tilespmem:s20+$0x10] =	vst v2  }
0x26a: {  	[spmem:s2] =	stream.indirect.scatter.add.f32 [tilespmem:s29], [sflag:$0x5], $0x40, s0, s10, $0xb8;
	[tilespmem:$0x16940] =	vst v63  }
0x26b: {  	_ =	swait.ge [sflag:s30], $0x1400  }
0x26c: {  	[sflag:s30] =	ssyncset.done $0x0  }
0x26d: {  	[sflag:s30] =	ssyncadd.s32 $0xFFFFEC00  }
0x26e: {  	s11 =	stileid.u32;
	[bflag:$0x0] =	sbarrier.arrive $0xFFFF  }
0x26f: {  	s11 =	sshll.u32 s11, $0x6;
	s16 =	rddreg [dreg:$0xb]  }
0x270: {  	s11 =	sor.u32 $0x1C05, s11;
	s18 =	rddreg [dreg:$0x13]  }
0x271: {  	[hbm:s16], [sflag:s11] =	dma.local [spmem:s18], $0x1400  }
0x272: {  	_ =	swait.ge [sflag:s30], $0x1400  }
0x273: {  	s26 =	rddreg [dreg:$0x16]  }
0x274: {  	s28 =	rddreg [dreg:$0xd];
	s16 =	sadd.s32 $0x1, s26  }
0x275: {  	p0 =	sne.s32 s16, s28  }
.Ltmp10:
0x276: {  	_ = 	snop;
	(pc) =	sbr.rel @p0 .LBB2_1-.Ltmp10, $3  }
0x277: {  	_ =	sdelay $0x1  }
0x278: {  	[sflag:s30] =	ssyncset.done $0x0  }
0x279: {  	[sflag:s30] =	ssyncadd.s32 $0xFFFFEC00  }
0x27a: {  	_ =	sfence.sel $0x180000  }
0x27b: {  	[bflag:$0x0] =	sbarrier.arrive $0xFFFF  }
0x27c: {  	_ =	strace $0x9000004A  }
0x27d: {  	s0 =	stileid.u32;
	[bflag:$0x2] =	sbarrier.arrive $0xFFFF  }
0x27e: {  	p0 =	sne.s32 s0, $0x0;
	s0 =	rddreg [dreg:$0x3]  }
0x27f: {  	s0 =	sadd.s32 @!p0 $0x100000, s0  }
0x280: {  	[sflag:s0] =	ssyncadd.tile.s32 @!p0 $0x1;
	_ =	shalt  }
.Lfunc_end2:
_tile_overlayer_lowered:
.L_overlay_start_2:
0x281: {  	(tag) =	ssettag $0x2  }
0x282: {  	s0 =	rddreg [dreg:$0x0];
	s2 =	stileid.u32  }
0x283: {  	s1 =	rddreg [dreg:$0x1];
	p0 =	sne.s32 s2, $0x0  }
0x284: {  	s3 =	rddreg [dreg:$0x2];
	[bflag:$0x3] =	sbarrier.arrive $0xFFFF;
	s2 =	simm.s32 @!p0 $0x1C05  }
0x285: {  	[timem:s3], [sflag:s2] =	dma.local @!p0 [hbm:s0], s1  }
0x286: {  	s0 =	simm.s32 @!p0 $0x5  }
0x287: {  	_ =	swait.ge @!p0 [sflag:s0], s1  }
0x288: {  	s1 =	ssub.s32 @!p0 $0x0, s1;
	[sflag:s0] =	ssyncset.done @!p0 $0x0  }
0x289: {  	[sflag:s0] =	ssyncadd.s32 @!p0 s1  }
0x28a: {  	[bflag:$0x3] =	sbarrier.arrive $0xFFFF  }
0x28b: {  	_ =	shalt  }

// kernel: kernel.7.cloned.1.call-start
scs
__scs_entry_jumppad:
0x0: {  	(pc) =	sbr.rel $0x88, $3  }
0x1: {  	(tag) =	ssettag $0x0;
	lr =	simm.s32 $0x1  }
0x2: {  	[smem:$0x3F9B] =	sst lr;
	_ =	strace $0xD0000000  }
0x3: {  	_ = 	snop  }
0x4: {  	_ = 	snop  }
0x5: {  	_ = 	snop  }
0x6: {  	_ = 	snop  }
0x7: {  	_ = 	snop  }
__scs_overlays_trampoline_lowered:
0x8: {  	[smem:$0x3FAA] =	sst s0  }
0x9: {  	[smem:$0x3FAB] =	sst s1  }
0xa: {  	[smem:$0x3FAC] =	sst s2  }
0xb: {  	[smem:$0x3FAD] =	sst s3  }
0xc: {  	[smem:$0x3FAE] =	sst s4  }
0xd: {  	[smem:$0x3FAF] =	sst s5  }
0xe: {  	[smem:$0x3FB0] =	sst s6  }
0xf: {  	[smem:$0x3FB1] =	sst s7  }
0x10: {  	[smem:$0x3FB2] =	sst s8  }
0x11: {  	[smem:$0x3FB3] =	sst s9;
	s0 =	simm.s32 @!p0 $0x0  }
0x12: {  	s1 =	sld [smem:$0x3F99];
	s0 =	simm.s32 @p0 $0x1  }
0x13: {  	[smem:$0x3FB4] =	sst s0;
	s0 =	simm.s32 @!p1 $0x0  }
0x14: {  	s2 =	sld [smem:$0x3F98];
	s0 =	simm.s32 @p1 $0x1  }
0x15: {  	[smem:$0x3FB5] =	sst s0;
	s0 =	simm.s32 @!p2 $0x0  }
0x16: {  	s3 =	sld [smem:$0x3FDB];
	s0 =	simm.s32 @p2 $0x1  }
0x17: {  	s4 =	simm.s32 $0x1BF5;
	[smem:$0x3FB7] =	sst s0  }
0x18: {  	s0 =	sld [smem:$0x3F9A];
	_ =	swait.ge [sflag:s4], $0x0  }
0x19: {  	s7 =	sld [smem:$0x3F9B]  }
0x1a: {  	s8 =	sadd.s32 $0xFFFFE003, lr  }
0x1b: {  	s9 =	sadd.s32 $0xFFFFFEF7, lr;
	s5 =	simm.s32 $0xFFFFFFFF;
	p2 =	slt.u32 s8, $0xFFFFF086  }
0x1c: {  	p1 =	slt.u32 s9, $0xF7A;
	s5 =	simm.s32 @!p2 $0x0  }
0x1d: {  	s5 =	simm.s32 @p1 $0x1;
	p0 =	seq.s32 s7, s2  }
0x1e: {  	s7 =	smul.u32 @!p0 $0xF7A, s2;
	p2 =	seq.s32 @!p0 s5, $0x0  }
0x1f: {  	s9 =	smul.u32 $0xF7A, s1;
	s8 =	simm.s32 @!p0 $0x1BF5;
	p2 =	por !p2, p0  }
0x20: {  	[sflag:s8] =	ssyncset.s32 @!p0 $0xFFFFF086;
	s6 =	sadd.s32 @!p0 s3, s7;
	s7 =	simm.s32 @!p0 $0x108  }
0x21: {  	s3 =	sadd.s32 s3, s9;
	s6 =	sadd.s32 @!p0 $0x88, s6;
	s7 =	simm.s32 @p2 $0x1082  }
0x22: {  	[simem:s7], [sflag:s8] =	dma.local @!p0 [hbm:s6], $0xF7A  }
0x23: {  	s9 =	sor.u32 $0xD0000000, s2;
	s6 =	simm.s32 $0x108;
	_ =	swait.ge @!p0 [sflag:s8], $0x0  }
0x24: {  	s3 =	sadd.s32 $0x88, s3;
	s6 =	simm.s32 @!p1 $0x1082;
	[sflag:s4] =	ssyncset.s32 $0xFFFFF086  }
0x25: {  	[simem:s6], [sflag:s4] =	dma.local [hbm:s3], $0xF7A  }
0x26: {  	[smem:$0x3F9B] =	sst s1;
	(tag) =	ssettag s2;
	_ =	strace s9  }
0x27: {  	s1 =	sld [smem:$0x3FAB]  }
0x28: {  	s2 =	sld [smem:$0x3FAC]  }
0x29: {  	s4 =	sld [smem:$0x3FAE]  }
0x2a: {  	p0 =	seq.s32 s5, $0x0;
	s5 =	sld [smem:$0x3FAF]  }
0x2b: {  	s6 =	sld [smem:$0x3FB0]  }
0x2c: {  	s7 =	sld [smem:$0x3FB1]  }
0x2d: {  	s3 =	simm.s32 $0x108;
	s8 =	sld [smem:$0x3FB2]  }
0x2e: {  	s3 =	simm.s32 @!p0 $0x1082;
	s9 =	sld [smem:$0x3FB3]  }
0x2f: {  	lr =	sadd.s32 s0, s3;
	s0 =	sld [smem:$0x3FAA]  }
0x30: {  	s3 =	sld [smem:$0x3FAD]  }
0x31: {  	[smem:$0x3FB6] =	sst s10  }
0x32: {  	s10 =	sld [smem:$0x3FB4];
	_ =	sdelay $0x3  }
0x33: {  	p0 =	seq.s32 s10, $0x1;
	s10 =	sld [smem:$0x3FB6];
	_ =	sdelay $0x3  }
0x34: {  	[smem:$0x3FB6] =	sst s10  }
0x35: {  	s10 =	sld [smem:$0x3FB5];
	_ =	sdelay $0x3  }
0x36: {  	p1 =	seq.s32 s10, $0x1;
	s10 =	sld [smem:$0x3FB6];
	_ =	sdelay $0x3  }
0x37: {  	[smem:$0x3FB6] =	sst s10  }
0x38: {  	s10 =	sld [smem:$0x3FB7]  }
0x39: {  	_ = 	snop;
	(pc) =	sbr.ind lr, $3  }
0x3a: {  	_ = 	snop  }
0x3b: {  	_ = 	snop  }
0x3c: {  	p2 =	seq.s32 s10, $0x1;
	s10 =	sld [smem:$0x3FB6]  }
0x3d: {  	_ =	shalt  }
0x3e: {  	_ =	shalt  }
0x3f: {  	_ =	shalt  }
0x40: {  	_ =	shalt  }
0x41: {  	_ =	shalt  }
0x42: {  	_ =	shalt  }
0x43: {  	_ =	shalt  }
0x44: {  	_ =	shalt  }
0x45: {  	_ =	shalt  }
0x46: {  	_ =	shalt  }
0x47: {  	_ =	shalt  }
0x48: {  	_ =	shalt  }
0x49: {  	_ =	shalt  }
0x4a: {  	_ =	shalt  }
0x4b: {  	_ =	shalt  }
0x4c: {  	_ =	shalt  }
0x4d: {  	_ =	shalt  }
0x4e: {  	_ =	shalt  }
0x4f: {  	_ =	shalt  }
0x50: {  	_ =	shalt  }
0x51: {  	_ =	shalt  }
0x52: {  	_ =	shalt  }
0x53: {  	_ =	shalt  }
0x54: {  	_ =	shalt  }
0x55: {  	_ =	shalt  }
0x56: {  	_ =	shalt  }
0x57: {  	_ =	shalt  }
0x58: {  	_ =	shalt  }
0x59: {  	_ =	shalt  }
0x5a: {  	_ =	shalt  }
0x5b: {  	_ =	shalt  }
0x5c: {  	_ =	shalt  }
0x5d: {  	_ =	shalt  }
0x5e: {  	_ =	shalt  }
0x5f: {  	_ =	shalt  }
0x60: {  	_ =	shalt  }
0x61: {  	_ =	shalt  }
0x62: {  	_ =	shalt  }
0x63: {  	_ =	shalt  }
0x64: {  	_ =	shalt  }
0x65: {  	_ =	shalt  }
0x66: {  	_ =	shalt  }
0x67: {  	_ =	shalt  }
0x68: {  	_ =	shalt  }
0x69: {  	_ =	shalt  }
0x6a: {  	_ =	shalt  }
0x6b: {  	_ =	shalt  }
0x6c: {  	_ =	shalt  }
0x6d: {  	_ =	shalt  }
0x6e: {  	_ =	shalt  }
0x6f: {  	_ =	shalt  }
0x70: {  	_ =	shalt  }
0x71: {  	_ =	shalt  }
0x72: {  	_ =	shalt  }
0x73: {  	_ =	shalt  }
0x74: {  	_ =	shalt  }
0x75: {  	_ =	shalt  }
0x76: {  	_ =	shalt  }
0x77: {  	_ =	shalt  }
0x78: {  	_ =	shalt  }
0x79: {  	_ =	shalt  }
0x7a: {  	_ =	shalt  }
0x7b: {  	_ =	shalt  }
0x7c: {  	_ =	shalt  }
0x7d: {  	_ =	shalt  }
0x7e: {  	_ =	shalt  }
0x7f: {  	_ =	shalt  }
0x80: {  	_ =	shalt  }
0x81: {  	_ =	shalt  }
0x82: {  	_ =	shalt  }
0x83: {  	_ =	shalt  }
0x84: {  	_ =	shalt  }
0x85: {  	_ =	shalt  }
0x86: {  	_ =	shalt  }
0x87: {  	_ =	shalt  }
.Lfunc_end0:
.L_simem_size_0:
called_computation_lowered:
.L_overlay_start_0:
0x88: {  	s2 =	sld [smem:$0x3FD9]  }
0x89: {  	s3 =	sld [smem:$0x3FFE];
	_ =	sdelay $0x1  }
0x8a: {  	s1 =	srdreg.scid  }
0x8b: {  	s0 =	sand.u32 $0x1, s1  }
0x8c: {  	s17 =	sshll.u32 s0, $0xA;
	s2 =	sadd.s32 s3, s2  }
0x8d: {  	s2 =	sadd.s32 s2, s17  }
0x8e: {  	[smem:$0x3FC2] =	sst s2  }
0x8f: {  	_ = 	snop  }
0x90: {  	s2 =	sld [smem:$0x3FD0];
	(tm) =	ssettm $0x1  }
0x91: {  	s18 =	sld [smem:$0x3FFB];
	_ =	sdelay $0x3  }
0x92: {  	_ =	strace s18  }
0x93: {  	s3 =	sld [smem:$0x3FFC];
	_ =	sdelay $0x3  }
0x94: {  	_ =	strace s3  }
0x95: {  	s3 =	sld [smem:$0x3FFD];
	_ =	sdelay $0x3  }
0x96: {  	_ =	strace s3  }
0x97: {  	_ =	strace $0x8FFFFFFF  }
0x98: {  	s19 =	sld [smem:$0x3FDB];
	_ =	sdelay $0x1  }
0x99: {  	s4 =	simm.s32 $_scs_section_size  }
0x9a: {  	s5 =	simm.s32 $_size__tile_overlayer_lowered;
	s6 =	simm.s32 $_tile_overlayer_lowered  }
0x9b: {  	s22 =	simm.s32 $0x1BFF;
	s21 =	sshll.u32 s6, $0x1;
	s3 =	sadd.s32 s4, s19  }
0x9c: {  	s7 =	simm.s32 $0x0;
	s20 =	sshll.u32 s5, $0x1;
	s5 =	sadd.s32 s21, s3  }
0x9d: {  	[timem:s7], [sflag:s22] =	dma.local [hbm:s5], s20  }
0x9e: {  	_ =	swait.ge [sflag:s22], s20  }
0x9f: {  	s4 =	ssub.s32 $0x0, s20;
	[sflag:s22] =	ssyncset.done $0x0  }
0xa0: {  	[sflag:s22] =	ssyncadd.s32 s4;
	_ =	sdelay $0x1  }
0xa1: {  	s23 =	simm.s32 $0x1B8B  }
0xa2: {  	_ =	swait.ge [sflag:s23], $0x1  }
0xa3: {  	[sflag:s23] =	ssyncset.done $0x0  }
0xa4: {  	s25 =	simm.s32 $0x1B8E;
	s24 =	sld [smem:$0x3FFE];
	[sflag:s23] =	ssyncadd.s32 $0xFFFFFFFF  }
0xa5: {  	s26 =	simm.s32 $execute0_lowered;
	[smem:$0x3FD2] =	sst s25  }
0xa6: {  	s5 =	sshll.u32 s26, $0x1;
	_ =	strace $0x80000046;
	[dreg:$0x1] =	wrdreg $0xFFFFFFFF  }
0xa7: {  	s28 =	simm.s32 $_size_execute0_lowered;
	s3 =	sadd.s32 s3, s5;
	[dreg:$0x0] =	wrdreg $0x0  }
0xa8: {  	s5 =	sshll.u32 s28, $0x1;
	[dreg:$0x2] =	wrdreg s3  }
0xa9: {  	[dreg:$0x3] =	wrdreg s5  }
0xaa: {  	[dreg:$0x4] =	wrdreg $0xC0  }
0xab: {  	_ =	task [dreg:s7], $0x5FFFF  }
0xac: {  	[dreg:$0x1] =	wrdreg $0xFFFFFFFF  }
0xad: {  	[dreg:$0x0] =	wrdreg $0x60  }
0xae: {  	[dreg:$0x2] =	wrdreg s24  }
0xaf: {  	[dreg:$0x3] =	wrdreg s2  }
0xb0: {  	[dreg:$0x4] =	wrdreg $0x1CC00  }
0xb1: {  	[dreg:$0x5] =	wrdreg $0x9  }
0xb2: {  	_ =	task.clear_ibuf [dreg:s7], $0x6FFFF;
	_ =	strace $0x90000046  }
0xb3: {  	s29 =	simm.s32 $0x9;
	_ =	strace $0x80000048  }
0xb4: {  	_ =	swait.ge [sflag:s29], $0x1  }
0xb5: {  	[sflag:s29] =	ssyncadd.s32 $0xFFFFFFFF  }
0xb6: {  	_ =	strace $0x90000048  }
0xb7: {  	_ =	sfence  }
0xb8: {  	s30 =	sld [smem:$0x0];
	_ =	sdelay $0x2  }
0xb9: {  	s31 =	sshll.u32 s1, $0xD;
	s1 =	sshrl.u32 s1, $0x2  }
0xba: {  	s3 =	sand.u32 $0x4000, s31;
	s1 =	sadd.s32 s1, s30  }
0xbb: {  	s0 =	sor.u32 s3, s0;
	s1 =	sshll.u32 s1, $0x11  }
0xbc: {  	s0 =	sor.u32 s1, s0  }
0xbd: {  	s0 =	sadd.s32 $0x8F2B, s0  }
0xbe: {  	[sflag:s0] =	ssyncadd.remote.s32 $0x1  }
0xbf: {  	_ =	sfence.sel $0xFFFF  }
0xc0: {  	[dreg:$0x0] =	wrdreg $0xFFFFFFFF;
	(pc) =	sbr.abs _section_cstart, $3  }
0xc1: {  	[dreg:$0x1] =	wrdreg $0xFFFFFFFF  }
0xc2: {  	_ =	task.clear_ibuf [dreg:s7], $0x2FFFF;
	_ =	strace $0x9FFFFFFF  }
0xc3: {  	(tm) =	ssettm $0x7FFFFFFF  }
tec
execute0_lowered:
.L_overlay_start_1:
0x0: {  	(tag) =	ssettag $0x1  }
0x1: {  	s0 =	rddreg [dreg:$0x0]  }
0x2: {  	s2 =	rddreg [dreg:$0x1]  }
0x3: {  	s1 =	rddreg [dreg:$0x2]  }
0x4: {  	s4 =	srdreg.scid;
	s3 =	simm.s32 $0x0;
	s14 =	stileid.u32  }
0x5: {  	s28 =	simm.s32 $0x17C0;
	s29 =	simm.s32 $0x5;
	s30 =	simm.s32 $0x1400  }
0x6: {  	s31 =	simm.s32 $0x14A0;
	s7 =	sand.u32 $0x1, s4;
	[smem:$0x7FF] =	sst s3  }
0x7: {  	s5 =	sadd.s32 $0xAC00, s0;
	s6 =	sadd.s32 $0xE00, s0;
	s4 =	sshll.u32 s7, $0x4  }
0x8: {  	s9 =	ssub.s32 $0x2, s7;
	s7 =	smul.u32 $0x28000, s7;
	s8 =	sor.u32 s14, s4  }
0x9: {  	_ =	strace $0x80000047;
	s11 =	sshrl.u32 s9, $0x1;
	s10 =	smul.u32 $0x2710, s8  }
0xa: {  	s4 =	sadd.s32 $0x14A00, s0;
	s9 =	ssub.s32 s9, s11;
	s8 =	smul.u32 $0x13880, s8  }
0xb: {  	s0 =	sadd.s32 $0x19A00, s0;
	s20 =	smax.u32 s9, $0x1;
	s9 =	simm.s32 $0x14F0  }
0xc: {  	s26 =	sshrl.u32 s10, $0x3;
	s13 =	sadd.s32 $0x50, s10;
	s8 =	sshrl.u32 s8, $0x3  }
0xd: {  	[dreg:$0xa] =	wrdreg s20;
	s20 =	simm.s32 $0x4;
	s12 =	sadd.s32 s5, s26  }
0xe: {  	s11 =	sadd.s32 s6, s26;
	s15 =	sshrl.u32 s13, $0x3;
	[dreg:$0x4] =	wrdreg s12  }
0xf: {  	s13 =	sadd.s32 s0, s13;
	[dreg:$0x5] =	wrdreg s11;
	s16 =	sadd.s32 s5, s15  }
0x10: {  	s11 =	sadd.s32 s6, s15;
	s15 =	smul.u32 $0x2800, s14;
	[dreg:$0x6] =	wrdreg s16  }
0x11: {  	s12 =	sadd.s32 $0xA0, s10;
	[dreg:$0x7] =	wrdreg s11;
	s11 =	sadd.s32 s0, s10  }
0x12: {  	s16 =	smul.u32 $0xA000, s14;
	s0 =	sadd.s32 s0, s8;
	s7 =	sadd.s32 s15, s7  }
0x13: {  	s14 =	sadd.s32 $0xF0, s10;
	s0 =	sadd.s32 $0x26C0, s0;
	s7 =	sshrl.u32 s7, $0x3  }
0x14: {  	s19 =	sadd.s32 s15, s1;
	[dreg:$0x8] =	wrdreg s0;
	s17 =	sadd.s32 s2, s7  }
0x15: {  	s18 =	sshrl.u32 s16, $0x2;
	s2 =	sshrl.u32 s19, $0x3;
	[dreg:$0x9] =	wrdreg s17  }
0x16: {  	s8 =	simm.s32 $0x1450;
	s0 =	sadd.s32 s18, s1;
	[dreg:$0x12] =	wrdreg s2  }
0x17: {  	s10 =	simm.s32 $0x3;
	s21 =	sadd.s32 $0x500, s0;
	[dreg:$0xb] =	wrdreg s0  }
0x18: {  	s15 =	simm.s32 $0x2;
	s22 =	sadd.s32 $0xA00, s0;
	[dreg:$0xc] =	wrdreg s21  }
0x19: {  	s16 =	simm.s32 $0x500;
	s23 =	sadd.s32 $0xF00, s0;
	[dreg:$0xd] =	wrdreg s22  }
0x1a: {  	s7 =	simm.s32 $0xA00;
	s24 =	sadd.s32 $0x1400, s0;
	[dreg:$0xe] =	wrdreg s23  }
0x1b: {  	s19 =	simm.s32 $0x1540;
	s25 =	sadd.s32 $0x1900, s0;
	[dreg:$0xf] =	wrdreg s24  }
0x1c: {  	s26 =	sadd.s32 $0x1E00, s0;
	s0 =	sadd.s32 $0x2300, s0;
	[dreg:$0x10] =	wrdreg s25  }
0x1d: {  	s2 =	simm.s32 $0x50;
	s17 =	simm.s32 $0xF00;
	[dreg:$0x11] =	wrdreg s26  }
0x1e: {  	v0 =	vimm.f32 $0.0e+00;
	v1 =	vlaneseq.u32;
	[dreg:$0x13] =	wrdreg s0;
	s0 =	simm.s32 $0x1;
	s21 =	simm.s32 $0x0  }
.LBB2_1:
0x1f: {  	s22 =	simm.s32 $0x40;
	s23 =	simm.s32 $0x0  }
.LBB2_2:
0x20: {  	p0 =	sne.s32 s22, $0x13C0;
	[tilespmem:s23+$0x17C0] =	vst v0;
	s23 =	smov.u32 s22;
	s22 =	sadd.s32 $0x40, s22  }
.Ltmp0:
0x21: {  	(pc) =	sbr.rel @p0 .LBB2_2-.Ltmp0, $2  }
0x22: {  	_ =	sdelay $0x2  }
0x23: {  	s23 =	sshra.s32 s23, $0x2  }
0x24: {  	[tilespmem:s23+$0x17C0] =	vst v0;
	s18 =	rddreg [dreg:$0xb]  }
0x25: {  	[spmem:s18] =	stream.linear.scatter [tilespmem:s28], [sflag:$0x5], $0x500, $0x38;
	[tilespmem:$0x44C0] =	vst v63  }
0x26: {  	_ =	swait.ge [sflag:s29], $0x500  }
0x27: {  	[sflag:s29] =	ssyncset.done $0x0  }
0x28: {  	s26 =	rddreg [dreg:$0xc];
	[sflag:s29] =	ssyncadd.s32 $0xFFFFFB00  }
0x29: {  	[spmem:s26] =	stream.linear.scatter [tilespmem:s28], [sflag:$0x5], $0x500, $0x38;
	[tilespmem:$0x44C0] =	vst v63  }
0x2a: {  	_ =	swait.ge [sflag:s29], $0x500  }
0x2b: {  	[sflag:s29] =	ssyncset.done $0x0  }
0x2c: {  	s22 =	rddreg [dreg:$0xd];
	[sflag:s29] =	ssyncadd.s32 $0xFFFFFB00  }
0x2d: {  	[spmem:s22] =	stream.linear.scatter [tilespmem:s28], [sflag:$0x5], $0x500, $0x38;
	[tilespmem:$0x44C0] =	vst v63  }
0x2e: {  	_ =	swait.ge [sflag:s29], $0x500  }
0x2f: {  	[sflag:s29] =	ssyncset.done $0x0  }
0x30: {  	s23 =	rddreg [dreg:$0xe];
	[sflag:s29] =	ssyncadd.s32 $0xFFFFFB00  }
0x31: {  	[spmem:s23] =	stream.linear.scatter [tilespmem:s28], [sflag:$0x5], $0x500, $0x38;
	[tilespmem:$0x44C0] =	vst v63  }
0x32: {  	_ =	swait.ge [sflag:s29], $0x500  }
0x33: {  	[sflag:s29] =	ssyncset.done $0x0  }
0x34: {  	s24 =	rddreg [dreg:$0xf];
	[sflag:s29] =	ssyncadd.s32 $0xFFFFFB00  }
0x35: {  	[spmem:s24] =	stream.linear.scatter [tilespmem:s28], [sflag:$0x5], $0x500, $0x38;
	[tilespmem:$0x44C0] =	vst v63  }
0x36: {  	_ =	swait.ge [sflag:s29], $0x500  }
0x37: {  	[sflag:s29] =	ssyncset.done $0x0  }
0x38: {  	s25 =	rddreg [dreg:$0x10];
	[sflag:s29] =	ssyncadd.s32 $0xFFFFFB00  }
0x39: {  	[spmem:s25] =	stream.linear.scatter [tilespmem:s28], [sflag:$0x5], $0x500, $0x38;
	[tilespmem:$0x44C0] =	vst v63  }
0x3a: {  	_ =	swait.ge [sflag:s29], $0x500  }
0x3b: {  	[sflag:s29] =	ssyncset.done $0x0  }
0x3c: {  	s26 =	rddreg [dreg:$0x11];
	[sflag:s29] =	ssyncadd.s32 $0xFFFFFB00  }
0x3d: {  	[spmem:s26] =	stream.linear.scatter [tilespmem:s28], [sflag:$0x5], $0x500, $0x38;
	[tilespmem:$0x44C0] =	vst v63  }
0x3e: {  	_ =	swait.ge [sflag:s29], $0x500  }
0x3f: {  	[sflag:s29] =	ssyncset.done $0x0  }
0x40: {  	s22 =	rddreg [dreg:$0x13];
	[sflag:s29] =	ssyncadd.s32 $0xFFFFFB00  }
0x41: {  	[spmem:s22] =	stream.linear.scatter [tilespmem:s28], [sflag:$0x5], $0x500, $0x38;
	[tilespmem:$0x44C0] =	vst v63  }
0x42: {  	_ =	swait.ge [sflag:s29], $0x500  }
0x43: {  	[sflag:s29] =	ssyncset.done $0x0  }
0x44: {  	[sflag:s29] =	ssyncadd.s32 $0xFFFFFB00  }
0x45: {  	[bflag:$0x0] =	sbarrier.arrive $0xFFFF  }
0x46: {  	s22 =	simm.s32 $0x0;
	s23 =	rddreg [dreg:$0x4]  }
0x47: {  	[tilespmem:s30], [sflag:$0x1] =	stream.linear.gather [hbm4b:s23+s22], $0x50, $0x38;
	[tilespmem:$0x44C0] =	vst v63  }
0x48: {  	s24 =	rddreg [dreg:$0x5]  }
0x49: {  	[tilespmem:s31], [sflag:$0x1] =	stream.linear.gather [hbm4b:s24+s22], $0x50, $0x38;
	[tilespmem:$0x44C0] =	vst v63  }
0x4a: {  	_ =	swait.ge [sflag:s0], $0x50  }
0x4b: {  	[sflag:s0] =	ssyncset.done $0x0  }
0x4c: {  	[sflag:s0] =	ssyncadd.s32 $0xFFFFFFB0  }
0x4d: {  	_ =	swait.ge [sflag:s0], $0x50  }
0x4e: {  	[sflag:s0] =	ssyncset.done $0x0  }
0x4f: {  	[sflag:s0] =	ssyncadd.s32 $0xFFFFFFB0  }
0x50: {  	[tilespmem:s22], [sflag:$0x3] =	stream.indirect.gather [hbm4b:s4+s2], $0x10, s30, s2, $0xb8;
	[tilespmem:$0x44C0] =	vst v63  }
0x51: {  	_ = 	snop  }
0x52: {  	[tilespmem:s7], [sflag:$0x3] =	stream.indirect.gather [hbm4b:s4+s2], $0x10, s31, s2, $0xb8;
	[tilespmem:$0x44C0] =	vst v63  }
0x53: {  	s25 =	rddreg [dreg:$0x6]  }
0x54: {  	[tilespmem:s8], [sflag:$0x2] =	stream.linear.gather [hbm4b:s25+s22], $0x50, $0x38;
	[tilespmem:$0x44C0] =	vst v63  }
0x55: {  	s23 =	simm.s32 $0x0;
	s26 =	rddreg [dreg:$0x7]  }
0x56: {  	[tilespmem:s9], [sflag:$0x2] =	stream.linear.gather [hbm4b:s26+s22], $0x50, $0x38;
	[tilespmem:$0x44C0] =	vst v63  }
.LBB2_4:
0x57: {  	_ =	swait.ge [sflag:s10], $0x500  }
0x58: {  	[sflag:s10] =	ssyncset.done $0x0  }
0x59: {  	[sflag:s10] =	ssyncadd.s32 $0xFFFFFB00  }
0x5a: {  	_ =	swait.ge [sflag:s10], $0x500  }
0x5b: {  	[sflag:s10] =	ssyncset.done $0x0  }
0x5c: {  	[sflag:s10] =	ssyncadd.s32 $0xFFFFFB00  }
0x5d: {  	_ =	swait.ge [sflag:s15], $0x50  }
0x5e: {  	[sflag:s15] =	ssyncset.done $0x0  }
0x5f: {  	[sflag:s15] =	ssyncadd.s32 $0xFFFFFFB0  }
0x60: {  	v2 =	vor.u32 s22, v1;
	_ =	swait.ge [sflag:s15], $0x50  }
0x61: {  	v4 =	vshll.u32 v2, $0x4;
	[sflag:s15] =	ssyncset.done $0x0  }
0x62: {  	v3 =	vor.u32 $0x4, v4;
	[sflag:s15] =	ssyncadd.s32 $0xFFFFFFB0  }
0x63: {  	[tilespmem:s16], [sflag:$0x4] =	stream.indirect.gather [hbm4b:s4+s2], $0x10, s8, s2, $0xb8;
	[tilespmem:$0x44C0] =	vst v63  }
0x64: {  	_ = 	snop  }
0x65: {  	[tilespmem:s17], [sflag:$0x4] =	stream.indirect.gather [hbm4b:s4+s2], $0x10, s9, s2, $0xb8;
	[tilespmem:$0x44C0] =	vst v63  }
0x66: {  	v5 =	vld.idx.msk [tilespmem:v4+s3+$0x0], $0xffff  }
0x67: {  	v3 =	vld.idx.msk [tilespmem:v3+s7+$0x0], $0xffff;
	_ =	sdelay $0x4  }
0x68: {  	v3 =	vadd.f32 v3, v5;
	_ =	sdelay $0x1  }
0x69: {  	v5 =	vmul.f32 $2.000000030e-01, v3;
	_ =	sdelay $0x1  }
0x6a: {  	v3 =	vmax.f32 v3, v5  }
0x6b: {  	v3 =	vmul.f32 $1.442695020e+00, v3;
	_ =	sdelay $0x1  }
0x6c: {  	(erf) = vpow2.f32 v3;
	_ =	sdelay $0x4  }
0x6d: {  	v2 =	vshll.u32 v2, $0x3;
	_ =	sdelay $0x1  }
0x6e: {  	v3 =	vor.u32 $0x1, v4  }
0x6f: {  	v5 =	vor.u32 $0x5, v4  }
0x70: {  	v6 =	vpop (erf)  }
0x71: {  	[tilespmem:v2+s19+$0x0] =	vst.idx.msk $0xffff, v6  }
0x72: {  	[tilespmem:v4+s28+$0x0] =	vst.idx.msk $0xffff, v6  }
0x73: {  	v6 =	vld.idx.msk [tilespmem:v3+s3+$0x0], $0xffff  }
0x74: {  	v5 =	vld.idx.msk [tilespmem:v5+s7+$0x0], $0xffff;
	_ =	sdelay $0x4  }
0x75: {  	v5 =	vadd.f32 v5, v6;
	_ =	sdelay $0x1  }
0x76: {  	v6 =	vmul.f32 $2.000000030e-01, v5;
	_ =	sdelay $0x1  }
0x77: {  	v5 =	vmax.f32 v5, v6  }
0x78: {  	v5 =	vmul.f32 $1.442695020e+00, v5;
	_ =	sdelay $0x1  }
0x79: {  	(erf) = vpow2.f32 v5;
	_ =	sdelay $0x4  }
0x7a: {  	v5 =	vor.u32 $0x1, v2;
	_ =	sdelay $0x1  }
0x7b: {  	v6 =	vor.u32 $0x2, v4  }
0x7c: {  	v7 =	vor.u32 $0x6, v4  }
0x7d: {  	v8 =	vpop (erf)  }
0x7e: {  	[tilespmem:v5+s19+$0x0] =	vst.idx.msk $0xffff, v8  }
0x7f: {  	[tilespmem:v3+s28+$0x0] =	vst.idx.msk $0xffff, v8  }
0x80: {  	v3 =	vld.idx.msk [tilespmem:v6+s3+$0x0], $0xffff  }
0x81: {  	v5 =	vld.idx.msk [tilespmem:v7+s7+$0x0], $0xffff;
	_ =	sdelay $0x4  }
0x82: {  	v3 =	vadd.f32 v5, v3;
	_ =	sdelay $0x1  }
0x83: {  	v5 =	vmul.f32 $2.000000030e-01, v3;
	_ =	sdelay $0x1  }
0x84: {  	v3 =	vmax.f32 v3, v5  }
0x85: {  	v3 =	vmul.f32 $1.442695020e+00, v3;
	_ =	sdelay $0x1  }
0x86: {  	(erf) = vpow2.f32 v3;
	_ =	sdelay $0x4  }
0x87: {  	v5 =	vor.u32 $0x2, v2;
	_ =	sdelay $0x1  }
0x88: {  	v3 =	vor.u32 $0x3, v4  }
0x89: {  	v4 =	vor.u32 $0x7, v4  }
0x8a: {  	v7 =	vpop (erf)  }
0x8b: {  	[tilespmem:v5+s19+$0x0] =	vst.idx.msk $0xffff, v7  }
0x8c: {  	[tilespmem:v6+s28+$0x0] =	vst.idx.msk $0xffff, v7  }
0x8d: {  	v5 =	vld.idx.msk [tilespmem:v3+s3+$0x0], $0xffff  }
0x8e: {  	v4 =	vld.idx.msk [tilespmem:v4+s7+$0x0], $0xffff;
	_ =	sdelay $0x4  }
0x8f: {  	v4 =	vadd.f32 v4, v5;
	_ =	sdelay $0x1  }
0x90: {  	v5 =	vmul.f32 $2.000000030e-01, v4;
	_ =	sdelay $0x1  }
0x91: {  	v4 =	vmax.f32 v4, v5  }
0x92: {  	v5 =	vmul.f32 $1.442695020e+00, v4;
	_ =	sdelay $0x1  }
0x93: {  	(erf) = vpow2.f32 v5;
	_ =	sdelay $0x4  }
0x94: {  	s24 =	simm.s32 $0x10;
	v5 =	vor.u32 $0x3, v2  }
0x95: {  	v4 =	vor.u32 s24, v1  }
0x96: {  	s24 =	simm.s32 $0x20;
	v2 =	vshll.u32 v4, $0x4  }
.LBB2_5:
0x97: {  	p0 =	sne.s32 s24, $0x40;
	v6 =	vor.u32 $0x4, v2;
	s25 =	smov.u32 s24;
	s24 =	sadd.s32 $0x10, s24  }
0x98: {  	v7 =	vpop (erf)  }
0x99: {  	[tilespmem:v5+s19+$0x0] =	vst.idx.msk $0xffff, v7  }
0x9a: {  	[tilespmem:v3+s28+$0x0] =	vst.idx.msk $0xffff, v7  }
0x9b: {  	v3 =	vld.idx.msk [tilespmem:v2+s3+$0x0], $0xffff  }
0x9c: {  	v5 =	vld.idx.msk [tilespmem:v6+s7+$0x0], $0xffff;
	_ =	sdelay $0x5  }
0x9d: {  	v3 =	vadd.f32 v5, v3;
	_ =	sdelay $0x1  }
0x9e: {  	v5 =	vmul.f32 $2.000000030e-01, v3;
	_ =	sdelay $0x1  }
0x9f: {  	v3 =	vmax.f32 v3, v5  }
0xa0: {  	v3 =	vmul.f32 $1.442695020e+00, v3;
	_ =	sdelay $0x1  }
0xa1: {  	(erf) = vpow2.f32 v3;
	_ =	sdelay $0x4  }
0xa2: {  	v4 =	vshll.u32 v4, $0x3;
	_ =	sdelay $0x1  }
0xa3: {  	v5 =	vor.u32 $0x5, v2;
	v3 =	vor.u32 $0x1, v2;
	_ =	sdelay $0x1  }
0xa4: {  	v6 =	vpop (erf)  }
0xa5: {  	[tilespmem:v4+s19+$0x0] =	vst.idx.msk $0xffff, v6  }
0xa6: {  	[tilespmem:v2+s28+$0x0] =	vst.idx.msk $0xffff, v6  }
0xa7: {  	v6 =	vld.idx.msk [tilespmem:v3+s3+$0x0], $0xffff  }
0xa8: {  	v5 =	vld.idx.msk [tilespmem:v5+s7+$0x0], $0xffff;
	_ =	sdelay $0x5  }
0xa9: {  	v5 =	vadd.f32 v5, v6;
	_ =	sdelay $0x1  }
0xaa: {  	v6 =	vmul.f32 $2.000000030e-01, v5;
	_ =	sdelay $0x1  }
0xab: {  	v5 =	vmax.f32 v5, v6  }
0xac: {  	v5 =	vmul.f32 $1.442695020e+00, v5;
	_ =	sdelay $0x1  }
0xad: {  	(erf) = vpow2.f32 v5;
	_ =	sdelay $0x3  }
0xae: {  	v5 =	vor.u32 $0x1, v4;
	_ =	sdelay $0x2  }
0xaf: {  	v7 =	vor.u32 $0x6, v2;
	v6 =	vor.u32 $0x2, v2;
	_ =	sdelay $0x1  }
0xb0: {  	v8 =	vpop (erf)  }
0xb1: {  	[tilespmem:v5+s19+$0x0] =	vst.idx.msk $0xffff, v8  }
0xb2: {  	[tilespmem:v3+s28+$0x0] =	vst.idx.msk $0xffff, v8  }
0xb3: {  	v3 =	vld.idx.msk [tilespmem:v6+s3+$0x0], $0xffff  }
0xb4: {  	v5 =	vld.idx.msk [tilespmem:v7+s7+$0x0], $0xffff;
	_ =	sdelay $0x5  }
0xb5: {  	v3 =	vadd.f32 v5, v3;
	_ =	sdelay $0x1  }
0xb6: {  	v5 =	vmul.f32 $2.000000030e-01, v3;
	_ =	sdelay $0x1  }
0xb7: {  	v3 =	vmax.f32 v3, v5  }
0xb8: {  	v3 =	vmul.f32 $1.442695020e+00, v3;
	_ =	sdelay $0x1  }
0xb9: {  	(erf) = vpow2.f32 v3;
	_ =	sdelay $0x2  }
0xba: {  	v5 =	vor.u32 $0x2, v4;
	_ =	sdelay $0x3  }
0xbb: {  	v3 =	vor.u32 $0x3, v2;
	v2 =	vor.u32 $0x7, v2;
	_ =	sdelay $0x1  }
0xbc: {  	v7 =	vpop (erf)  }
0xbd: {  	[tilespmem:v5+s19+$0x0] =	vst.idx.msk $0xffff, v7  }
0xbe: {  	[tilespmem:v6+s28+$0x0] =	vst.idx.msk $0xffff, v7  }
0xbf: {  	v5 =	vld.idx.msk [tilespmem:v3+s3+$0x0], $0xffff  }
0xc0: {  	v2 =	vld.idx.msk [tilespmem:v2+s7+$0x0], $0xffff;
	_ =	sdelay $0x5  }
0xc1: {  	v2 =	vadd.f32 v2, v5;
	_ =	sdelay $0x1  }
0xc2: {  	v5 =	vmul.f32 $2.000000030e-01, v2;
	_ =	sdelay $0x1  }
0xc3: {  	v2 =	vmax.f32 v2, v5  }
0xc4: {  	v2 =	vmul.f32 $1.442695020e+00, v2;
	_ =	sdelay $0x1  }
0xc5: {  	(erf) = vpow2.f32 v2;
	_ =	sdelay $0x1  }
0xc6: {  	v5 =	vor.u32 $0x3, v4  }
.Ltmp1:
0xc7: {  	(pc) =	sbr.rel @p0 .LBB2_5-.Ltmp1, $3  }
0xc8: {  	_ =	sdelay $0x1  }
0xc9: {  	v4 =	vor.u32 s25, v1  }
0xca: {  	v2 =	vshll.u32 v4, $0x4  }
0xcb: {  	_ =	sdelay $0x1  }
0xcc: {  	v6 =	vor.u32 $0x4, v2  }
0xcd: {  	v7 =	vpop (erf)  }
0xce: {  	[tilespmem:v5+s19+$0x0] =	vst.idx.msk $0xffff, v7  }
0xcf: {  	[tilespmem:v3+s28+$0x0] =	vst.idx.msk $0xffff, v7  }
0xd0: {  	v3 =	vld.idx.msk [tilespmem:v2+s3+$0x0], $0xffff  }
0xd1: {  	v5 =	vld.idx.msk [tilespmem:v6+s7+$0x0], $0xffff;
	_ =	sdelay $0x4  }
0xd2: {  	v3 =	vadd.f32 v5, v3;
	_ =	sdelay $0x1  }
0xd3: {  	v5 =	vmul.f32 $2.000000030e-01, v3;
	_ =	sdelay $0x1  }
0xd4: {  	v3 =	vmax.f32 v3, v5  }
0xd5: {  	v3 =	vmul.f32 $1.442695020e+00, v3;
	_ =	sdelay $0x1  }
0xd6: {  	(erf) = vpow2.f32 v3;
	_ =	sdelay $0x4  }
0xd7: {  	v3 =	vshll.u32 v4, $0x3;
	_ =	sdelay $0x1  }
0xd8: {  	v4 =	vor.u32 $0x1, v2  }
0xd9: {  	v5 =	vor.u32 $0x5, v2  }
0xda: {  	v6 =	vpop (erf)  }
0xdb: {  	[tilespmem:v3+s19+$0x0] =	vst.idx.msk $0xffff, v6  }
0xdc: {  	[tilespmem:v2+s28+$0x0] =	vst.idx.msk $0xffff, v6  }
0xdd: {  	v6 =	vld.idx.msk [tilespmem:v4+s3+$0x0], $0xffff  }
0xde: {  	v5 =	vld.idx.msk [tilespmem:v5+s7+$0x0], $0xffff;
	_ =	sdelay $0x4  }
0xdf: {  	v5 =	vadd.f32 v5, v6;
	_ =	sdelay $0x1  }
0xe0: {  	v6 =	vmul.f32 $2.000000030e-01, v5;
	_ =	sdelay $0x1  }
0xe1: {  	v5 =	vmax.f32 v5, v6  }
0xe2: {  	v5 =	vmul.f32 $1.442695020e+00, v5;
	_ =	sdelay $0x1  }
0xe3: {  	(erf) = vpow2.f32 v5;
	_ =	sdelay $0x4  }
0xe4: {  	v5 =	vor.u32 $0x1, v3;
	_ =	sdelay $0x1  }
0xe5: {  	v6 =	vor.u32 $0x2, v2  }
0xe6: {  	v7 =	vor.u32 $0x6, v2  }
0xe7: {  	v8 =	vpop (erf)  }
0xe8: {  	[tilespmem:v5+s19+$0x0] =	vst.idx.msk $0xffff, v8  }
0xe9: {  	[tilespmem:v4+s28+$0x0] =	vst.idx.msk $0xffff, v8  }
0xea: {  	v4 =	vld.idx.msk [tilespmem:v6+s3+$0x0], $0xffff  }
0xeb: {  	v5 =	vld.idx.msk [tilespmem:v7+s7+$0x0], $0xffff;
	_ =	sdelay $0x4  }
0xec: {  	v4 =	vadd.f32 v5, v4;
	_ =	sdelay $0x1  }
0xed: {  	v5 =	vmul.f32 $2.000000030e-01, v4;
	_ =	sdelay $0x1  }
0xee: {  	v4 =	vmax.f32 v4, v5  }
0xef: {  	v4 =	vmul.f32 $1.442695020e+00, v4;
	_ =	sdelay $0x1  }
0xf0: {  	(erf) = vpow2.f32 v4;
	_ =	sdelay $0x4  }
0xf1: {  	v4 =	vor.u32 $0x2, v3;
	_ =	sdelay $0x1  }
0xf2: {  	v5 =	vor.u32 $0x3, v2  }
0xf3: {  	v2 =	vor.u32 $0x7, v2  }
0xf4: {  	v7 =	vpop (erf)  }
0xf5: {  	[tilespmem:v4+s19+$0x0] =	vst.idx.msk $0xffff, v7  }
0xf6: {  	[tilespmem:v6+s28+$0x0] =	vst.idx.msk $0xffff, v7  }
0xf7: {  	v4 =	vld.idx.msk [tilespmem:v5+s3+$0x0], $0xffff  }
0xf8: {  	v2 =	vld.idx.msk [tilespmem:v2+s7+$0x0], $0xffff;
	_ =	sdelay $0x4  }
0xf9: {  	v2 =	vadd.f32 v2, v4;
	_ =	sdelay $0x1  }
0xfa: {  	v4 =	vmul.f32 $2.000000030e-01, v2;
	_ =	sdelay $0x1  }
0xfb: {  	v2 =	vmax.f32 v2, v4  }
0xfc: {  	v2 =	vmul.f32 $1.442695020e+00, v2;
	_ =	sdelay $0x1  }
0xfd: {  	(erf) = vpow2.f32 v2;
	_ =	sdelay $0x4  }
0xfe: {  	v2 =	vor.u32 $0x3, v3;
	_ =	sdelay $0x3  }
0xff: {  	v3 =	vpop (erf)  }
0x100: {  	[tilespmem:v2+s19+$0x0] =	vst.idx.msk $0xffff, v3  }
0x101: {  	[tilespmem:v5+s28+$0x0] =	vst.idx.msk $0xffff, v3  }
0x102: {  	[spmem:s1] =	stream.indirect.scatter.add.f32 [tilespmem:s28], [sflag:$0x5], $0x10, s31, s2, $0xb8;
	[tilespmem:$0x44C0] =	vst v63  }
0x103: {  	s24 =	smul.u32 $0xA0, s23;
	_ =	swait.ge [sflag:s29], $0x500  }
0x104: {  	[sflag:s29] =	ssyncset.done $0x0  }
0x105: {  	s26 =	simm.s32 $0x0;
	s25 =	sadd.s32 s24, s11;
	[sflag:s29] =	ssyncadd.s32 $0xFFFFFB00  }
0x106: {  	[hbm4b:s25+s26] =	stream.linear.scatter [tilespmem:s19], [sflag:$0x5], $0x280, $0x38;
	[tilespmem:$0x44C0] =	vst v63  }
0x107: {  	s18 =	sadd.s32 s24, s12;
	_ =	swait.ge [sflag:s29], $0x280  }
0x108: {  	s25 =	sshrl.u32 s18, $0x3;
	[sflag:s29] =	ssyncset.done $0x0  }
0x109: {  	s18 =	sadd.s32 s5, s25;
	[sflag:s29] =	ssyncadd.s32 $0xFFFFFD80  }
0x10a: {  	[tilespmem:s30], [sflag:$0x1] =	stream.linear.gather [hbm4b:s18+s26], $0x50, $0x38;
	[tilespmem:$0x44C0] =	vst v63  }
0x10b: {  	s25 =	sadd.s32 s6, s25  }
0x10c: {  	[tilespmem:s31], [sflag:$0x1] =	stream.linear.gather [hbm4b:s25+s26], $0x50, $0x38;
	[tilespmem:$0x44C0] =	vst v63  }
0x10d: {  	_ =	swait.ge [sflag:s20], $0x500  }
0x10e: {  	[sflag:s20] =	ssyncset.done $0x0  }
0x10f: {  	[sflag:s20] =	ssyncadd.s32 $0xFFFFFB00  }
0x110: {  	_ =	swait.ge [sflag:s20], $0x500  }
0x111: {  	[sflag:s20] =	ssyncset.done $0x0  }
0x112: {  	[sflag:s20] =	ssyncadd.s32 $0xFFFFFB00  }
0x113: {  	_ =	swait.ge [sflag:s0], $0x50  }
0x114: {  	[sflag:s0] =	ssyncset.done $0x0  }
0x115: {  	[sflag:s0] =	ssyncadd.s32 $0xFFFFFFB0  }
0x116: {  	v2 =	vor.u32 s26, v1;
	_ =	swait.ge [sflag:s0], $0x50  }
0x117: {  	v4 =	vshll.u32 v2, $0x4;
	[sflag:s0] =	ssyncset.done $0x0  }
0x118: {  	v3 =	vor.u32 $0x4, v4;
	[sflag:s0] =	ssyncadd.s32 $0xFFFFFFB0  }
0x119: {  	[tilespmem:s26], [sflag:$0x3] =	stream.indirect.gather [hbm4b:s4+s2], $0x10, s30, s2, $0xb8;
	[tilespmem:$0x44C0] =	vst v63  }
0x11a: {  	_ = 	snop  }
0x11b: {  	[tilespmem:s7], [sflag:$0x3] =	stream.indirect.gather [hbm4b:s4+s2], $0x10, s31, s2, $0xb8;
	[tilespmem:$0x44C0] =	vst v63  }
0x11c: {  	v5 =	vld.idx.msk [tilespmem:v4+s16+$0x0], $0xffff  }
0x11d: {  	v3 =	vld.idx.msk [tilespmem:v3+s17+$0x0], $0xffff;
	_ =	sdelay $0x4  }
0x11e: {  	v3 =	vadd.f32 v3, v5;
	_ =	sdelay $0x1  }
0x11f: {  	v5 =	vmul.f32 $2.000000030e-01, v3;
	_ =	sdelay $0x1  }
0x120: {  	v3 =	vmax.f32 v3, v5  }
0x121: {  	v3 =	vmul.f32 $1.442695020e+00, v3;
	_ =	sdelay $0x1  }
0x122: {  	(erf) = vpow2.f32 v3;
	_ =	sdelay $0x4  }
0x123: {  	v2 =	vshll.u32 v2, $0x3;
	_ =	sdelay $0x1  }
0x124: {  	v3 =	vor.u32 $0x1, v4  }
0x125: {  	v5 =	vor.u32 $0x5, v4  }
0x126: {  	v6 =	vpop (erf)  }
0x127: {  	[tilespmem:v2+s19+$0x0] =	vst.idx.msk $0xffff, v6  }
0x128: {  	[tilespmem:v4+s28+$0x0] =	vst.idx.msk $0xffff, v6  }
0x129: {  	v6 =	vld.idx.msk [tilespmem:v3+s16+$0x0], $0xffff  }
0x12a: {  	v5 =	vld.idx.msk [tilespmem:v5+s17+$0x0], $0xffff;
	_ =	sdelay $0x4  }
0x12b: {  	v5 =	vadd.f32 v5, v6;
	_ =	sdelay $0x1  }
0x12c: {  	v6 =	vmul.f32 $2.000000030e-01, v5;
	_ =	sdelay $0x1  }
0x12d: {  	v5 =	vmax.f32 v5, v6  }
0x12e: {  	v5 =	vmul.f32 $1.442695020e+00, v5;
	_ =	sdelay $0x1  }
0x12f: {  	(erf) = vpow2.f32 v5;
	_ =	sdelay $0x4  }
0x130: {  	v5 =	vor.u32 $0x1, v2;
	_ =	sdelay $0x1  }
0x131: {  	v6 =	vor.u32 $0x2, v4  }
0x132: {  	v7 =	vor.u32 $0x6, v4  }
0x133: {  	v63 =	vpop (erf)  }
0x134: {  	[tilespmem:v5+s19+$0x0] =	vst.idx.msk $0xffff, v63  }
0x135: {  	[tilespmem:v3+s28+$0x0] =	vst.idx.msk $0xffff, v63  }
0x136: {  	v3 =	vld.idx.msk [tilespmem:v6+s16+$0x0], $0xffff  }
0x137: {  	v5 =	vld.idx.msk [tilespmem:v7+s17+$0x0], $0xffff;
	_ =	sdelay $0x4  }
0x138: {  	v3 =	vadd.f32 v5, v3;
	_ =	sdelay $0x1  }
0x139: {  	v5 =	vmul.f32 $2.000000030e-01, v3;
	_ =	sdelay $0x1  }
0x13a: {  	v3 =	vmax.f32 v3, v5  }
0x13b: {  	v3 =	vmul.f32 $1.442695020e+00, v3;
	_ =	sdelay $0x1  }
0x13c: {  	(erf) = vpow2.f32 v3;
	_ =	sdelay $0x4  }
0x13d: {  	v5 =	vor.u32 $0x2, v2;
	_ =	sdelay $0x1  }
0x13e: {  	v3 =	vor.u32 $0x3, v4  }
0x13f: {  	v4 =	vor.u32 $0x7, v4  }
0x140: {  	v7 =	vpop (erf)  }
0x141: {  	[tilespmem:v5+s19+$0x0] =	vst.idx.msk $0xffff, v7  }
0x142: {  	[tilespmem:v6+s28+$0x0] =	vst.idx.msk $0xffff, v7  }
0x143: {  	v5 =	vld.idx.msk [tilespmem:v3+s16+$0x0], $0xffff  }
0x144: {  	v4 =	vld.idx.msk [tilespmem:v4+s17+$0x0], $0xffff;
	_ =	sdelay $0x4  }
0x145: {  	v4 =	vadd.f32 v4, v5;
	_ =	sdelay $0x1  }
0x146: {  	v5 =	vmul.f32 $2.000000030e-01, v4;
	_ =	sdelay $0x1  }
0x147: {  	v4 =	vmax.f32 v4, v5  }
0x148: {  	v5 =	vmul.f32 $1.442695020e+00, v4;
	_ =	sdelay $0x1  }
0x149: {  	(erf) = vpow2.f32 v5;
	_ =	sdelay $0x4  }
0x14a: {  	s26 =	simm.s32 $0x10;
	v5 =	vor.u32 $0x3, v2  }
0x14b: {  	v4 =	vor.u32 s26, v1  }
0x14c: {  	s25 =	simm.s32 $0x20;
	v2 =	vshll.u32 v4, $0x4  }
.LBB2_7:
0x14d: {  	p0 =	sne.s32 s25, $0x40;
	v6 =	vor.u32 $0x4, v2;
	s26 =	smov.u32 s25;
	s25 =	sadd.s32 $0x10, s25  }
0x14e: {  	v7 =	vpop (erf)  }
0x14f: {  	[tilespmem:v5+s19+$0x0] =	vst.idx.msk $0xffff, v7  }
0x150: {  	[tilespmem:v3+s28+$0x0] =	vst.idx.msk $0xffff, v7  }
0x151: {  	v3 =	vld.idx.msk [tilespmem:v2+s16+$0x0], $0xffff  }
0x152: {  	v5 =	vld.idx.msk [tilespmem:v6+s17+$0x0], $0xffff;
	_ =	sdelay $0x5  }
0x153: {  	v3 =	vadd.f32 v5, v3;
	_ =	sdelay $0x1  }
0x154: {  	v5 =	vmul.f32 $2.000000030e-01, v3;
	_ =	sdelay $0x1  }
0x155: {  	v3 =	vmax.f32 v3, v5  }
0x156: {  	v3 =	vmul.f32 $1.442695020e+00, v3;
	_ =	sdelay $0x1  }
0x157: {  	(erf) = vpow2.f32 v3;
	_ =	sdelay $0x4  }
0x158: {  	v4 =	vshll.u32 v4, $0x3;
	_ =	sdelay $0x1  }
0x159: {  	v5 =	vor.u32 $0x5, v2;
	v3 =	vor.u32 $0x1, v2;
	_ =	sdelay $0x1  }
0x15a: {  	v6 =	vpop (erf)  }
0x15b: {  	[tilespmem:v4+s19+$0x0] =	vst.idx.msk $0xffff, v6  }
0x15c: {  	[tilespmem:v2+s28+$0x0] =	vst.idx.msk $0xffff, v6  }
0x15d: {  	v6 =	vld.idx.msk [tilespmem:v3+s16+$0x0], $0xffff  }
0x15e: {  	v5 =	vld.idx.msk [tilespmem:v5+s17+$0x0], $0xffff;
	_ =	sdelay $0x5  }
0x15f: {  	v5 =	vadd.f32 v5, v6;
	_ =	sdelay $0x1  }
0x160: {  	v6 =	vmul.f32 $2.000000030e-01, v5;
	_ =	sdelay $0x1  }
0x161: {  	v5 =	vmax.f32 v5, v6  }
0x162: {  	v5 =	vmul.f32 $1.442695020e+00, v5;
	_ =	sdelay $0x1  }
0x163: {  	(erf) = vpow2.f32 v5;
	_ =	sdelay $0x3  }
0x164: {  	v5 =	vor.u32 $0x1, v4;
	_ =	sdelay $0x2  }
0x165: {  	v7 =	vor.u32 $0x6, v2;
	v6 =	vor.u32 $0x2, v2;
	_ =	sdelay $0x1  }
0x166: {  	v8 =	vpop (erf)  }
0x167: {  	[tilespmem:v5+s19+$0x0] =	vst.idx.msk $0xffff, v8  }
0x168: {  	[tilespmem:v3+s28+$0x0] =	vst.idx.msk $0xffff, v8  }
0x169: {  	v3 =	vld.idx.msk [tilespmem:v6+s16+$0x0], $0xffff  }
0x16a: {  	v5 =	vld.idx.msk [tilespmem:v7+s17+$0x0], $0xffff;
	_ =	sdelay $0x5  }
0x16b: {  	v3 =	vadd.f32 v5, v3;
	_ =	sdelay $0x1  }
0x16c: {  	v5 =	vmul.f32 $2.000000030e-01, v3;
	_ =	sdelay $0x1  }
0x16d: {  	v3 =	vmax.f32 v3, v5  }
0x16e: {  	v3 =	vmul.f32 $1.442695020e+00, v3;
	_ =	sdelay $0x1  }
0x16f: {  	(erf) = vpow2.f32 v3;
	_ =	sdelay $0x2  }
0x170: {  	v5 =	vor.u32 $0x2, v4;
	_ =	sdelay $0x3  }
0x171: {  	v3 =	vor.u32 $0x3, v2;
	v2 =	vor.u32 $0x7, v2;
	_ =	sdelay $0x1  }
0x172: {  	v7 =	vpop (erf)  }
0x173: {  	[tilespmem:v5+s19+$0x0] =	vst.idx.msk $0xffff, v7  }
0x174: {  	[tilespmem:v6+s28+$0x0] =	vst.idx.msk $0xffff, v7  }
0x175: {  	v5 =	vld.idx.msk [tilespmem:v3+s16+$0x0], $0xffff  }
0x176: {  	v2 =	vld.idx.msk [tilespmem:v2+s17+$0x0], $0xffff;
	_ =	sdelay $0x5  }
0x177: {  	v2 =	vadd.f32 v2, v5;
	_ =	sdelay $0x1  }
0x178: {  	v5 =	vmul.f32 $2.000000030e-01, v2;
	_ =	sdelay $0x1  }
0x179: {  	v2 =	vmax.f32 v2, v5  }
0x17a: {  	v2 =	vmul.f32 $1.442695020e+00, v2;
	_ =	sdelay $0x1  }
0x17b: {  	(erf) = vpow2.f32 v2;
	_ =	sdelay $0x1  }
0x17c: {  	v5 =	vor.u32 $0x3, v4  }
.Ltmp2:
0x17d: {  	(pc) =	sbr.rel @p0 .LBB2_7-.Ltmp2, $3  }
0x17e: {  	_ =	sdelay $0x1  }
0x17f: {  	v4 =	vor.u32 s26, v1  }
0x180: {  	v2 =	vshll.u32 v4, $0x4  }
0x181: {  	_ =	sdelay $0x1  }
0x182: {  	v6 =	vor.u32 $0x4, v2  }
0x183: {  	v7 =	vpop (erf)  }
0x184: {  	[tilespmem:v5+s19+$0x0] =	vst.idx.msk $0xffff, v7  }
0x185: {  	[tilespmem:v3+s28+$0x0] =	vst.idx.msk $0xffff, v7  }
0x186: {  	v3 =	vld.idx.msk [tilespmem:v2+s16+$0x0], $0xffff  }
0x187: {  	v5 =	vld.idx.msk [tilespmem:v6+s17+$0x0], $0xffff;
	_ =	sdelay $0x4  }
0x188: {  	v3 =	vadd.f32 v5, v3;
	_ =	sdelay $0x1  }
0x189: {  	v5 =	vmul.f32 $2.000000030e-01, v3;
	_ =	sdelay $0x1  }
0x18a: {  	v3 =	vmax.f32 v3, v5  }
0x18b: {  	v3 =	vmul.f32 $1.442695020e+00, v3;
	_ =	sdelay $0x1  }
0x18c: {  	(erf) = vpow2.f32 v3;
	_ =	sdelay $0x4  }
0x18d: {  	v3 =	vshll.u32 v4, $0x3;
	_ =	sdelay $0x1  }
0x18e: {  	v55 =	vor.u32 $0x1, v2  }
0x18f: {  	v56 =	vor.u32 $0x5, v2  }
0x190: {  	v57 =	vpop (erf)  }
0x191: {  	[tilespmem:v3+s19+$0x0] =	vst.idx.msk $0xffff, v57  }
0x192: {  	[tilespmem:v2+s28+$0x0] =	vst.idx.msk $0xffff, v57  }
0x193: {  	v6 =	vld.idx.msk [tilespmem:v55+s16+$0x0], $0xffff  }
0x194: {  	v5 =	vld.idx.msk [tilespmem:v56+s17+$0x0], $0xffff;
	_ =	sdelay $0x4  }
0x195: {  	v5 =	vadd.f32 v5, v6;
	_ =	sdelay $0x1  }
0x196: {  	v6 =	vmul.f32 $2.000000030e-01, v5;
	_ =	sdelay $0x1  }
0x197: {  	v5 =	vmax.f32 v5, v6  }
0x198: {  	v5 =	vmul.f32 $1.442695020e+00, v5;
	_ =	sdelay $0x1  }
0x199: {  	(erf) = vpow2.f32 v5;
	_ =	sdelay $0x4  }
0x19a: {  	v58 =	vor.u32 $0x1, v3;
	_ =	sdelay $0x1  }
0x19b: {  	v59 =	vor.u32 $0x2, v2  }
0x19c: {  	v60 =	vor.u32 $0x6, v2  }
0x19d: {  	v8 =	vpop (erf)  }
0x19e: {  	[tilespmem:v58+s19+$0x0] =	vst.idx.msk $0xffff, v8  }
0x19f: {  	[tilespmem:v55+s28+$0x0] =	vst.idx.msk $0xffff, v8  }
0x1a0: {  	v4 =	vld.idx.msk [tilespmem:v59+s16+$0x0], $0xffff  }
0x1a1: {  	v5 =	vld.idx.msk [tilespmem:v60+s17+$0x0], $0xffff;
	_ =	sdelay $0x4  }
0x1a2: {  	v4 =	vadd.f32 v5, v4;
	_ =	sdelay $0x1  }
0x1a3: {  	v5 =	vmul.f32 $2.000000030e-01, v4;
	_ =	sdelay $0x1  }
0x1a4: {  	v4 =	vmax.f32 v4, v5  }
0x1a5: {  	v4 =	vmul.f32 $1.442695020e+00, v4;
	_ =	sdelay $0x1  }
0x1a6: {  	(erf) = vpow2.f32 v4;
	_ =	sdelay $0x4  }
0x1a7: {  	v61 =	vor.u32 $0x2, v3;
	_ =	sdelay $0x1  }
0x1a8: {  	v62 =	vor.u32 $0x3, v2  }
0x1a9: {  	v2 =	vor.u32 $0x7, v2  }
0x1aa: {  	v63 =	vpop (erf)  }
0x1ab: {  	[tilespmem:v61+s19+$0x0] =	vst.idx.msk $0xffff, v63  }
0x1ac: {  	[tilespmem:v59+s28+$0x0] =	vst.idx.msk $0xffff, v63  }
0x1ad: {  	v4 =	vld.idx.msk [tilespmem:v62+s16+$0x0], $0xffff  }
0x1ae: {  	v2 =	vld.idx.msk [tilespmem:v2+s17+$0x0], $0xffff;
	_ =	sdelay $0x4  }
0x1af: {  	v2 =	vadd.f32 v2, v4;
	_ =	sdelay $0x1  }
0x1b0: {  	v4 =	vmul.f32 $2.000000030e-01, v2;
	_ =	sdelay $0x1  }
0x1b1: {  	v2 =	vmax.f32 v2, v4  }
0x1b2: {  	v2 =	vmul.f32 $1.442695020e+00, v2;
	_ =	sdelay $0x1  }
0x1b3: {  	(erf) = vpow2.f32 v2;
	_ =	sdelay $0x4  }
0x1b4: {  	v2 =	vor.u32 $0x3, v3;
	_ =	sdelay $0x3  }
0x1b5: {  	v3 =	vpop (erf)  }
0x1b6: {  	[tilespmem:v2+s19+$0x0] =	vst.idx.msk $0xffff, v3  }
0x1b7: {  	[tilespmem:v62+s28+$0x0] =	vst.idx.msk $0xffff, v3  }
0x1b8: {  	[spmem:s1] =	stream.indirect.scatter.add.f32 [tilespmem:s28], [sflag:$0x5], $0x10, s9, s2, $0xb8;
	[tilespmem:$0x44C0] =	vst v63  }
0x1b9: {  	_ =	swait.ge [sflag:s29], $0x500  }
0x1ba: {  	p0 =	seq.s32 s23, $0x3D;
	[sflag:s29] =	ssyncset.done $0x0  }
.Ltmp3:
0x1bb: {  	s18 =	sadd.s32 s24, s13;
	[sflag:s29] =	ssyncadd.s32 $0xFFFFFB00;
	(pc) =	sbr.rel @p0 .LBB2_10-.Ltmp3, $4  }
0x1bc: {  	[hbm4b:s18+s3] =	stream.linear.scatter [tilespmem:s19], [sflag:$0x5], $0x280, $0x38;
	[tilespmem:$0x44C0] =	vst v63  }
0x1bd: {  	_ =	swait.ge [sflag:s29], $0x280  }
0x1be: {  	[sflag:s29] =	ssyncset.done $0x0  }
0x1bf: {  	[sflag:s29] =	ssyncadd.s32 $0xFFFFFD80  }
0x1c0: {  	s18 =	sadd.s32 s24, s14  }
.Ltmp4:
0x1c1: {  	s18 =	sshrl.u32 s18, $0x3;
	(pc) =	sbr.rel .LBB2_4-.Ltmp4, $4  }
0x1c2: {  	s26 =	sadd.s32 s5, s18  }
0x1c3: {  	[tilespmem:s8], [sflag:$0x2] =	stream.linear.gather [hbm4b:s26+s3], $0x50, $0x38;
	[tilespmem:$0x44C0] =	vst v63  }
0x1c4: {  	s23 =	sadd.s32 $0x1, s23;
	s18 =	sadd.s32 s6, s18  }
0x1c5: {  	[tilespmem:s9], [sflag:$0x2] =	stream.linear.gather [hbm4b:s18+s3], $0x50, $0x38;
	[tilespmem:$0x44C0] =	vst v63  }
.LBB2_10:
0x1c6: {  	s18 =	simm.s32 $0x0  }
0x1c7: {  	_ =	swait.ge [sflag:s10], $0x500;
	v2 =	vor.u32 s18, v1  }
0x1c8: {  	[sflag:s10] =	ssyncset.done $0x0;
	v4 =	vshll.u32 v2, $0x4  }
0x1c9: {  	[sflag:s10] =	ssyncadd.s32 $0xFFFFFB00;
	v3 =	vor.u32 $0x4, v4  }
0x1ca: {  	_ =	swait.ge [sflag:s10], $0x500  }
0x1cb: {  	[sflag:s10] =	ssyncset.done $0x0  }
0x1cc: {  	[sflag:s10] =	ssyncadd.s32 $0xFFFFFB00  }
0x1cd: {  	v5 =	vld.idx.msk [tilespmem:v4+s3+$0x0], $0xffff  }
0x1ce: {  	v3 =	vld.idx.msk [tilespmem:v3+s7+$0x0], $0xffff;
	_ =	sdelay $0x4  }
0x1cf: {  	v3 =	vadd.f32 v3, v5;
	_ =	sdelay $0x1  }
0x1d0: {  	v5 =	vmul.f32 $2.000000030e-01, v3;
	_ =	sdelay $0x1  }
0x1d1: {  	v3 =	vmax.f32 v3, v5  }
0x1d2: {  	v3 =	vmul.f32 $1.442695020e+00, v3;
	_ =	sdelay $0x1  }
0x1d3: {  	(erf) = vpow2.f32 v3;
	_ =	sdelay $0x4  }
0x1d4: {  	v2 =	vshll.u32 v2, $0x3;
	_ =	sdelay $0x1  }
0x1d5: {  	v3 =	vor.u32 $0x1, v4  }
0x1d6: {  	v5 =	vor.u32 $0x5, v4  }
0x1d7: {  	v6 =	vpop (erf)  }
0x1d8: {  	[tilespmem:v2+s19+$0x0] =	vst.idx.msk $0xffff, v6  }
0x1d9: {  	[tilespmem:v4+s28+$0x0] =	vst.idx.msk $0xffff, v6  }
0x1da: {  	v6 =	vld.idx.msk [tilespmem:v3+s3+$0x0], $0xffff  }
0x1db: {  	v5 =	vld.idx.msk [tilespmem:v5+s7+$0x0], $0xffff;
	_ =	sdelay $0x4  }
0x1dc: {  	v5 =	vadd.f32 v5, v6;
	_ =	sdelay $0x1  }
0x1dd: {  	v6 =	vmul.f32 $2.000000030e-01, v5;
	_ =	sdelay $0x1  }
0x1de: {  	v5 =	vmax.f32 v5, v6  }
0x1df: {  	v5 =	vmul.f32 $1.442695020e+00, v5;
	_ =	sdelay $0x1  }
0x1e0: {  	(erf) = vpow2.f32 v5;
	_ =	sdelay $0x4  }
0x1e1: {  	v5 =	vor.u32 $0x1, v2;
	_ =	sdelay $0x1  }
0x1e2: {  	v6 =	vor.u32 $0x2, v4  }
0x1e3: {  	v7 =	vor.u32 $0x6, v4  }
0x1e4: {  	v8 =	vpop (erf)  }
0x1e5: {  	[tilespmem:v5+s19+$0x0] =	vst.idx.msk $0xffff, v8  }
0x1e6: {  	[tilespmem:v3+s28+$0x0] =	vst.idx.msk $0xffff, v8  }
0x1e7: {  	v3 =	vld.idx.msk [tilespmem:v6+s3+$0x0], $0xffff  }
0x1e8: {  	v5 =	vld.idx.msk [tilespmem:v7+s7+$0x0], $0xffff;
	_ =	sdelay $0x4  }
0x1e9: {  	v3 =	vadd.f32 v5, v3;
	_ =	sdelay $0x1  }
0x1ea: {  	v5 =	vmul.f32 $2.000000030e-01, v3;
	_ =	sdelay $0x1  }
0x1eb: {  	v3 =	vmax.f32 v3, v5  }
0x1ec: {  	v3 =	vmul.f32 $1.442695020e+00, v3;
	_ =	sdelay $0x1  }
0x1ed: {  	(erf) = vpow2.f32 v3;
	_ =	sdelay $0x4  }
0x1ee: {  	v5 =	vor.u32 $0x2, v2;
	_ =	sdelay $0x1  }
0x1ef: {  	v3 =	vor.u32 $0x3, v4  }
0x1f0: {  	v4 =	vor.u32 $0x7, v4  }
0x1f1: {  	v7 =	vpop (erf)  }
0x1f2: {  	[tilespmem:v5+s19+$0x0] =	vst.idx.msk $0xffff, v7  }
0x1f3: {  	[tilespmem:v6+s28+$0x0] =	vst.idx.msk $0xffff, v7  }
0x1f4: {  	v5 =	vld.idx.msk [tilespmem:v3+s3+$0x0], $0xffff  }
0x1f5: {  	v4 =	vld.idx.msk [tilespmem:v4+s7+$0x0], $0xffff;
	_ =	sdelay $0x4  }
0x1f6: {  	v4 =	vadd.f32 v4, v5;
	_ =	sdelay $0x1  }
0x1f7: {  	v5 =	vmul.f32 $2.000000030e-01, v4;
	_ =	sdelay $0x1  }
0x1f8: {  	v4 =	vmax.f32 v4, v5  }
0x1f9: {  	v5 =	vmul.f32 $1.442695020e+00, v4;
	_ =	sdelay $0x1  }
0x1fa: {  	(erf) = vpow2.f32 v5;
	_ =	sdelay $0x4  }
0x1fb: {  	s26 =	simm.s32 $0x10;
	v5 =	vor.u32 $0x3, v2  }
0x1fc: {  	v4 =	vor.u32 s26, v1  }
0x1fd: {  	s22 =	simm.s32 $0x20;
	v2 =	vshll.u32 v4, $0x4  }
.LBB2_11:
0x1fe: {  	p0 =	sne.s32 s22, $0x40;
	v6 =	vor.u32 $0x4, v2;
	s23 =	smov.u32 s22;
	s22 =	sadd.s32 $0x10, s22  }
0x1ff: {  	v7 =	vpop (erf)  }
0x200: {  	[tilespmem:v5+s19+$0x0] =	vst.idx.msk $0xffff, v7  }
0x201: {  	[tilespmem:v3+s28+$0x0] =	vst.idx.msk $0xffff, v7  }
0x202: {  	v3 =	vld.idx.msk [tilespmem:v2+s3+$0x0], $0xffff  }
0x203: {  	v5 =	vld.idx.msk [tilespmem:v6+s7+$0x0], $0xffff;
	_ =	sdelay $0x5  }
0x204: {  	v3 =	vadd.f32 v5, v3;
	_ =	sdelay $0x1  }
0x205: {  	v5 =	vmul.f32 $2.000000030e-01, v3;
	_ =	sdelay $0x1  }
0x206: {  	v3 =	vmax.f32 v3, v5  }
0x207: {  	v3 =	vmul.f32 $1.442695020e+00, v3;
	_ =	sdelay $0x1  }
0x208: {  	(erf) = vpow2.f32 v3;
	_ =	sdelay $0x4  }
0x209: {  	v4 =	vshll.u32 v4, $0x3;
	_ =	sdelay $0x1  }
0x20a: {  	v5 =	vor.u32 $0x5, v2;
	v3 =	vor.u32 $0x1, v2;
	_ =	sdelay $0x1  }
0x20b: {  	v6 =	vpop (erf)  }
0x20c: {  	[tilespmem:v4+s19+$0x0] =	vst.idx.msk $0xffff, v6  }
0x20d: {  	[tilespmem:v2+s28+$0x0] =	vst.idx.msk $0xffff, v6  }
0x20e: {  	v6 =	vld.idx.msk [tilespmem:v3+s3+$0x0], $0xffff  }
0x20f: {  	v5 =	vld.idx.msk [tilespmem:v5+s7+$0x0], $0xffff;
	_ =	sdelay $0x5  }
0x210: {  	v5 =	vadd.f32 v5, v6;
	_ =	sdelay $0x1  }
0x211: {  	v6 =	vmul.f32 $2.000000030e-01, v5;
	_ =	sdelay $0x1  }
0x212: {  	v5 =	vmax.f32 v5, v6  }
0x213: {  	v5 =	vmul.f32 $1.442695020e+00, v5;
	_ =	sdelay $0x1  }
0x214: {  	(erf) = vpow2.f32 v5;
	_ =	sdelay $0x3  }
0x215: {  	v5 =	vor.u32 $0x1, v4;
	_ =	sdelay $0x2  }
0x216: {  	v7 =	vor.u32 $0x6, v2;
	v6 =	vor.u32 $0x2, v2;
	_ =	sdelay $0x1  }
0x217: {  	v8 =	vpop (erf)  }
0x218: {  	[tilespmem:v5+s19+$0x0] =	vst.idx.msk $0xffff, v8  }
0x219: {  	[tilespmem:v3+s28+$0x0] =	vst.idx.msk $0xffff, v8  }
0x21a: {  	v3 =	vld.idx.msk [tilespmem:v6+s3+$0x0], $0xffff  }
0x21b: {  	v5 =	vld.idx.msk [tilespmem:v7+s7+$0x0], $0xffff;
	_ =	sdelay $0x5  }
0x21c: {  	v3 =	vadd.f32 v5, v3;
	_ =	sdelay $0x1  }
0x21d: {  	v5 =	vmul.f32 $2.000000030e-01, v3;
	_ =	sdelay $0x1  }
0x21e: {  	v3 =	vmax.f32 v3, v5  }
0x21f: {  	v3 =	vmul.f32 $1.442695020e+00, v3;
	_ =	sdelay $0x1  }
0x220: {  	(erf) = vpow2.f32 v3;
	_ =	sdelay $0x2  }
0x221: {  	v5 =	vor.u32 $0x2, v4;
	_ =	sdelay $0x3  }
0x222: {  	v3 =	vor.u32 $0x3, v2;
	v2 =	vor.u32 $0x7, v2;
	_ =	sdelay $0x1  }
0x223: {  	v7 =	vpop (erf)  }
0x224: {  	[tilespmem:v5+s19+$0x0] =	vst.idx.msk $0xffff, v7  }
0x225: {  	[tilespmem:v6+s28+$0x0] =	vst.idx.msk $0xffff, v7  }
0x226: {  	v5 =	vld.idx.msk [tilespmem:v3+s3+$0x0], $0xffff  }
0x227: {  	v2 =	vld.idx.msk [tilespmem:v2+s7+$0x0], $0xffff;
	_ =	sdelay $0x5  }
0x228: {  	v2 =	vadd.f32 v2, v5;
	_ =	sdelay $0x1  }
0x229: {  	v5 =	vmul.f32 $2.000000030e-01, v2;
	_ =	sdelay $0x1  }
0x22a: {  	v2 =	vmax.f32 v2, v5  }
0x22b: {  	v2 =	vmul.f32 $1.442695020e+00, v2;
	_ =	sdelay $0x1  }
0x22c: {  	(erf) = vpow2.f32 v2;
	_ =	sdelay $0x1  }
0x22d: {  	v5 =	vor.u32 $0x3, v4  }
.Ltmp5:
0x22e: {  	(pc) =	sbr.rel @p0 .LBB2_11-.Ltmp5, $3  }
0x22f: {  	_ =	sdelay $0x1  }
0x230: {  	v4 =	vor.u32 s23, v1  }
0x231: {  	v2 =	vshll.u32 v4, $0x4  }
0x232: {  	_ =	sdelay $0x1  }
0x233: {  	v6 =	vor.u32 $0x4, v2  }
0x234: {  	v7 =	vpop (erf)  }
0x235: {  	[tilespmem:v5+s19+$0x0] =	vst.idx.msk $0xffff, v7  }
0x236: {  	[tilespmem:v3+s28+$0x0] =	vst.idx.msk $0xffff, v7  }
0x237: {  	v3 =	vld.idx.msk [tilespmem:v2+s3+$0x0], $0xffff  }
0x238: {  	v5 =	vld.idx.msk [tilespmem:v6+s7+$0x0], $0xffff;
	_ =	sdelay $0x4  }
0x239: {  	v3 =	vadd.f32 v5, v3;
	_ =	sdelay $0x1  }
0x23a: {  	v5 =	vmul.f32 $2.000000030e-01, v3;
	_ =	sdelay $0x1  }
0x23b: {  	v3 =	vmax.f32 v3, v5  }
0x23c: {  	v3 =	vmul.f32 $1.442695020e+00, v3;
	_ =	sdelay $0x1  }
0x23d: {  	(erf) = vpow2.f32 v3;
	_ =	sdelay $0x4  }
0x23e: {  	v3 =	vshll.u32 v4, $0x3;
	_ =	sdelay $0x1  }
0x23f: {  	v55 =	vor.u32 $0x1, v2  }
0x240: {  	v56 =	vor.u32 $0x5, v2  }
0x241: {  	v57 =	vpop (erf)  }
0x242: {  	[tilespmem:v3+s19+$0x0] =	vst.idx.msk $0xffff, v57  }
0x243: {  	[tilespmem:v2+s28+$0x0] =	vst.idx.msk $0xffff, v57  }
0x244: {  	v6 =	vld.idx.msk [tilespmem:v55+s3+$0x0], $0xffff  }
0x245: {  	v5 =	vld.idx.msk [tilespmem:v56+s7+$0x0], $0xffff;
	_ =	sdelay $0x4  }
0x246: {  	v5 =	vadd.f32 v5, v6;
	_ =	sdelay $0x1  }
0x247: {  	v6 =	vmul.f32 $2.000000030e-01, v5;
	_ =	sdelay $0x1  }
0x248: {  	v5 =	vmax.f32 v5, v6  }
0x249: {  	v5 =	vmul.f32 $1.442695020e+00, v5;
	_ =	sdelay $0x1  }
0x24a: {  	(erf) = vpow2.f32 v5;
	_ =	sdelay $0x4  }
0x24b: {  	v58 =	vor.u32 $0x1, v3;
	_ =	sdelay $0x1  }
0x24c: {  	v59 =	vor.u32 $0x2, v2  }
0x24d: {  	v60 =	vor.u32 $0x6, v2  }
0x24e: {  	v8 =	vpop (erf)  }
0x24f: {  	[tilespmem:v58+s19+$0x0] =	vst.idx.msk $0xffff, v8  }
0x250: {  	[tilespmem:v55+s28+$0x0] =	vst.idx.msk $0xffff, v8  }
0x251: {  	v4 =	vld.idx.msk [tilespmem:v59+s3+$0x0], $0xffff  }
0x252: {  	v5 =	vld.idx.msk [tilespmem:v60+s7+$0x0], $0xffff;
	_ =	sdelay $0x4  }
0x253: {  	v4 =	vadd.f32 v5, v4;
	_ =	sdelay $0x1  }
0x254: {  	v5 =	vmul.f32 $2.000000030e-01, v4;
	_ =	sdelay $0x1  }
0x255: {  	v4 =	vmax.f32 v4, v5  }
0x256: {  	v4 =	vmul.f32 $1.442695020e+00, v4;
	_ =	sdelay $0x1  }
0x257: {  	(erf) = vpow2.f32 v4;
	_ =	sdelay $0x4  }
0x258: {  	v61 =	vor.u32 $0x2, v3;
	_ =	sdelay $0x1  }
0x259: {  	v62 =	vor.u32 $0x3, v2  }
0x25a: {  	v2 =	vor.u32 $0x7, v2  }
0x25b: {  	v63 =	vpop (erf)  }
0x25c: {  	[tilespmem:v61+s19+$0x0] =	vst.idx.msk $0xffff, v63  }
0x25d: {  	[tilespmem:v59+s28+$0x0] =	vst.idx.msk $0xffff, v63  }
0x25e: {  	v4 =	vld.idx.msk [tilespmem:v62+s3+$0x0], $0xffff  }
0x25f: {  	v2 =	vld.idx.msk [tilespmem:v2+s7+$0x0], $0xffff;
	_ =	sdelay $0x4  }
0x260: {  	v2 =	vadd.f32 v2, v4;
	_ =	sdelay $0x1  }
0x261: {  	v4 =	vmul.f32 $2.000000030e-01, v2;
	_ =	sdelay $0x1  }
0x262: {  	v2 =	vmax.f32 v2, v4  }
0x263: {  	v2 =	vmul.f32 $1.442695020e+00, v2;
	_ =	sdelay $0x1  }
0x264: {  	(erf) = vpow2.f32 v2;
	_ =	sdelay $0x4  }
0x265: {  	v2 =	vor.u32 $0x3, v3;
	_ =	sdelay $0x3  }
0x266: {  	v3 =	vpop (erf)  }
0x267: {  	[tilespmem:v2+s19+$0x0] =	vst.idx.msk $0xffff, v3  }
0x268: {  	[tilespmem:v62+s28+$0x0] =	vst.idx.msk $0xffff, v3  }
0x269: {  	[spmem:s1] =	stream.indirect.scatter.add.f32 [tilespmem:s28], [sflag:$0x5], $0x10, s31, s2, $0xb8;
	[tilespmem:$0x44C0] =	vst v63  }
0x26a: {  	_ =	swait.ge [sflag:s29], $0x500  }
0x26b: {  	[sflag:s29] =	ssyncset.done $0x0  }
0x26c: {  	s18 =	rddreg [dreg:$0x8];
	[sflag:s29] =	ssyncadd.s32 $0xFFFFFB00  }
0x26d: {  	[hbm4b:s18+s3] =	stream.linear.scatter [tilespmem:s19], [sflag:$0x5], $0x280, $0x38;
	[tilespmem:$0x44C0] =	vst v63  }
0x26e: {  	_ =	swait.ge [sflag:s29], $0x280  }
0x26f: {  	[sflag:s29] =	ssyncset.done $0x0  }
0x270: {  	[sflag:s29] =	ssyncadd.s32 $0xFFFFFD80  }
0x271: {  	s25 =	stileid.u32;
	[bflag:$0x0] =	sbarrier.arrive $0xFFFF  }
0x272: {  	s18 =	sshll.u32 s25, $0x6;
	s22 =	rddreg [dreg:$0x9]  }
0x273: {  	s18 =	sor.u32 $0x1C05, s18;
	s23 =	rddreg [dreg:$0x12]  }
0x274: {  	[hbm:s22], [sflag:s18] =	dma.local [spmem:s23], $0x500  }
0x275: {  	_ =	swait.ge [sflag:s29], $0x500  }
0x276: {  	s21 =	sadd.s32 $0x1, s21;
	s26 =	rddreg [dreg:$0xa]  }
0x277: {  	p0 =	sne.s32 s21, s26  }
.Ltmp6:
0x278: {  	_ = 	snop;
	(pc) =	sbr.rel @p0 .LBB2_1-.Ltmp6, $3  }
0x279: {  	_ =	sdelay $0x1  }
0x27a: {  	[sflag:s29] =	ssyncset.done $0x0  }
0x27b: {  	[sflag:s29] =	ssyncadd.s32 $0xFFFFFB00  }
0x27c: {  	_ =	sfence.sel $0x180000  }
0x27d: {  	[bflag:$0x0] =	sbarrier.arrive $0xFFFF  }
0x27e: {  	_ =	strace $0x90000047  }
0x27f: {  	s0 =	stileid.u32;
	[bflag:$0x2] =	sbarrier.arrive $0xFFFF  }
0x280: {  	p0 =	sne.s32 s0, $0x0;
	s0 =	rddreg [dreg:$0x3]  }
0x281: {  	s0 =	sadd.s32 @!p0 $0x100000, s0  }
0x282: {  	[sflag:s0] =	ssyncadd.tile.s32 @!p0 $0x1;
	_ =	shalt  }
.Lfunc_end2:
_tile_overlayer_lowered:
.L_overlay_start_2:
0x283: {  	(tag) =	ssettag $0x2  }
0x284: {  	s0 =	rddreg [dreg:$0x0];
	s2 =	stileid.u32  }
0x285: {  	s1 =	rddreg [dreg:$0x1];
	p0 =	sne.s32 s2, $0x0  }
0x286: {  	s3 =	rddreg [dreg:$0x2];
	[bflag:$0x3] =	sbarrier.arrive $0xFFFF;
	s2 =	simm.s32 @!p0 $0x1C05  }
0x287: {  	[timem:s3], [sflag:s2] =	dma.local @!p0 [hbm:s0], s1  }
0x288: {  	s0 =	simm.s32 @!p0 $0x5  }
0x289: {  	_ =	swait.ge @!p0 [sflag:s0], s1  }
0x28a: {  	s1 =	ssub.s32 @!p0 $0x0, s1;
	[sflag:s0] =	ssyncset.done @!p0 $0x0  }
0x28b: {  	[sflag:s0] =	ssyncadd.s32 @!p0 s1  }
0x28c: {  	[bflag:$0x3] =	sbarrier.arrive $0xFFFF  }
0x28d: {  	_ =	shalt  }

</sc_bundles>
